<compile_context>
chip_gen: v7x
topology: tpu7x:2x2x1
jax: 0.10.2.dev20260603
libtpu: 0.0.44.dev20260713+nightly
codegen_flags: <defaults>
</compile_context>

<pallas_src>
import functools

import jax
import jax.numpy as jnp
from jax import lax
from jax.experimental import pallas as pl
from jax.experimental.pallas import tpu as pltpu
from jax.experimental.pallas import tpu_sc as plsc

N = 10000
D = 128
STEPS = 4
E = 320000
NSEL = 2000

NC = 2
NS = 16
NW = NC * NS

N_PAD = 10240
B = 2048
GRID = N_PAD // B

CH = 128
NCH = 80
E_PAD = NW * NCH * CH
RPS = N_PAD // NS
RCH = 128
NRC = RPS // RCH

SEL_PAD = 2048
SPW = SEL_PAD // NW

@functools.cache
def _mesh():
    return plsc.VectorSubcoreMesh(core_axis_name="c", subcore_axis_name="s",
                                  num_cores=NC, num_subcores=NS)



def _segsum_body(src_hbm, dst_hbm, m_hbm, z_hbm, out_hbm,
                 src_v, dst_v, buf_b, agg_sh, sem):
    c = lax.axis_index("c")
    s = lax.axis_index("s")
    wid = c * NS + s
    pltpu.sync_copy(src_hbm.at[wid], src_v)
    pltpu.sync_copy(dst_hbm.at[wid], dst_v)
    pltpu.sync_copy(z_hbm, buf_b)
    row0 = s * RPS

    def zbody(j, carry):
        pltpu.sync_copy(buf_b, agg_sh.at[pl.ds(row0 + j * RCH, RCH)])
        return carry

    lax.fori_loop(0, NRC, zbody, 0)
    plsc.subcore_barrier()

    def ebody(g, carry):
        pltpu.async_copy(m_hbm.at[src_v.at[g]], buf_b, sem).wait()
        pltpu.sync_copy(buf_b, agg_sh.at[dst_v.at[g]], add=True)
        return carry

    lax.fori_loop(0, NCH, ebody, 0)
    plsc.subcore_barrier()

    def obody(j, carry):
        r = row0 + j * RCH
        pltpu.sync_copy(agg_sh.at[pl.ds(r, RCH)], buf_b)
        pltpu.sync_copy(buf_b, out_hbm.at[c, pl.ds(r, RCH)])
        return carry

    lax.fori_loop(0, NRC, obody, 0)


@functools.cache
def _segsum_call():
    return pl.kernel(
        _segsum_body,
        out_type=jax.ShapeDtypeStruct((NC, N_PAD, D), jnp.float32),
        mesh=_mesh(),
        scratch_types=[
            pltpu.VMEM((NCH, CH), jnp.int32),
            pltpu.VMEM((NCH, CH), jnp.int32),
            pltpu.VMEM((CH, D), jnp.float32),
            pltpu.VMEM_SHARED((N_PAD, D), jnp.float32),
            pltpu.SemaphoreType.DMA,
        ],
    )


def _gather_body(h_hbm, idx_hbm, out_hbm, idx_v, rows_v, sem):
    c = lax.axis_index("c")
    s = lax.axis_index("s")
    wid = c * NS + s
    pltpu.sync_copy(idx_hbm.at[wid], idx_v)
    pltpu.async_copy(h_hbm.at[idx_v], rows_v, sem).wait()
    pltpu.sync_copy(rows_v, out_hbm.at[pl.ds(wid * SPW, SPW)])


@functools.cache
def _gather_call():
    return pl.kernel(
        _gather_body,
        out_type=jax.ShapeDtypeStruct((SEL_PAD, D), jnp.float32),
        mesh=_mesh(),
        scratch_types=[
            pltpu.VMEM((SPW,), jnp.int32),
            pltpu.VMEM((SPW, D), jnp.float32),
            pltpu.SemaphoreType.DMA,
        ],
    )



def _init_body(x_ref, wr_ref, br_ref, wc_ref, h_ref, m_ref):
    h = jnp.dot(x_ref[...], wr_ref[...],
                preferred_element_type=jnp.float32) + br_ref[...]
    h_ref[...] = h
    m_ref[...] = jnp.dot(h, wc_ref[...], preferred_element_type=jnp.float32)


def _init_call(x, wr, br, wc):
    return pl.pallas_call(
        _init_body,
        grid=(GRID,),
        in_specs=[
            pl.BlockSpec((B, D), lambda i: (i, 0)),
            pl.BlockSpec((D, D), lambda i: (0, 0)),
            pl.BlockSpec((1, D), lambda i: (0, 0)),
            pl.BlockSpec((D, D), lambda i: (0, 0)),
        ],
        out_specs=[
            pl.BlockSpec((B, D), lambda i: (i, 0)),
            pl.BlockSpec((B, D), lambda i: (i, 0)),
        ],
        out_shape=[
            jax.ShapeDtypeStruct((N_PAD, D), jnp.float32),
            jax.ShapeDtypeStruct((N_PAD, D), jnp.float32),
        ],
    )(x, wr, br, wc)


def _gru_body(agg_ref, h_ref, wi_ref, wh_ref, bi_ref, bh_ref, wc_ref,
              hn_ref, mn_ref):
    agg = agg_ref[0] + agg_ref[1]
    h = h_ref[...]
    gi = jnp.dot(agg, wi_ref[...],
                 preferred_element_type=jnp.float32) + bi_ref[...]
    gh = jnp.dot(h, wh_ref[...],
                 preferred_element_type=jnp.float32) + bh_ref[...]
    r = jax.nn.sigmoid(gi[:, :D] + gh[:, :D])
    z = jax.nn.sigmoid(gi[:, D:2 * D] + gh[:, D:2 * D])
    n = jnp.tanh(gi[:, 2 * D:] + r * gh[:, 2 * D:])
    hn = (1.0 - z) * n + z * h
    hn_ref[...] = hn
    mn_ref[...] = jnp.dot(hn, wc_ref[...], preferred_element_type=jnp.float32)


def _gru_call(aggs, h, wi, wh, bi, bh, wc):
    return pl.pallas_call(
        _gru_body,
        grid=(GRID,),
        in_specs=[
            pl.BlockSpec((NC, B, D), lambda i: (0, i, 0)),
            pl.BlockSpec((B, D), lambda i: (i, 0)),
            pl.BlockSpec((D, 3 * D), lambda i: (0, 0)),
            pl.BlockSpec((D, 3 * D), lambda i: (0, 0)),
            pl.BlockSpec((1, 3 * D), lambda i: (0, 0)),
            pl.BlockSpec((1, 3 * D), lambda i: (0, 0)),
            pl.BlockSpec((D, D), lambda i: (0, 0)),
        ],
        out_specs=[
            pl.BlockSpec((B, D), lambda i: (i, 0)),
            pl.BlockSpec((B, D), lambda i: (i, 0)),
        ],
        out_shape=[
            jax.ShapeDtypeStruct((N_PAD, D), jnp.float32),
            jax.ShapeDtypeStruct((N_PAD, D), jnp.float32),
        ],
    )(aggs, h, wi, wh, bi, bh, wc)


def _tail_body(sel_ref, wl_ref, bl_ref, o_ref):
    o_ref[...] = jax.nn.sigmoid(
        jnp.dot(sel_ref[...], wl_ref[...],
                preferred_element_type=jnp.float32) + bl_ref[...])


def _tail_call(sel, wl, bl):
    return pl.pallas_call(
        _tail_body,
        out_shape=jax.ShapeDtypeStruct((SEL_PAD, 1), jnp.float32),
    )(sel, wl, bl)



def kernel(x, edge_index, idx, W_red, b_red, W_conv, W_ih, W_hh,
           b_ih, b_hh, W_lin, b_lin):
    f32 = jnp.float32
    x_p = jnp.zeros((N_PAD, D), f32).at[:N].set(x.astype(f32))
    src = edge_index[0].astype(jnp.int32)
    dst = edge_index[1].astype(jnp.int32)
    src_p = jnp.zeros((E_PAD,), jnp.int32).at[:E].set(src).reshape(NW, NCH, CH)
    dst_p = jnp.full((E_PAD,), N, jnp.int32).at[:E].set(dst).reshape(NW, NCH, CH)
    idx_p = (jnp.zeros((SEL_PAD,), jnp.int32)
             .at[:NSEL].set(idx.astype(jnp.int32)).reshape(NW, SPW))
    zeros_blk = jnp.zeros((RCH, D), f32)

    wr = W_red.T.astype(f32)
    br = b_red.reshape(1, D).astype(f32)
    wi = W_ih.T.astype(f32)
    wh = W_hh.T.astype(f32)
    bi = b_ih.reshape(1, 3 * D).astype(f32)
    bh = b_hh.reshape(1, 3 * D).astype(f32)

    h, m = _init_call(x_p, wr, br, W_conv[0].astype(f32))
    for i in range(STEPS):
        aggs = _segsum_call()(src_p, dst_p, m, zeros_blk)
        h, m = _gru_call(aggs, h, wi, wh, bi, bh,
                         W_conv[(i + 1) % STEPS].astype(f32))
    sel = _gather_call()(h, idx_p)
    out = _tail_call(sel, W_lin.T.astype(f32), b_lin.reshape(1, 1).astype(f32))
    return out[:NSEL]

# --- scband reference (transcript-rebuilt; emitter-appended) ---
"""Pipeline reference for scband-net-37271726195388 (READ-ONLY COPY).

The authoritative reference and input builder live on the scoring server;
editing this copy changes nothing except your own understanding.
"""

import jax, jax.numpy as jnp
import numpy as np

N = 10000      # n_nodes
E = 320000     # n_edges
D = 128        # hidden size (== annotation size here)
STEPS = 4      # num_timesteps
NSEL = 2000    # number of selected branch nodes (filtered source_nodes)


def setup_inputs(seed: int = 0) -> dict:
    key = jax.random.key(seed)
    ks = jax.random.split(key, 12)
    s = 1.0 / np.sqrt(D)
    x = jax.random.normal(ks[0], (N, D), dtype=jnp.float32)
    edge_index = jax.random.randint(ks[1], (2, E), 0, N)
    idx = jax.random.randint(ks[2], (NSEL,), 0, N)
    # nn.Linear(annotation_size, hidden_size)
    W_red = jax.random.uniform(ks[3], (D, D), dtype=jnp.float32, minval=-s, maxval=s)
    b_red = jax.random.uniform(ks[4], (D,), dtype=jnp.float32, minval=-s, maxval=s)
    # GatedGraphConv per-step weight [STEPS, D, D]
    W_conv = jax.random.uniform(ks[5], (STEPS, D, D), dtype=jnp.float32, minval=-s, maxval=s)
    # shared GRUCell(D, D)
    W_ih = jax.random.uniform(ks[6], (3 * D, D), dtype=jnp.float32, minval=-s, maxval=s)
    W_hh = jax.random.uniform(ks[7], (3 * D, D), dtype=jnp.float32, minval=-s, maxval=s)
    b_ih = jax.random.uniform(ks[8], (3 * D,), dtype=jnp.float32, minval=-s, maxval=s)
    b_hh = jax.random.uniform(ks[9], (3 * D,), dtype=jnp.float32, minval=-s, maxval=s)
    # nn.Linear(hidden_size, 1)
    W_lin = jax.random.uniform(ks[10], (1, D), dtype=jnp.float32, minval=-s, maxval=s)
    b_lin = jax.random.uniform(ks[11], (1,), dtype=jnp.float32, minval=-s, maxval=s)
    return {"x": x, "edge_index": edge_index, "idx": idx, "W_red": W_red,
            "b_red": b_red, "W_conv": W_conv, "W_ih": W_ih, "W_hh": W_hh,
            "b_ih": b_ih, "b_hh": b_hh, "W_lin": W_lin, "b_lin": b_lin}


def reference(x, edge_index, idx, W_red, b_red, W_conv, W_ih, W_hh, b_ih, b_hh, W_lin, b_lin):
    # reduce: Linear(annotation_size -> hidden_size)
    h = x @ W_red.T + b_red
    src = edge_index[0]
    dst = edge_index[1]
    # GatedGraphConv: per step, m = h @ W[i]; aggregate messages (scatter-add src->dst); GRUCell update
    for i in range(STEPS):
        m = h @ W_conv[i]
        agg = jax.ops.segment_sum(m[src], dst, num_segments=N)
        gi = agg @ W_ih.T + b_ih
        gh = h @ W_hh.T + b_hh
        i_r, i_z, i_n = jnp.split(gi, 3, axis=1)
        h_r, h_z, h_n = jnp.split(gh, 3, axis=1)
        r = jax.nn.sigmoid(i_r + h_r)
        z = jax.nn.sigmoid(i_z + h_z)
        n = jnp.tanh(i_n + r * h_n)
        h = (1.0 - z) * n + z * h
    # index_select on branch node indices
    sel = jnp.take(h, idx, axis=0)
    # lin + sigmoid
    return jax.nn.sigmoid(sel @ W_lin.T + b_lin)

if __name__ == "__main__":
    import jax
    _d = setup_inputs()
    print(jax.jit(kernel)(*tuple(_d.values())))

</pallas_src>

<mosaic_0001>
#map = affine_map<(d0, d1) -> (0, 0, 0)>
#map1 = affine_map<(d0, d1) -> (0, 0)>
module attributes {stable_mosaic.version = 14 : i64} {
  func.func @_segsum_body(%arg0: i32, %arg1: i32, %arg2: memref<32x80x128xi32, #tpu.memory_space<hbm>>, %arg3: memref<32x80x128xi32, #tpu.memory_space<hbm>>, %arg4: memref<10240x128xf32, #tpu.memory_space<hbm>>, %arg5: memref<128x128xf32, #tpu.memory_space<hbm>>, %arg6: memref<2x10240x128xf32, #tpu.memory_space<hbm>>, %arg7: memref<80x128xi32, #tpu.memory_space<vmem>>, %arg8: memref<80x128xi32, #tpu.memory_space<vmem>>, %arg9: memref<128x128xf32, #tpu.memory_space<vmem>>, %arg10: memref<10240x128xf32, #tpu.memory_space<vmem_shared>>, %arg11: memref<!tpu.dma_semaphore, #tpu.memory_space<semaphore_mem>>) attributes {dimension_semantics = [#tpu.dimension_semantics<core_parallel>, #tpu.dimension_semantics<subcore_parallel>], iteration_bounds = array<i64: 2, 16>, scalar_prefetch = 0 : i64, scratch_operands = 5 : i64, tpu.core_type = #tpu.core_type<sc_vector_subcore>, window_params = [{transform_indices = #map}, {transform_indices = #map}, {transform_indices = #map1}, {transform_indices = #map1}, {transform_indices = #map}]} {
    %mul3A = arith.constant 16 : i32
    %mul3A_0 = arith.muli %arg0, %mul3A : i32
    %add3A = arith.addi %mul3A_0, %arg1 : i32
    "tpu.region"() ({
      %run_scoped3A = tpu.sem_alloc : memref<!tpu.dma_semaphore, #tpu.memory_space<semaphore_mem>>
      %dma_start3A = arith.constant 0 : i32
      %dma_start3A_21 = arith.constant 0 : i32
      %dma_start3A_22 = tpu.memref_slice %arg2[%add3A, %dma_start3A, %dma_start3A_21] : memref<32x80x128xi32, #tpu.memory_space<hbm>> -> memref<1x80x128xi32, #tpu.memory_space<hbm>>
      %dma_start3A_23 = tpu.memref_squeeze %dma_start3A_22 : memref<1x80x128xi32, #tpu.memory_space<hbm>> -> memref<80x128xi32, #tpu.memory_space<hbm>>
      %dma_start3A_24 = arith.constant 0 : i32
      %dma_start3A_25 = arith.constant 0 : i32
      %dma_start3A_26 = tpu.memref_slice %arg2[%add3A, %dma_start3A_24, %dma_start3A_25] : memref<32x80x128xi32, #tpu.memory_space<hbm>> -> memref<1x80x128xi32, #tpu.memory_space<hbm>>
      %dma_start3A_27 = tpu.memref_squeeze %dma_start3A_26 : memref<1x80x128xi32, #tpu.memory_space<hbm>> -> memref<80x128xi32, #tpu.memory_space<hbm>>
      tpu.enqueue_dma source(%dma_start3A_27 : memref<80x128xi32, #tpu.memory_space<hbm>>) target(%arg7 : memref<80x128xi32, #tpu.memory_space<vmem>>) target_semaphore(%run_scoped3A : memref<!tpu.dma_semaphore, #tpu.memory_space<semaphore_mem>>)
      %dma_wait3A = arith.constant 0 : i32
      %dma_wait3A_28 = arith.constant 0 : i32
      %dma_wait3A_29 = tpu.memref_slice %arg2[%add3A, %dma_wait3A, %dma_wait3A_28] : memref<32x80x128xi32, #tpu.memory_space<hbm>> -> memref<1x80x128xi32, #tpu.memory_space<hbm>>
      %dma_wait3A_30 = tpu.memref_squeeze %dma_wait3A_29 : memref<1x80x128xi32, #tpu.memory_space<hbm>> -> memref<80x128xi32, #tpu.memory_space<hbm>>
      %dma_wait3A_31 = arith.constant 0 : i32
      %dma_wait3A_32 = arith.constant 0 : i32
      %dma_wait3A_33 = tpu.memref_slice %arg2[%add3A, %dma_wait3A_31, %dma_wait3A_32] : memref<32x80x128xi32, #tpu.memory_space<hbm>> -> memref<1x80x128xi32, #tpu.memory_space<hbm>>
      %dma_wait3A_34 = tpu.memref_squeeze %dma_wait3A_33 : memref<1x80x128xi32, #tpu.memory_space<hbm>> -> memref<80x128xi32, #tpu.memory_space<hbm>>
      tpu.wait_dma2 semaphore(%run_scoped3A : memref<!tpu.dma_semaphore, #tpu.memory_space<semaphore_mem>>) src(%dma_wait3A_34 : memref<80x128xi32, #tpu.memory_space<hbm>>) dst(%arg7 : memref<80x128xi32, #tpu.memory_space<vmem>>)
      tpu.yield
    }) : () -> ()
    "tpu.region"() ({
      %run_scoped3A = tpu.sem_alloc : memref<!tpu.dma_semaphore, #tpu.memory_space<semaphore_mem>>
      %dma_start3A = arith.constant 0 : i32
      %dma_start3A_21 = arith.constant 0 : i32
      %dma_start3A_22 = tpu.memref_slice %arg3[%add3A, %dma_start3A, %dma_start3A_21] : memref<32x80x128xi32, #tpu.memory_space<hbm>> -> memref<1x80x128xi32, #tpu.memory_space<hbm>>
      %dma_start3A_23 = tpu.memref_squeeze %dma_start3A_22 : memref<1x80x128xi32, #tpu.memory_space<hbm>> -> memref<80x128xi32, #tpu.memory_space<hbm>>
      %dma_start3A_24 = arith.constant 0 : i32
      %dma_start3A_25 = arith.constant 0 : i32
      %dma_start3A_26 = tpu.memref_slice %arg3[%add3A, %dma_start3A_24, %dma_start3A_25] : memref<32x80x128xi32, #tpu.memory_space<hbm>> -> memref<1x80x128xi32, #tpu.memory_space<hbm>>
      %dma_start3A_27 = tpu.memref_squeeze %dma_start3A_26 : memref<1x80x128xi32, #tpu.memory_space<hbm>> -> memref<80x128xi32, #tpu.memory_space<hbm>>
      tpu.enqueue_dma source(%dma_start3A_27 : memref<80x128xi32, #tpu.memory_space<hbm>>) target(%arg8 : memref<80x128xi32, #tpu.memory_space<vmem>>) target_semaphore(%run_scoped3A : memref<!tpu.dma_semaphore, #tpu.memory_space<semaphore_mem>>)
      %dma_wait3A = arith.constant 0 : i32
      %dma_wait3A_28 = arith.constant 0 : i32
      %dma_wait3A_29 = tpu.memref_slice %arg3[%add3A, %dma_wait3A, %dma_wait3A_28] : memref<32x80x128xi32, #tpu.memory_space<hbm>> -> memref<1x80x128xi32, #tpu.memory_space<hbm>>
      %dma_wait3A_30 = tpu.memref_squeeze %dma_wait3A_29 : memref<1x80x128xi32, #tpu.memory_space<hbm>> -> memref<80x128xi32, #tpu.memory_space<hbm>>
      %dma_wait3A_31 = arith.constant 0 : i32
      %dma_wait3A_32 = arith.constant 0 : i32
      %dma_wait3A_33 = tpu.memref_slice %arg3[%add3A, %dma_wait3A_31, %dma_wait3A_32] : memref<32x80x128xi32, #tpu.memory_space<hbm>> -> memref<1x80x128xi32, #tpu.memory_space<hbm>>
      %dma_wait3A_34 = tpu.memref_squeeze %dma_wait3A_33 : memref<1x80x128xi32, #tpu.memory_space<hbm>> -> memref<80x128xi32, #tpu.memory_space<hbm>>
      tpu.wait_dma2 semaphore(%run_scoped3A : memref<!tpu.dma_semaphore, #tpu.memory_space<semaphore_mem>>) src(%dma_wait3A_34 : memref<80x128xi32, #tpu.memory_space<hbm>>) dst(%arg8 : memref<80x128xi32, #tpu.memory_space<vmem>>)
      tpu.yield
    }) : () -> ()
    "tpu.region"() ({
      %run_scoped3A = tpu.sem_alloc : memref<!tpu.dma_semaphore, #tpu.memory_space<semaphore_mem>>
      tpu.enqueue_dma source(%arg5 : memref<128x128xf32, #tpu.memory_space<hbm>>) target(%arg9 : memref<128x128xf32, #tpu.memory_space<vmem>>) target_semaphore(%run_scoped3A : memref<!tpu.dma_semaphore, #tpu.memory_space<semaphore_mem>>)
      tpu.wait_dma2 semaphore(%run_scoped3A : memref<!tpu.dma_semaphore, #tpu.memory_space<semaphore_mem>>) src(%arg5 : memref<128x128xf32, #tpu.memory_space<hbm>>) dst(%arg9 : memref<128x128xf32, #tpu.memory_space<vmem>>)
      tpu.yield
    }) : () -> ()
    %mul3A_1 = arith.constant 640 : i32
    %mul3A_2 = arith.muli %arg1, %mul3A_1 : i32
    %scan3A = arith.constant 0 : i32
    %scan3A_3 = arith.constant 0 : i32
    %scan3A_4 = arith.constant 5 : i32
    %scan3A_5 = arith.addi %scan3A_3, %scan3A_4 : i32
    %scan3A_6 = arith.constant 1 : i32
    scf.for %scan3A_21 = %scan3A_3 to %scan3A_5 step %scan3A_6  : i32 {
      %mul3A_22 = arith.constant 128 : i32
      %mul3A_23 = arith.muli %scan3A_21, %mul3A_22 : i32
      %add3A_24 = arith.addi %mul3A_2, %mul3A_23 : i32
      "tpu.region"() ({
        %run_scoped3A = tpu.sem_alloc : memref<!tpu.dma_semaphore, #tpu.memory_space<semaphore_mem>>
        %dma_start3A = arith.constant 0 : i32
        %dma_start3A_25 = tpu.memref_slice %arg10[%add3A_24, %dma_start3A] : memref<10240x128xf32, #tpu.memory_space<vmem_shared>> -> memref<128x128xf32, #tpu.memory_space<vmem_shared>>
        %dma_start3A_26 = arith.constant 0 : i32
        %dma_start3A_27 = tpu.memref_slice %arg10[%add3A_24, %dma_start3A_26] : memref<10240x128xf32, #tpu.memory_space<vmem_shared>> -> memref<128x128xf32, #tpu.memory_space<vmem_shared>>
        tpu.enqueue_dma source(%arg9 : memref<128x128xf32, #tpu.memory_space<vmem>>) target(%dma_start3A_27 : memref<128x128xf32, #tpu.memory_space<vmem_shared>>) target_semaphore(%run_scoped3A : memref<!tpu.dma_semaphore, #tpu.memory_space<semaphore_mem>>)
        %dma_wait3A = arith.constant 0 : i32
        %dma_wait3A_28 = tpu.memref_slice %arg10[%add3A_24, %dma_wait3A] : memref<10240x128xf32, #tpu.memory_space<vmem_shared>> -> memref<128x128xf32, #tpu.memory_space<vmem_shared>>
        %dma_wait3A_29 = arith.constant 0 : i32
        %dma_wait3A_30 = tpu.memref_slice %arg10[%add3A_24, %dma_wait3A_29] : memref<10240x128xf32, #tpu.memory_space<vmem_shared>> -> memref<128x128xf32, #tpu.memory_space<vmem_shared>>
        tpu.wait_dma2 semaphore(%run_scoped3A : memref<!tpu.dma_semaphore, #tpu.memory_space<semaphore_mem>>) src(%arg9 : memref<128x128xf32, #tpu.memory_space<vmem>>) dst(%dma_wait3A_30 : memref<128x128xf32, #tpu.memory_space<vmem_shared>>)
        tpu.yield
      }) : () -> ()
    }
    %scan3A_7 = arith.constant 5 : i32
    %barrier3A = arith.constant 0 : index
    tpu.barrier barrier_id(%barrier3A)
    %scan3A_8 = arith.constant 0 : i32
    %scan3A_9 = arith.constant 0 : i32
    %scan3A_10 = arith.constant 80 : i32
    %scan3A_11 = arith.addi %scan3A_9, %scan3A_10 : i32
    %scan3A_12 = arith.constant 1 : i32
    scf.for %scan3A_21 = %scan3A_9 to %scan3A_11 step %scan3A_12  : i32 {
      %dma_start3A = arith.constant 0 : i32
      %dma_start3A_22 = tpu.memref_slice %arg7[%scan3A_21, %dma_start3A] : memref<80x128xi32, #tpu.memory_space<vmem>> -> memref<1x128xi32, #tpu.memory_space<vmem>>
      %dma_start3A_23 = tpu.memref_squeeze %dma_start3A_22 : memref<1x128xi32, #tpu.memory_space<vmem>> -> memref<128xi32, #tpu.memory_space<vmem>>
      %dma_start3A_24 = arith.constant 0 : i32
      %dma_start3A_25 = arith.constant 0 : i32
      %dma_start3A_26 = tpu.memref_slice %arg4[%dma_start3A_24, %dma_start3A_25] : memref<10240x128xf32, #tpu.memory_space<hbm>> -> memref<10240x128xf32, #tpu.memory_space<hbm>>
      tpu.enqueue_indirect_dma source(%dma_start3A_26 : memref<10240x128xf32, #tpu.memory_space<hbm>>) target(%arg9 : memref<128x128xf32, #tpu.memory_space<vmem>>) offsets(%dma_start3A_23 : memref<128xi32, #tpu.memory_space<vmem>>) semaphore(%arg11 : memref<!tpu.dma_semaphore, #tpu.memory_space<semaphore_mem>>)
      %dma_wait3A = arith.constant 0 : i32
      %dma_wait3A_27 = tpu.memref_slice %arg7[%scan3A_21, %dma_wait3A] : memref<80x128xi32, #tpu.memory_space<vmem>> -> memref<1x128xi32, #tpu.memory_space<vmem>>
      %dma_wait3A_28 = tpu.memref_squeeze %dma_wait3A_27 : memref<1x128xi32, #tpu.memory_space<vmem>> -> memref<128xi32, #tpu.memory_space<vmem>>
      %dma_wait3A_29 = arith.constant 0 : i32
      %dma_wait3A_30 = arith.constant 0 : i32
      %dma_wait3A_31 = tpu.memref_slice %arg4[%dma_wait3A_29, %dma_wait3A_30] : memref<10240x128xf32, #tpu.memory_space<hbm>> -> memref<10240x128xf32, #tpu.memory_space<hbm>>
      tpu.wait_indirect_dma semaphore(%arg11 : memref<!tpu.dma_semaphore, #tpu.memory_space<semaphore_mem>>) src(%dma_wait3A_31 : memref<10240x128xf32, #tpu.memory_space<hbm>>) dst(%arg9 : memref<128x128xf32, #tpu.memory_space<vmem>>)
      "tpu.region"() ({
        %run_scoped3A = tpu.sem_alloc : memref<!tpu.dma_semaphore, #tpu.memory_space<semaphore_mem>>
        %dma_start3A_32 = arith.constant 0 : i32
        %dma_start3A_33 = tpu.memref_slice %arg8[%scan3A_21, %dma_start3A_32] : memref<80x128xi32, #tpu.memory_space<vmem>> -> memref<1x128xi32, #tpu.memory_space<vmem>>
        %dma_start3A_34 = tpu.memref_squeeze %dma_start3A_33 : memref<1x128xi32, #tpu.memory_space<vmem>> -> memref<128xi32, #tpu.memory_space<vmem>>
        %dma_start3A_35 = arith.constant 0 : i32
        %dma_start3A_36 = arith.constant 0 : i32
        %dma_start3A_37 = tpu.memref_slice %arg10[%dma_start3A_35, %dma_start3A_36] : memref<10240x128xf32, #tpu.memory_space<vmem_shared>> -> memref<10240x128xf32, #tpu.memory_space<vmem_shared>>
        tpu.enqueue_indirect_dma source(%arg9 : memref<128x128xf32, #tpu.memory_space<vmem>>) target(%dma_start3A_37 : memref<10240x128xf32, #tpu.memory_space<vmem_shared>>) offsets(%dma_start3A_34 : memref<128xi32, #tpu.memory_space<vmem>>) semaphore(%run_scoped3A : memref<!tpu.dma_semaphore, #tpu.memory_space<semaphore_mem>>) {add = true}
        %dma_wait3A_38 = arith.constant 0 : i32
        %dma_wait3A_39 = tpu.memref_slice %arg8[%scan3A_21, %dma_wait3A_38] : memref<80x128xi32, #tpu.memory_space<vmem>> -> memref<1x128xi32, #tpu.memory_space<vmem>>
        %dma_wait3A_40 = tpu.memref_squeeze %dma_wait3A_39 : memref<1x128xi32, #tpu.memory_space<vmem>> -> memref<128xi32, #tpu.memory_space<vmem>>
        %dma_wait3A_41 = arith.constant 0 : i32
        %dma_wait3A_42 = arith.constant 0 : i32
        %dma_wait3A_43 = tpu.memref_slice %arg10[%dma_wait3A_41, %dma_wait3A_42] : memref<10240x128xf32, #tpu.memory_space<vmem_shared>> -> memref<10240x128xf32, #tpu.memory_space<vmem_shared>>
        tpu.wait_indirect_dma semaphore(%run_scoped3A : memref<!tpu.dma_semaphore, #tpu.memory_space<semaphore_mem>>) src(%arg9 : memref<128x128xf32, #tpu.memory_space<vmem>>) dst(%dma_wait3A_43 : memref<10240x128xf32, #tpu.memory_space<vmem_shared>>)
        tpu.yield
      }) : () -> ()
    }
    %scan3A_13 = arith.constant 80 : i32
    %barrier3A_14 = arith.constant 0 : index
    tpu.barrier barrier_id(%barrier3A_14)
    %scan3A_15 = arith.constant 0 : i32
    %scan3A_16 = arith.constant 0 : i32
    %scan3A_17 = arith.constant 5 : i32
    %scan3A_18 = arith.addi %scan3A_16, %scan3A_17 : i32
    %scan3A_19 = arith.constant 1 : i32
    scf.for %scan3A_21 = %scan3A_16 to %scan3A_18 step %scan3A_19  : i32 {
      %mul3A_22 = arith.constant 128 : i32
      %mul3A_23 = arith.muli %scan3A_21, %mul3A_22 : i32
      %add3A_24 = arith.addi %mul3A_2, %mul3A_23 : i32
      "tpu.region"() ({
        %run_scoped3A = tpu.sem_alloc : memref<!tpu.dma_semaphore, #tpu.memory_space<semaphore_mem>>
        %dma_start3A = arith.constant 0 : i32
        %dma_start3A_25 = tpu.memref_slice %arg10[%add3A_24, %dma_start3A] : memref<10240x128xf32, #tpu.memory_space<vmem_shared>> -> memref<128x128xf32, #tpu.memory_space<vmem_shared>>
        %dma_start3A_26 = arith.constant 0 : i32
        %dma_start3A_27 = tpu.memref_slice %arg10[%add3A_24, %dma_start3A_26] : memref<10240x128xf32, #tpu.memory_space<vmem_shared>> -> memref<128x128xf32, #tpu.memory_space<vmem_shared>>
        tpu.enqueue_dma source(%dma_start3A_27 : memref<128x128xf32, #tpu.memory_space<vmem_shared>>) target(%arg9 : memref<128x128xf32, #tpu.memory_space<vmem>>) target_semaphore(%run_scoped3A : memref<!tpu.dma_semaphore, #tpu.memory_space<semaphore_mem>>)
        %dma_wait3A = arith.constant 0 : i32
        %dma_wait3A_28 = tpu.memref_slice %arg10[%add3A_24, %dma_wait3A] : memref<10240x128xf32, #tpu.memory_space<vmem_shared>> -> memref<128x128xf32, #tpu.memory_space<vmem_shared>>
        %dma_wait3A_29 = arith.constant 0 : i32
        %dma_wait3A_30 = tpu.memref_slice %arg10[%add3A_24, %dma_wait3A_29] : memref<10240x128xf32, #tpu.memory_space<vmem_shared>> -> memref<128x128xf32, #tpu.memory_space<vmem_shared>>
        tpu.wait_dma2 semaphore(%run_scoped3A : memref<!tpu.dma_semaphore, #tpu.memory_space<semaphore_mem>>) src(%dma_wait3A_30 : memref<128x128xf32, #tpu.memory_space<vmem_shared>>) dst(%arg9 : memref<128x128xf32, #tpu.memory_space<vmem>>)
        tpu.yield
      }) : () -> ()
      "tpu.region"() ({
        %run_scoped3A = tpu.sem_alloc : memref<!tpu.dma_semaphore, #tpu.memory_space<semaphore_mem>>
        %dma_start3A = arith.constant 0 : i32
        %dma_start3A_25 = tpu.memref_slice %arg6[%arg0, %add3A_24, %dma_start3A] : memref<2x10240x128xf32, #tpu.memory_space<hbm>> -> memref<1x128x128xf32, #tpu.memory_space<hbm>>
        %dma_start3A_26 = tpu.memref_squeeze %dma_start3A_25 : memref<1x128x128xf32, #tpu.memory_space<hbm>> -> memref<128x128xf32, #tpu.memory_space<hbm>>
        %dma_start3A_27 = arith.constant 0 : i32
        %dma_start3A_28 = tpu.memref_slice %arg6[%arg0, %add3A_24, %dma_start3A_27] : memref<2x10240x128xf32, #tpu.memory_space<hbm>> -> memref<1x128x128xf32, #tpu.memory_space<hbm>>
        %dma_start3A_29 = tpu.memref_squeeze %dma_start3A_28 : memref<1x128x128xf32, #tpu.memory_space<hbm>> -> memref<128x128xf32, #tpu.memory_space<hbm>>
        tpu.enqueue_dma source(%arg9 : memref<128x128xf32, #tpu.memory_space<vmem>>) target(%dma_start3A_29 : memref<128x128xf32, #tpu.memory_space<hbm>>) target_semaphore(%run_scoped3A : memref<!tpu.dma_semaphore, #tpu.memory_space<semaphore_mem>>)
        %dma_wait3A = arith.constant 0 : i32
        %dma_wait3A_30 = tpu.memref_slice %arg6[%arg0, %add3A_24, %dma_wait3A] : memref<2x10240x128xf32, #tpu.memory_space<hbm>> -> memref<1x128x128xf32, #tpu.memory_space<hbm>>
        %dma_wait3A_31 = tpu.memref_squeeze %dma_wait3A_30 : memref<1x128x128xf32, #tpu.memory_space<hbm>> -> memref<128x128xf32, #tpu.memory_space<hbm>>
        %dma_wait3A_32 = arith.constant 0 : i32
        %dma_wait3A_33 = tpu.memref_slice %arg6[%arg0, %add3A_24, %dma_wait3A_32] : memref<2x10240x128xf32, #tpu.memory_space<hbm>> -> memref<1x128x128xf32, #tpu.memory_space<hbm>>
        %dma_wait3A_34 = tpu.memref_squeeze %dma_wait3A_33 : memref<1x128x128xf32, #tpu.memory_space<hbm>> -> memref<128x128xf32, #tpu.memory_space<hbm>>
        tpu.wait_dma2 semaphore(%run_scoped3A : memref<!tpu.dma_semaphore, #tpu.memory_space<semaphore_mem>>) src(%arg9 : memref<128x128xf32, #tpu.memory_space<vmem>>) dst(%dma_wait3A_34 : memref<128x128xf32, #tpu.memory_space<hbm>>)
        tpu.yield
      }) : () -> ()
    }
    %scan3A_20 = arith.constant 5 : i32
    return
  }
}

#map = affine_map<(d0, d1) -> (0, 0, 0)>
#map1 = affine_map<(d0, d1) -> (0, 0)>
module attributes {stable_mosaic.version = 14 : i64} {
  func.func @_segsum_body(%arg0: i32, %arg1: i32, %arg2: memref<32x80x128xi32, #tpu.memory_space<hbm>>, %arg3: memref<32x80x128xi32, #tpu.memory_space<hbm>>, %arg4: memref<10240x128xf32, #tpu.memory_space<hbm>>, %arg5: memref<128x128xf32, #tpu.memory_space<hbm>>, %arg6: memref<2x10240x128xf32, #tpu.memory_space<hbm>>, %arg7: memref<80x128xi32, #tpu.memory_space<vmem>>, %arg8: memref<80x128xi32, #tpu.memory_space<vmem>>, %arg9: memref<128x128xf32, #tpu.memory_space<vmem>>, %arg10: memref<10240x128xf32, #tpu.memory_space<vmem_shared>>, %arg11: memref<!tpu.dma_semaphore, #tpu.memory_space<semaphore_mem>>) attributes {dimension_semantics = [#tpu.dimension_semantics<core_parallel>, #tpu.dimension_semantics<subcore_parallel>], iteration_bounds = array<i64: 2, 16>, scalar_prefetch = 0 : i64, scratch_operands = 5 : i64, tpu.core_type = #tpu.core_type<sc_vector_subcore>, window_params = [{transform_indices = #map}, {transform_indices = #map}, {transform_indices = #map1}, {transform_indices = #map1}, {transform_indices = #map}]} {
    %mul3A = arith.constant 16 : i32
    %mul3A_0 = arith.muli %arg0, %mul3A : i32
    %add3A = arith.addi %mul3A_0, %arg1 : i32
    "tpu.region"() ({
      %run_scoped3A = tpu.sem_alloc : memref<!tpu.dma_semaphore, #tpu.memory_space<semaphore_mem>>
      %dma_start3A = arith.constant 0 : i32
      %dma_start3A_21 = arith.constant 0 : i32
      %dma_start3A_22 = tpu.memref_slice %arg2[%add3A, %dma_start3A, %dma_start3A_21] : memref<32x80x128xi32, #tpu.memory_space<hbm>> -> memref<1x80x128xi32, #tpu.memory_space<hbm>>
      %dma_start3A_23 = tpu.memref_squeeze %dma_start3A_22 : memref<1x80x128xi32, #tpu.memory_space<hbm>> -> memref<80x128xi32, #tpu.memory_space<hbm>>
      %dma_start3A_24 = arith.constant 0 : i32
      %dma_start3A_25 = arith.constant 0 : i32
      %dma_start3A_26 = tpu.memref_slice %arg2[%add3A, %dma_start3A_24, %dma_start3A_25] : memref<32x80x128xi32, #tpu.memory_space<hbm>> -> memref<1x80x128xi32, #tpu.memory_space<hbm>>
      %dma_start3A_27 = tpu.memref_squeeze %dma_start3A_26 : memref<1x80x128xi32, #tpu.memory_space<hbm>> -> memref<80x128xi32, #tpu.memory_space<hbm>>
      tpu.enqueue_dma source(%dma_start3A_27 : memref<80x128xi32, #tpu.memory_space<hbm>>) target(%arg7 : memref<80x128xi32, #tpu.memory_space<vmem>>) target_semaphore(%run_scoped3A : memref<!tpu.dma_semaphore, #tpu.memory_space<semaphore_mem>>)
      %dma_wait3A = arith.constant 0 : i32
      %dma_wait3A_28 = arith.constant 0 : i32
      %dma_wait3A_29 = tpu.memref_slice %arg2[%add3A, %dma_wait3A, %dma_wait3A_28] : memref<32x80x128xi32, #tpu.memory_space<hbm>> -> memref<1x80x128xi32, #tpu.memory_space<hbm>>
      %dma_wait3A_30 = tpu.memref_squeeze %dma_wait3A_29 : memref<1x80x128xi32, #tpu.memory_space<hbm>> -> memref<80x128xi32, #tpu.memory_space<hbm>>
      %dma_wait3A_31 = arith.constant 0 : i32
      %dma_wait3A_32 = arith.constant 0 : i32
      %dma_wait3A_33 = tpu.memref_slice %arg2[%add3A, %dma_wait3A_31, %dma_wait3A_32] : memref<32x80x128xi32, #tpu.memory_space<hbm>> -> memref<1x80x128xi32, #tpu.memory_space<hbm>>
      %dma_wait3A_34 = tpu.memref_squeeze %dma_wait3A_33 : memref<1x80x128xi32, #tpu.memory_space<hbm>> -> memref<80x128xi32, #tpu.memory_space<hbm>>
      tpu.wait_dma2 semaphore(%run_scoped3A : memref<!tpu.dma_semaphore, #tpu.memory_space<semaphore_mem>>) src(%dma_wait3A_34 : memref<80x128xi32, #tpu.memory_space<hbm>>) dst(%arg7 : memref<80x128xi32, #tpu.memory_space<vmem>>)
      tpu.yield
    }) : () -> ()
    "tpu.region"() ({
      %run_scoped3A = tpu.sem_alloc : memref<!tpu.dma_semaphore, #tpu.memory_space<semaphore_mem>>
      %dma_start3A = arith.constant 0 : i32
      %dma_start3A_21 = arith.constant 0 : i32
      %dma_start3A_22 = tpu.memref_slice %arg3[%add3A, %dma_start3A, %dma_start3A_21] : memref<32x80x128xi32, #tpu.memory_space<hbm>> -> memref<1x80x128xi32, #tpu.memory_space<hbm>>
      %dma_start3A_23 = tpu.memref_squeeze %dma_start3A_22 : memref<1x80x128xi32, #tpu.memory_space<hbm>> -> memref<80x128xi32, #tpu.memory_space<hbm>>
      %dma_start3A_24 = arith.constant 0 : i32
      %dma_start3A_25 = arith.constant 0 : i32
      %dma_start3A_26 = tpu.memref_slice %arg3[%add3A, %dma_start3A_24, %dma_start3A_25] : memref<32x80x128xi32, #tpu.memory_space<hbm>> -> memref<1x80x128xi32, #tpu.memory_space<hbm>>
      %dma_start3A_27 = tpu.memref_squeeze %dma_start3A_26 : memref<1x80x128xi32, #tpu.memory_space<hbm>> -> memref<80x128xi32, #tpu.memory_space<hbm>>
      tpu.enqueue_dma source(%dma_start3A_27 : memref<80x128xi32, #tpu.memory_space<hbm>>) target(%arg8 : memref<80x128xi32, #tpu.memory_space<vmem>>) target_semaphore(%run_scoped3A : memref<!tpu.dma_semaphore, #tpu.memory_space<semaphore_mem>>)
      %dma_wait3A = arith.constant 0 : i32
      %dma_wait3A_28 = arith.constant 0 : i32
      %dma_wait3A_29 = tpu.memref_slice %arg3[%add3A, %dma_wait3A, %dma_wait3A_28] : memref<32x80x128xi32, #tpu.memory_space<hbm>> -> memref<1x80x128xi32, #tpu.memory_space<hbm>>
      %dma_wait3A_30 = tpu.memref_squeeze %dma_wait3A_29 : memref<1x80x128xi32, #tpu.memory_space<hbm>> -> memref<80x128xi32, #tpu.memory_space<hbm>>
      %dma_wait3A_31 = arith.constant 0 : i32
      %dma_wait3A_32 = arith.constant 0 : i32
      %dma_wait3A_33 = tpu.memref_slice %arg3[%add3A, %dma_wait3A_31, %dma_wait3A_32] : memref<32x80x128xi32, #tpu.memory_space<hbm>> -> memref<1x80x128xi32, #tpu.memory_space<hbm>>
      %dma_wait3A_34 = tpu.memref_squeeze %dma_wait3A_33 : memref<1x80x128xi32, #tpu.memory_space<hbm>> -> memref<80x128xi32, #tpu.memory_space<hbm>>
      tpu.wait_dma2 semaphore(%run_scoped3A : memref<!tpu.dma_semaphore, #tpu.memory_space<semaphore_mem>>) src(%dma_wait3A_34 : memref<80x128xi32, #tpu.memory_space<hbm>>) dst(%arg8 : memref<80x128xi32, #tpu.memory_space<vmem>>)
      tpu.yield
    }) : () -> ()
    "tpu.region"() ({
      %run_scoped3A = tpu.sem_alloc : memref<!tpu.dma_semaphore, #tpu.memory_space<semaphore_mem>>
      tpu.enqueue_dma source(%arg5 : memref<128x128xf32, #tpu.memory_space<hbm>>) target(%arg9 : memref<128x128xf32, #tpu.memory_space<vmem>>) target_semaphore(%run_scoped3A : memref<!tpu.dma_semaphore, #tpu.memory_space<semaphore_mem>>)
      tpu.wait_dma2 semaphore(%run_scoped3A : memref<!tpu.dma_semaphore, #tpu.memory_space<semaphore_mem>>) src(%arg5 : memref<128x128xf32, #tpu.memory_space<hbm>>) dst(%arg9 : memref<128x128xf32, #tpu.memory_space<vmem>>)
      tpu.yield
    }) : () -> ()
    %mul3A_1 = arith.constant 640 : i32
    %mul3A_2 = arith.muli %arg1, %mul3A_1 : i32
    %scan3A = arith.constant 0 : i32
    %scan3A_3 = arith.constant 0 : i32
    %scan3A_4 = arith.constant 5 : i32
    %scan3A_5 = arith.addi %scan3A_3, %scan3A_4 : i32
    %scan3A_6 = arith.constant 1 : i32
    scf.for %scan3A_21 = %scan3A_3 to %scan3A_5 step %scan3A_6  : i32 {
      %mul3A_22 = arith.constant 128 : i32
      %mul3A_23 = arith.muli %scan3A_21, %mul3A_22 : i32
      %add3A_24 = arith.addi %mul3A_2, %mul3A_23 : i32
      "tpu.region"() ({
        %run_scoped3A = tpu.sem_alloc : memref<!tpu.dma_semaphore, #tpu.memory_space<semaphore_mem>>
        %dma_start3A = arith.constant 0 : i32
        %dma_start3A_25 = tpu.memref_slice %arg10[%add3A_24, %dma_start3A] : memref<10240x128xf32, #tpu.memory_space<vmem_shared>> -> memref<128x128xf32, #tpu.memory_space<vmem_shared>>
        %dma_start3A_26 = arith.constant 0 : i32
        %dma_start3A_27 = tpu.memref_slice %arg10[%add3A_24, %dma_start3A_26] : memref<10240x128xf32, #tpu.memory_space<vmem_shared>> -> memref<128x128xf32, #tpu.memory_space<vmem_shared>>
        tpu.enqueue_dma source(%arg9 : memref<128x128xf32, #tpu.memory_space<vmem>>) target(%dma_start3A_27 : memref<128x128xf32, #tpu.memory_space<vmem_shared>>) target_semaphore(%run_scoped3A : memref<!tpu.dma_semaphore, #tpu.memory_space<semaphore_mem>>)
        %dma_wait3A = arith.constant 0 : i32
        %dma_wait3A_28 = tpu.memref_slice %arg10[%add3A_24, %dma_wait3A] : memref<10240x128xf32, #tpu.memory_space<vmem_shared>> -> memref<128x128xf32, #tpu.memory_space<vmem_shared>>
        %dma_wait3A_29 = arith.constant 0 : i32
        %dma_wait3A_30 = tpu.memref_slice %arg10[%add3A_24, %dma_wait3A_29] : memref<10240x128xf32, #tpu.memory_space<vmem_shared>> -> memref<128x128xf32, #tpu.memory_space<vmem_shared>>
        tpu.wait_dma2 semaphore(%run_scoped3A : memref<!tpu.dma_semaphore, #tpu.memory_space<semaphore_mem>>) src(%arg9 : memref<128x128xf32, #tpu.memory_space<vmem>>) dst(%dma_wait3A_30 : memref<128x128xf32, #tpu.memory_space<vmem_shared>>)
        tpu.yield
      }) : () -> ()
    }
    %scan3A_7 = arith.constant 5 : i32
    %barrier3A = arith.constant 0 : index
    tpu.barrier barrier_id(%barrier3A)
    %scan3A_8 = arith.constant 0 : i32
    %scan3A_9 = arith.constant 0 : i32
    %scan3A_10 = arith.constant 80 : i32
    %scan3A_11 = arith.addi %scan3A_9, %scan3A_10 : i32
    %scan3A_12 = arith.constant 1 : i32
    scf.for %scan3A_21 = %scan3A_9 to %scan3A_11 step %scan3A_12  : i32 {
      %dma_start3A = arith.constant 0 : i32
      %dma_start3A_22 = tpu.memref_slice %arg7[%scan3A_21, %dma_start3A] : memref<80x128xi32, #tpu.memory_space<vmem>> -> memref<1x128xi32, #tpu.memory_space<vmem>>
      %dma_start3A_23 = tpu.memref_squeeze %dma_start3A_22 : memref<1x128xi32, #tpu.memory_space<vmem>> -> memref<128xi32, #tpu.memory_space<vmem>>
      %dma_start3A_24 = arith.constant 0 : i32
      %dma_start3A_25 = arith.constant 0 : i32
      %dma_start3A_26 = tpu.memref_slice %arg4[%dma_start3A_24, %dma_start3A_25] : memref<10240x128xf32, #tpu.memory_space<hbm>> -> memref<10240x128xf32, #tpu.memory_space<hbm>>
      tpu.enqueue_indirect_dma source(%dma_start3A_26 : memref<10240x128xf32, #tpu.memory_space<hbm>>) target(%arg9 : memref<128x128xf32, #tpu.memory_space<vmem>>) offsets(%dma_start3A_23 : memref<128xi32, #tpu.memory_space<vmem>>) semaphore(%arg11 : memref<!tpu.dma_semaphore, #tpu.memory_space<semaphore_mem>>)
      %dma_wait3A = arith.constant 0 : i32
      %dma_wait3A_27 = tpu.memref_slice %arg7[%scan3A_21, %dma_wait3A] : memref<80x128xi32, #tpu.memory_space<vmem>> -> memref<1x128xi32, #tpu.memory_space<vmem>>
      %dma_wait3A_28 = tpu.memref_squeeze %dma_wait3A_27 : memref<1x128xi32, #tpu.memory_space<vmem>> -> memref<128xi32, #tpu.memory_space<vmem>>
      %dma_wait3A_29 = arith.constant 0 : i32
      %dma_wait3A_30 = arith.constant 0 : i32
      %dma_wait3A_31 = tpu.memref_slice %arg4[%dma_wait3A_29, %dma_wait3A_30] : memref<10240x128xf32, #tpu.memory_space<hbm>> -> memref<10240x128xf32, #tpu.memory_space<hbm>>
      tpu.wait_indirect_dma semaphore(%arg11 : memref<!tpu.dma_semaphore, #tpu.memory_space<semaphore_mem>>) src(%dma_wait3A_31 : memref<10240x128xf32, #tpu.memory_space<hbm>>) dst(%arg9 : memref<128x128xf32, #tpu.memory_space<vmem>>)
      "tpu.region"() ({
        %run_scoped3A = tpu.sem_alloc : memref<!tpu.dma_semaphore, #tpu.memory_space<semaphore_mem>>
        %dma_start3A_32 = arith.constant 0 : i32
        %dma_start3A_33 = tpu.memref_slice %arg8[%scan3A_21, %dma_start3A_32] : memref<80x128xi32, #tpu.memory_space<vmem>> -> memref<1x128xi32, #tpu.memory_space<vmem>>
        %dma_start3A_34 = tpu.memref_squeeze %dma_start3A_33 : memref<1x128xi32, #tpu.memory_space<vmem>> -> memref<128xi32, #tpu.memory_space<vmem>>
        %dma_start3A_35 = arith.constant 0 : i32
        %dma_start3A_36 = arith.constant 0 : i32
        %dma_start3A_37 = tpu.memref_slice %arg10[%dma_start3A_35, %dma_start3A_36] : memref<10240x128xf32, #tpu.memory_space<vmem_shared>> -> memref<10240x128xf32, #tpu.memory_space<vmem_shared>>
        tpu.enqueue_indirect_dma source(%arg9 : memref<128x128xf32, #tpu.memory_space<vmem>>) target(%dma_start3A_37 : memref<10240x128xf32, #tpu.memory_space<vmem_shared>>) offsets(%dma_start3A_34 : memref<128xi32, #tpu.memory_space<vmem>>) semaphore(%run_scoped3A : memref<!tpu.dma_semaphore, #tpu.memory_space<semaphore_mem>>) {add = true}
        %dma_wait3A_38 = arith.constant 0 : i32
        %dma_wait3A_39 = tpu.memref_slice %arg8[%scan3A_21, %dma_wait3A_38] : memref<80x128xi32, #tpu.memory_space<vmem>> -> memref<1x128xi32, #tpu.memory_space<vmem>>
        %dma_wait3A_40 = tpu.memref_squeeze %dma_wait3A_39 : memref<1x128xi32, #tpu.memory_space<vmem>> -> memref<128xi32, #tpu.memory_space<vmem>>
        %dma_wait3A_41 = arith.constant 0 : i32
        %dma_wait3A_42 = arith.constant 0 : i32
        %dma_wait3A_43 = tpu.memref_slice %arg10[%dma_wait3A_41, %dma_wait3A_42] : memref<10240x128xf32, #tpu.memory_space<vmem_shared>> -> memref<10240x128xf32, #tpu.memory_space<vmem_shared>>
        tpu.wait_indirect_dma semaphore(%run_scoped3A : memref<!tpu.dma_semaphore, #tpu.memory_space<semaphore_mem>>) src(%arg9 : memref<128x128xf32, #tpu.memory_space<vmem>>) dst(%dma_wait3A_43 : memref<10240x128xf32, #tpu.memory_space<vmem_shared>>)
        tpu.yield
      }) : () -> ()
    }
    %scan3A_13 = arith.constant 80 : i32
    %barrier3A_14 = arith.constant 0 : index
    tpu.barrier barrier_id(%barrier3A_14)
    %scan3A_15 = arith.constant 0 : i32
    %scan3A_16 = arith.constant 0 : i32
    %scan3A_17 = arith.constant 5 : i32
    %scan3A_18 = arith.addi %scan3A_16, %scan3A_17 : i32
    %scan3A_19 = arith.constant 1 : i32
    scf.for %scan3A_21 = %scan3A_16 to %scan3A_18 step %scan3A_19  : i32 {
      %mul3A_22 = arith.constant 128 : i32
      %mul3A_23 = arith.muli %scan3A_21, %mul3A_22 : i32
      %add3A_24 = arith.addi %mul3A_2, %mul3A_23 : i32
      "tpu.region"() ({
        %run_scoped3A = tpu.sem_alloc : memref<!tpu.dma_semaphore, #tpu.memory_space<semaphore_mem>>
        %dma_start3A = arith.constant 0 : i32
        %dma_start3A_25 = tpu.memref_slice %arg10[%add3A_24, %dma_start3A] : memref<10240x128xf32, #tpu.memory_space<vmem_shared>> -> memref<128x128xf32, #tpu.memory_space<vmem_shared>>
        %dma_start3A_26 = arith.constant 0 : i32
        %dma_start3A_27 = tpu.memref_slice %arg10[%add3A_24, %dma_start3A_26] : memref<10240x128xf32, #tpu.memory_space<vmem_shared>> -> memref<128x128xf32, #tpu.memory_space<vmem_shared>>
        tpu.enqueue_dma source(%dma_start3A_27 : memref<128x128xf32, #tpu.memory_space<vmem_shared>>) target(%arg9 : memref<128x128xf32, #tpu.memory_space<vmem>>) target_semaphore(%run_scoped3A : memref<!tpu.dma_semaphore, #tpu.memory_space<semaphore_mem>>)
        %dma_wait3A = arith.constant 0 : i32
        %dma_wait3A_28 = tpu.memref_slice %arg10[%add3A_24, %dma_wait3A] : memref<10240x128xf32, #tpu.memory_space<vmem_shared>> -> memref<128x128xf32, #tpu.memory_space<vmem_shared>>
        %dma_wait3A_29 = arith.constant 0 : i32
        %dma_wait3A_30 = tpu.memref_slice %arg10[%add3A_24, %dma_wait3A_29] : memref<10240x128xf32, #tpu.memory_space<vmem_shared>> -> memref<128x128xf32, #tpu.memory_space<vmem_shared>>
        tpu.wait_dma2 semaphore(%run_scoped3A : memref<!tpu.dma_semaphore, #tpu.memory_space<semaphore_mem>>) src(%dma_wait3A_30 : memref<128x128xf32, #tpu.memory_space<vmem_shared>>) dst(%arg9 : memref<128x128xf32, #tpu.memory_space<vmem>>)
        tpu.yield
      }) : () -> ()
      "tpu.region"() ({
        %run_scoped3A = tpu.sem_alloc : memref<!tpu.dma_semaphore, #tpu.memory_space<semaphore_mem>>
        %dma_start3A = arith.constant 0 : i32
        %dma_start3A_25 = tpu.memref_slice %arg6[%arg0, %add3A_24, %dma_start3A] : memref<2x10240x128xf32, #tpu.memory_space<hbm>> -> memref<1x128x128xf32, #tpu.memory_space<hbm>>
        %dma_start3A_26 = tpu.memref_squeeze %dma_start3A_25 : memref<1x128x128xf32, #tpu.memory_space<hbm>> -> memref<128x128xf32, #tpu.memory_space<hbm>>
        %dma_start3A_27 = arith.constant 0 : i32
        %dma_start3A_28 = tpu.memref_slice %arg6[%arg0, %add3A_24, %dma_start3A_27] : memref<2x10240x128xf32, #tpu.memory_space<hbm>> -> memref<1x128x128xf32, #tpu.memory_space<hbm>>
        %dma_start3A_29 = tpu.memref_squeeze %dma_start3A_28 : memref<1x128x128xf32, #tpu.memory_space<hbm>> -> memref<128x128xf32, #tpu.memory_space<hbm>>
        tpu.enqueue_dma source(%arg9 : memref<128x128xf32, #tpu.memory_space<vmem>>) target(%dma_start3A_29 : memref<128x128xf32, #tpu.memory_space<hbm>>) target_semaphore(%run_scoped3A : memref<!tpu.dma_semaphore, #tpu.memory_space<semaphore_mem>>)
        %dma_wait3A = arith.constant 0 : i32
        %dma_wait3A_30 = tpu.memref_slice %arg6[%arg0, %add3A_24, %dma_wait3A] : memref<2x10240x128xf32, #tpu.memory_space<hbm>> -> memref<1x128x128xf32, #tpu.memory_space<hbm>>
        %dma_wait3A_31 = tpu.memref_squeeze %dma_wait3A_30 : memref<1x128x128xf32, #tpu.memory_space<hbm>> -> memref<128x128xf32, #tpu.memory_space<hbm>>
        %dma_wait3A_32 = arith.constant 0 : i32
        %dma_wait3A_33 = tpu.memref_slice %arg6[%arg0, %add3A_24, %dma_wait3A_32] : memref<2x10240x128xf32, #tpu.memory_space<hbm>> -> memref<1x128x128xf32, #tpu.memory_space<hbm>>
        %dma_wait3A_34 = tpu.memref_squeeze %dma_wait3A_33 : memref<1x128x128xf32, #tpu.memory_space<hbm>> -> memref<128x128xf32, #tpu.memory_space<hbm>>
        tpu.wait_dma2 semaphore(%run_scoped3A : memref<!tpu.dma_semaphore, #tpu.memory_space<semaphore_mem>>) src(%arg9 : memref<128x128xf32, #tpu.memory_space<vmem>>) dst(%dma_wait3A_34 : memref<128x128xf32, #tpu.memory_space<hbm>>)
        tpu.yield
      }) : () -> ()
    }
    %scan3A_20 = arith.constant 5 : i32
    return
  }
}

#map = affine_map<(d0, d1) -> (0, 0, 0)>
#map1 = affine_map<(d0, d1) -> (0, 0)>
module attributes {stable_mosaic.version = 14 : i64} {
  func.func @_segsum_body(%arg0: i32, %arg1: i32, %arg2: memref<32x80x128xi32, #tpu.memory_space<hbm>>, %arg3: memref<32x80x128xi32, #tpu.memory_space<hbm>>, %arg4: memref<10240x128xf32, #tpu.memory_space<hbm>>, %arg5: memref<128x128xf32, #tpu.memory_space<hbm>>, %arg6: memref<2x10240x128xf32, #tpu.memory_space<hbm>>, %arg7: memref<80x128xi32, #tpu.memory_space<vmem>>, %arg8: memref<80x128xi32, #tpu.memory_space<vmem>>, %arg9: memref<128x128xf32, #tpu.memory_space<vmem>>, %arg10: memref<10240x128xf32, #tpu.memory_space<vmem_shared>>, %arg11: memref<!tpu.dma_semaphore, #tpu.memory_space<semaphore_mem>>) attributes {dimension_semantics = [#tpu.dimension_semantics<core_parallel>, #tpu.dimension_semantics<subcore_parallel>], iteration_bounds = array<i64: 2, 16>, scalar_prefetch = 0 : i64, scratch_operands = 5 : i64, tpu.core_type = #tpu.core_type<sc_vector_subcore>, window_params = [{transform_indices = #map}, {transform_indices = #map}, {transform_indices = #map1}, {transform_indices = #map1}, {transform_indices = #map}]} {
    %mul3A = arith.constant 16 : i32
    %mul3A_0 = arith.muli %arg0, %mul3A : i32
    %add3A = arith.addi %mul3A_0, %arg1 : i32
    "tpu.region"() ({
      %run_scoped3A = tpu.sem_alloc : memref<!tpu.dma_semaphore, #tpu.memory_space<semaphore_mem>>
      %dma_start3A = arith.constant 0 : i32
      %dma_start3A_21 = arith.constant 0 : i32
      %dma_start3A_22 = tpu.memref_slice %arg2[%add3A, %dma_start3A, %dma_start3A_21] : memref<32x80x128xi32, #tpu.memory_space<hbm>> -> memref<1x80x128xi32, #tpu.memory_space<hbm>>
      %dma_start3A_23 = tpu.memref_squeeze %dma_start3A_22 : memref<1x80x128xi32, #tpu.memory_space<hbm>> -> memref<80x128xi32, #tpu.memory_space<hbm>>
      %dma_start3A_24 = arith.constant 0 : i32
      %dma_start3A_25 = arith.constant 0 : i32
      %dma_start3A_26 = tpu.memref_slice %arg2[%add3A, %dma_start3A_24, %dma_start3A_25] : memref<32x80x128xi32, #tpu.memory_space<hbm>> -> memref<1x80x128xi32, #tpu.memory_space<hbm>>
      %dma_start3A_27 = tpu.memref_squeeze %dma_start3A_26 : memref<1x80x128xi32, #tpu.memory_space<hbm>> -> memref<80x128xi32, #tpu.memory_space<hbm>>
      tpu.enqueue_dma source(%dma_start3A_27 : memref<80x128xi32, #tpu.memory_space<hbm>>) target(%arg7 : memref<80x128xi32, #tpu.memory_space<vmem>>) target_semaphore(%run_scoped3A : memref<!tpu.dma_semaphore, #tpu.memory_space<semaphore_mem>>)
      %dma_wait3A = arith.constant 0 : i32
      %dma_wait3A_28 = arith.constant 0 : i32
      %dma_wait3A_29 = tpu.memref_slice %arg2[%add3A, %dma_wait3A, %dma_wait3A_28] : memref<32x80x128xi32, #tpu.memory_space<hbm>> -> memref<1x80x128xi32, #tpu.memory_space<hbm>>
      %dma_wait3A_30 = tpu.memref_squeeze %dma_wait3A_29 : memref<1x80x128xi32, #tpu.memory_space<hbm>> -> memref<80x128xi32, #tpu.memory_space<hbm>>
      %dma_wait3A_31 = arith.constant 0 : i32
      %dma_wait3A_32 = arith.constant 0 : i32
      %dma_wait3A_33 = tpu.memref_slice %arg2[%add3A, %dma_wait3A_31, %dma_wait3A_32] : memref<32x80x128xi32, #tpu.memory_space<hbm>> -> memref<1x80x128xi32, #tpu.memory_space<hbm>>
      %dma_wait3A_34 = tpu.memref_squeeze %dma_wait3A_33 : memref<1x80x128xi32, #tpu.memory_space<hbm>> -> memref<80x128xi32, #tpu.memory_space<hbm>>
      tpu.wait_dma2 semaphore(%run_scoped3A : memref<!tpu.dma_semaphore, #tpu.memory_space<semaphore_mem>>) src(%dma_wait3A_34 : memref<80x128xi32, #tpu.memory_space<hbm>>) dst(%arg7 : memref<80x128xi32, #tpu.memory_space<vmem>>)
      tpu.yield
    }) : () -> ()
    "tpu.region"() ({
      %run_scoped3A = tpu.sem_alloc : memref<!tpu.dma_semaphore, #tpu.memory_space<semaphore_mem>>
      %dma_start3A = arith.constant 0 : i32
      %dma_start3A_21 = arith.constant 0 : i32
      %dma_start3A_22 = tpu.memref_slice %arg3[%add3A, %dma_start3A, %dma_start3A_21] : memref<32x80x128xi32, #tpu.memory_space<hbm>> -> memref<1x80x128xi32, #tpu.memory_space<hbm>>
      %dma_start3A_23 = tpu.memref_squeeze %dma_start3A_22 : memref<1x80x128xi32, #tpu.memory_space<hbm>> -> memref<80x128xi32, #tpu.memory_space<hbm>>
      %dma_start3A_24 = arith.constant 0 : i32
      %dma_start3A_25 = arith.constant 0 : i32
      %dma_start3A_26 = tpu.memref_slice %arg3[%add3A, %dma_start3A_24, %dma_start3A_25] : memref<32x80x128xi32, #tpu.memory_space<hbm>> -> memref<1x80x128xi32, #tpu.memory_space<hbm>>
      %dma_start3A_27 = tpu.memref_squeeze %dma_start3A_26 : memref<1x80x128xi32, #tpu.memory_space<hbm>> -> memref<80x128xi32, #tpu.memory_space<hbm>>
      tpu.enqueue_dma source(%dma_start3A_27 : memref<80x128xi32, #tpu.memory_space<hbm>>) target(%arg8 : memref<80x128xi32, #tpu.memory_space<vmem>>) target_semaphore(%run_scoped3A : memref<!tpu.dma_semaphore, #tpu.memory_space<semaphore_mem>>)
      %dma_wait3A = arith.constant 0 : i32
      %dma_wait3A_28 = arith.constant 0 : i32
      %dma_wait3A_29 = tpu.memref_slice %arg3[%add3A, %dma_wait3A, %dma_wait3A_28] : memref<32x80x128xi32, #tpu.memory_space<hbm>> -> memref<1x80x128xi32, #tpu.memory_space<hbm>>
      %dma_wait3A_30 = tpu.memref_squeeze %dma_wait3A_29 : memref<1x80x128xi32, #tpu.memory_space<hbm>> -> memref<80x128xi32, #tpu.memory_space<hbm>>
      %dma_wait3A_31 = arith.constant 0 : i32
      %dma_wait3A_32 = arith.constant 0 : i32
      %dma_wait3A_33 = tpu.memref_slice %arg3[%add3A, %dma_wait3A_31, %dma_wait3A_32] : memref<32x80x128xi32, #tpu.memory_space<hbm>> -> memref<1x80x128xi32, #tpu.memory_space<hbm>>
      %dma_wait3A_34 = tpu.memref_squeeze %dma_wait3A_33 : memref<1x80x128xi32, #tpu.memory_space<hbm>> -> memref<80x128xi32, #tpu.memory_space<hbm>>
      tpu.wait_dma2 semaphore(%run_scoped3A : memref<!tpu.dma_semaphore, #tpu.memory_space<semaphore_mem>>) src(%dma_wait3A_34 : memref<80x128xi32, #tpu.memory_space<hbm>>) dst(%arg8 : memref<80x128xi32, #tpu.memory_space<vmem>>)
      tpu.yield
    }) : () -> ()
    "tpu.region"() ({
      %run_scoped3A = tpu.sem_alloc : memref<!tpu.dma_semaphore, #tpu.memory_space<semaphore_mem>>
      tpu.enqueue_dma source(%arg5 : memref<128x128xf32, #tpu.memory_space<hbm>>) target(%arg9 : memref<128x128xf32, #tpu.memory_space<vmem>>) target_semaphore(%run_scoped3A : memref<!tpu.dma_semaphore, #tpu.memory_space<semaphore_mem>>)
      tpu.wait_dma2 semaphore(%run_scoped3A : memref<!tpu.dma_semaphore, #tpu.memory_space<semaphore_mem>>) src(%arg5 : memref<128x128xf32, #tpu.memory_space<hbm>>) dst(%arg9 : memref<128x128xf32, #tpu.memory_space<vmem>>)
      tpu.yield
    }) : () -> ()
    %mul3A_1 = arith.constant 640 : i32
    %mul3A_2 = arith.muli %arg1, %mul3A_1 : i32
    %scan3A = arith.constant 0 : i32
    %scan3A_3 = arith.constant 0 : i32
    %scan3A_4 = arith.constant 5 : i32
    %scan3A_5 = arith.addi %scan3A_3, %scan3A_4 : i32
    %scan3A_6 = arith.constant 1 : i32
    scf.for %scan3A_21 = %scan3A_3 to %scan3A_5 step %scan3A_6  : i32 {
      %mul3A_22 = arith.constant 128 : i32
      %mul3A_23 = arith.muli %scan3A_21, %mul3A_22 : i32
      %add3A_24 = arith.addi %mul3A_2, %mul3A_23 : i32
      "tpu.region"() ({
        %run_scoped3A = tpu.sem_alloc : memref<!tpu.dma_semaphore, #tpu.memory_space<semaphore_mem>>
        %dma_start3A = arith.constant 0 : i32
        %dma_start3A_25 = tpu.memref_slice %arg10[%add3A_24, %dma_start3A] : memref<10240x128xf32, #tpu.memory_space<vmem_shared>> -> memref<128x128xf32, #tpu.memory_space<vmem_shared>>
        %dma_start3A_26 = arith.constant 0 : i32
        %dma_start3A_27 = tpu.memref_slice %arg10[%add3A_24, %dma_start3A_26] : memref<10240x128xf32, #tpu.memory_space<vmem_shared>> -> memref<128x128xf32, #tpu.memory_space<vmem_shared>>
        tpu.enqueue_dma source(%arg9 : memref<128x128xf32, #tpu.memory_space<vmem>>) target(%dma_start3A_27 : memref<128x128xf32, #tpu.memory_space<vmem_shared>>) target_semaphore(%run_scoped3A : memref<!tpu.dma_semaphore, #tpu.memory_space<semaphore_mem>>)
        %dma_wait3A = arith.constant 0 : i32
        %dma_wait3A_28 = tpu.memref_slice %arg10[%add3A_24, %dma_wait3A] : memref<10240x128xf32, #tpu.memory_space<vmem_shared>> -> memref<128x128xf32, #tpu.memory_space<vmem_shared>>
        %dma_wait3A_29 = arith.constant 0 : i32
        %dma_wait3A_30 = tpu.memref_slice %arg10[%add3A_24, %dma_wait3A_29] : memref<10240x128xf32, #tpu.memory_space<vmem_shared>> -> memref<128x128xf32, #tpu.memory_space<vmem_shared>>
        tpu.wait_dma2 semaphore(%run_scoped3A : memref<!tpu.dma_semaphore, #tpu.memory_space<semaphore_mem>>) src(%arg9 : memref<128x128xf32, #tpu.memory_space<vmem>>) dst(%dma_wait3A_30 : memref<128x128xf32, #tpu.memory_space<vmem_shared>>)
        tpu.yield
      }) : () -> ()
    }
    %scan3A_7 = arith.constant 5 : i32
    %barrier3A = arith.constant 0 : index
    tpu.barrier barrier_id(%barrier3A)
    %scan3A_8 = arith.constant 0 : i32
    %scan3A_9 = arith.constant 0 : i32
    %scan3A_10 = arith.constant 80 : i32
    %scan3A_11 = arith.addi %scan3A_9, %scan3A_10 : i32
    %scan3A_12 = arith.constant 1 : i32
    scf.for %scan3A_21 = %scan3A_9 to %scan3A_11 step %scan3A_12  : i32 {
      %dma_start3A = arith.constant 0 : i32
      %dma_start3A_22 = tpu.memref_slice %arg7[%scan3A_21, %dma_start3A] : memref<80x128xi32, #tpu.memory_space<vmem>> -> memref<1x128xi32, #tpu.memory_space<vmem>>
      %dma_start3A_23 = tpu.memref_squeeze %dma_start3A_22 : memref<1x128xi32, #tpu.memory_space<vmem>> -> memref<128xi32, #tpu.memory_space<vmem>>
      %dma_start3A_24 = arith.constant 0 : i32
      %dma_start3A_25 = arith.constant 0 : i32
      %dma_start3A_26 = tpu.memref_slice %arg4[%dma_start3A_24, %dma_start3A_25] : memref<10240x128xf32, #tpu.memory_space<hbm>> -> memref<10240x128xf32, #tpu.memory_space<hbm>>
      tpu.enqueue_indirect_dma source(%dma_start3A_26 : memref<10240x128xf32, #tpu.memory_space<hbm>>) target(%arg9 : memref<128x128xf32, #tpu.memory_space<vmem>>) offsets(%dma_start3A_23 : memref<128xi32, #tpu.memory_space<vmem>>) semaphore(%arg11 : memref<!tpu.dma_semaphore, #tpu.memory_space<semaphore_mem>>)
      %dma_wait3A = arith.constant 0 : i32
      %dma_wait3A_27 = tpu.memref_slice %arg7[%scan3A_21, %dma_wait3A] : memref<80x128xi32, #tpu.memory_space<vmem>> -> memref<1x128xi32, #tpu.memory_space<vmem>>
      %dma_wait3A_28 = tpu.memref_squeeze %dma_wait3A_27 : memref<1x128xi32, #tpu.memory_space<vmem>> -> memref<128xi32, #tpu.memory_space<vmem>>
      %dma_wait3A_29 = arith.constant 0 : i32
      %dma_wait3A_30 = arith.constant 0 : i32
      %dma_wait3A_31 = tpu.memref_slice %arg4[%dma_wait3A_29, %dma_wait3A_30] : memref<10240x128xf32, #tpu.memory_space<hbm>> -> memref<10240x128xf32, #tpu.memory_space<hbm>>
      tpu.wait_indirect_dma semaphore(%arg11 : memref<!tpu.dma_semaphore, #tpu.memory_space<semaphore_mem>>) src(%dma_wait3A_31 : memref<10240x128xf32, #tpu.memory_space<hbm>>) dst(%arg9 : memref<128x128xf32, #tpu.memory_space<vmem>>)
      "tpu.region"() ({
        %run_scoped3A = tpu.sem_alloc : memref<!tpu.dma_semaphore, #tpu.memory_space<semaphore_mem>>
        %dma_start3A_32 = arith.constant 0 : i32
        %dma_start3A_33 = tpu.memref_slice %arg8[%scan3A_21, %dma_start3A_32] : memref<80x128xi32, #tpu.memory_space<vmem>> -> memref<1x128xi32, #tpu.memory_space<vmem>>
        %dma_start3A_34 = tpu.memref_squeeze %dma_start3A_33 : memref<1x128xi32, #tpu.memory_space<vmem>> -> memref<128xi32, #tpu.memory_space<vmem>>
        %dma_start3A_35 = arith.constant 0 : i32
        %dma_start3A_36 = arith.constant 0 : i32
        %dma_start3A_37 = tpu.memref_slice %arg10[%dma_start3A_35, %dma_start3A_36] : memref<10240x128xf32, #tpu.memory_space<vmem_shared>> -> memref<10240x128xf32, #tpu.memory_space<vmem_shared>>
        tpu.enqueue_indirect_dma source(%arg9 : memref<128x128xf32, #tpu.memory_space<vmem>>) target(%dma_start3A_37 : memref<10240x128xf32, #tpu.memory_space<vmem_shared>>) offsets(%dma_start3A_34 : memref<128xi32, #tpu.memory_space<vmem>>) semaphore(%run_scoped3A : memref<!tpu.dma_semaphore, #tpu.memory_space<semaphore_mem>>) {add = true}
        %dma_wait3A_38 = arith.constant 0 : i32
        %dma_wait3A_39 = tpu.memref_slice %arg8[%scan3A_21, %dma_wait3A_38] : memref<80x128xi32, #tpu.memory_space<vmem>> -> memref<1x128xi32, #tpu.memory_space<vmem>>
        %dma_wait3A_40 = tpu.memref_squeeze %dma_wait3A_39 : memref<1x128xi32, #tpu.memory_space<vmem>> -> memref<128xi32, #tpu.memory_space<vmem>>
        %dma_wait3A_41 = arith.constant 0 : i32
        %dma_wait3A_42 = arith.constant 0 : i32
        %dma_wait3A_43 = tpu.memref_slice %arg10[%dma_wait3A_41, %dma_wait3A_42] : memref<10240x128xf32, #tpu.memory_space<vmem_shared>> -> memref<10240x128xf32, #tpu.memory_space<vmem_shared>>
        tpu.wait_indirect_dma semaphore(%run_scoped3A : memref<!tpu.dma_semaphore, #tpu.memory_space<semaphore_mem>>) src(%arg9 : memref<128x128xf32, #tpu.memory_space<vmem>>) dst(%dma_wait3A_43 : memref<10240x128xf32, #tpu.memory_space<vmem_shared>>)
        tpu.yield
      }) : () -> ()
    }
    %scan3A_13 = arith.constant 80 : i32
    %barrier3A_14 = arith.constant 0 : index
    tpu.barrier barrier_id(%barrier3A_14)
    %scan3A_15 = arith.constant 0 : i32
    %scan3A_16 = arith.constant 0 : i32
    %scan3A_17 = arith.constant 5 : i32
    %scan3A_18 = arith.addi %scan3A_16, %scan3A_17 : i32
    %scan3A_19 = arith.constant 1 : i32
    scf.for %scan3A_21 = %scan3A_16 to %scan3A_18 step %scan3A_19  : i32 {
      %mul3A_22 = arith.constant 128 : i32
      %mul3A_23 = arith.muli %scan3A_21, %mul3A_22 : i32
      %add3A_24 = arith.addi %mul3A_2, %mul3A_23 : i32
      "tpu.region"() ({
        %run_scoped3A = tpu.sem_alloc : memref<!tpu.dma_semaphore, #tpu.memory_space<semaphore_mem>>
        %dma_start3A = arith.constant 0 : i32
        %dma_start3A_25 = tpu.memref_slice %arg10[%add3A_24, %dma_start3A] : memref<10240x128xf32, #tpu.memory_space<vmem_shared>> -> memref<128x128xf32, #tpu.memory_space<vmem_shared>>
        %dma_start3A_26 = arith.constant 0 : i32
        %dma_start3A_27 = tpu.memref_slice %arg10[%add3A_24, %dma_start3A_26] : memref<10240x128xf32, #tpu.memory_space<vmem_shared>> -> memref<128x128xf32, #tpu.memory_space<vmem_shared>>
        tpu.enqueue_dma source(%dma_start3A_27 : memref<128x128xf32, #tpu.memory_space<vmem_shared>>) target(%arg9 : memref<128x128xf32, #tpu.memory_space<vmem>>) target_semaphore(%run_scoped3A : memref<!tpu.dma_semaphore, #tpu.memory_space<semaphore_mem>>)
        %dma_wait3A = arith.constant 0 : i32
        %dma_wait3A_28 = tpu.memref_slice %arg10[%add3A_24, %dma_wait3A] : memref<10240x128xf32, #tpu.memory_space<vmem_shared>> -> memref<128x128xf32, #tpu.memory_space<vmem_shared>>
        %dma_wait3A_29 = arith.constant 0 : i32
        %dma_wait3A_30 = tpu.memref_slice %arg10[%add3A_24, %dma_wait3A_29] : memref<10240x128xf32, #tpu.memory_space<vmem_shared>> -> memref<128x128xf32, #tpu.memory_space<vmem_shared>>
        tpu.wait_dma2 semaphore(%run_scoped3A : memref<!tpu.dma_semaphore, #tpu.memory_space<semaphore_mem>>) src(%dma_wait3A_30 : memref<128x128xf32, #tpu.memory_space<vmem_shared>>) dst(%arg9 : memref<128x128xf32, #tpu.memory_space<vmem>>)
        tpu.yield
      }) : () -> ()
      "tpu.region"() ({
        %run_scoped3A = tpu.sem_alloc : memref<!tpu.dma_semaphore, #tpu.memory_space<semaphore_mem>>
        %dma_start3A = arith.constant 0 : i32
        %dma_start3A_25 = tpu.memref_slice %arg6[%arg0, %add3A_24, %dma_start3A] : memref<2x10240x128xf32, #tpu.memory_space<hbm>> -> memref<1x128x128xf32, #tpu.memory_space<hbm>>
        %dma_start3A_26 = tpu.memref_squeeze %dma_start3A_25 : memref<1x128x128xf32, #tpu.memory_space<hbm>> -> memref<128x128xf32, #tpu.memory_space<hbm>>
        %dma_start3A_27 = arith.constant 0 : i32
        %dma_start3A_28 = tpu.memref_slice %arg6[%arg0, %add3A_24, %dma_start3A_27] : memref<2x10240x128xf32, #tpu.memory_space<hbm>> -> memref<1x128x128xf32, #tpu.memory_space<hbm>>
        %dma_start3A_29 = tpu.memref_squeeze %dma_start3A_28 : memref<1x128x128xf32, #tpu.memory_space<hbm>> -> memref<128x128xf32, #tpu.memory_space<hbm>>
        tpu.enqueue_dma source(%arg9 : memref<128x128xf32, #tpu.memory_space<vmem>>) target(%dma_start3A_29 : memref<128x128xf32, #tpu.memory_space<hbm>>) target_semaphore(%run_scoped3A : memref<!tpu.dma_semaphore, #tpu.memory_space<semaphore_mem>>)
        %dma_wait3A = arith.constant 0 : i32
        %dma_wait3A_30 = tpu.memref_slice %arg6[%arg0, %add3A_24, %dma_wait3A] : memref<2x10240x128xf32, #tpu.memory_space<hbm>> -> memref<1x128x128xf32, #tpu.memory_space<hbm>>
        %dma_wait3A_31 = tpu.memref_squeeze %dma_wait3A_30 : memref<1x128x128xf32, #tpu.memory_space<hbm>> -> memref<128x128xf32, #tpu.memory_space<hbm>>
        %dma_wait3A_32 = arith.constant 0 : i32
        %dma_wait3A_33 = tpu.memref_slice %arg6[%arg0, %add3A_24, %dma_wait3A_32] : memref<2x10240x128xf32, #tpu.memory_space<hbm>> -> memref<1x128x128xf32, #tpu.memory_space<hbm>>
        %dma_wait3A_34 = tpu.memref_squeeze %dma_wait3A_33 : memref<1x128x128xf32, #tpu.memory_space<hbm>> -> memref<128x128xf32, #tpu.memory_space<hbm>>
        tpu.wait_dma2 semaphore(%run_scoped3A : memref<!tpu.dma_semaphore, #tpu.memory_space<semaphore_mem>>) src(%arg9 : memref<128x128xf32, #tpu.memory_space<vmem>>) dst(%dma_wait3A_34 : memref<128x128xf32, #tpu.memory_space<hbm>>)
        tpu.yield
      }) : () -> ()
    }
    %scan3A_20 = arith.constant 5 : i32
    return
  }
}

#map = affine_map<(d0, d1) -> (0, 0, 0)>
#map1 = affine_map<(d0, d1) -> (0, 0)>
module attributes {stable_mosaic.version = 14 : i64} {
  func.func @_segsum_body(%arg0: i32, %arg1: i32, %arg2: memref<32x80x128xi32, #tpu.memory_space<hbm>>, %arg3: memref<32x80x128xi32, #tpu.memory_space<hbm>>, %arg4: memref<10240x128xf32, #tpu.memory_space<hbm>>, %arg5: memref<128x128xf32, #tpu.memory_space<hbm>>, %arg6: memref<2x10240x128xf32, #tpu.memory_space<hbm>>, %arg7: memref<80x128xi32, #tpu.memory_space<vmem>>, %arg8: memref<80x128xi32, #tpu.memory_space<vmem>>, %arg9: memref<128x128xf32, #tpu.memory_space<vmem>>, %arg10: memref<10240x128xf32, #tpu.memory_space<vmem_shared>>, %arg11: memref<!tpu.dma_semaphore, #tpu.memory_space<semaphore_mem>>) attributes {dimension_semantics = [#tpu.dimension_semantics<core_parallel>, #tpu.dimension_semantics<subcore_parallel>], iteration_bounds = array<i64: 2, 16>, scalar_prefetch = 0 : i64, scratch_operands = 5 : i64, tpu.core_type = #tpu.core_type<sc_vector_subcore>, window_params = [{transform_indices = #map}, {transform_indices = #map}, {transform_indices = #map1}, {transform_indices = #map1}, {transform_indices = #map}]} {
    %mul3A = arith.constant 16 : i32
    %mul3A_0 = arith.muli %arg0, %mul3A : i32
    %add3A = arith.addi %mul3A_0, %arg1 : i32
    "tpu.region"() ({
      %run_scoped3A = tpu.sem_alloc : memref<!tpu.dma_semaphore, #tpu.memory_space<semaphore_mem>>
      %dma_start3A = arith.constant 0 : i32
      %dma_start3A_21 = arith.constant 0 : i32
      %dma_start3A_22 = tpu.memref_slice %arg2[%add3A, %dma_start3A, %dma_start3A_21] : memref<32x80x128xi32, #tpu.memory_space<hbm>> -> memref<1x80x128xi32, #tpu.memory_space<hbm>>
      %dma_start3A_23 = tpu.memref_squeeze %dma_start3A_22 : memref<1x80x128xi32, #tpu.memory_space<hbm>> -> memref<80x128xi32, #tpu.memory_space<hbm>>
      %dma_start3A_24 = arith.constant 0 : i32
      %dma_start3A_25 = arith.constant 0 : i32
      %dma_start3A_26 = tpu.memref_slice %arg2[%add3A, %dma_start3A_24, %dma_start3A_25] : memref<32x80x128xi32, #tpu.memory_space<hbm>> -> memref<1x80x128xi32, #tpu.memory_space<hbm>>
      %dma_start3A_27 = tpu.memref_squeeze %dma_start3A_26 : memref<1x80x128xi32, #tpu.memory_space<hbm>> -> memref<80x128xi32, #tpu.memory_space<hbm>>
      tpu.enqueue_dma source(%dma_start3A_27 : memref<80x128xi32, #tpu.memory_space<hbm>>) target(%arg7 : memref<80x128xi32, #tpu.memory_space<vmem>>) target_semaphore(%run_scoped3A : memref<!tpu.dma_semaphore, #tpu.memory_space<semaphore_mem>>)
      %dma_wait3A = arith.constant 0 : i32
      %dma_wait3A_28 = arith.constant 0 : i32
      %dma_wait3A_29 = tpu.memref_slice %arg2[%add3A, %dma_wait3A, %dma_wait3A_28] : memref<32x80x128xi32, #tpu.memory_space<hbm>> -> memref<1x80x128xi32, #tpu.memory_space<hbm>>
      %dma_wait3A_30 = tpu.memref_squeeze %dma_wait3A_29 : memref<1x80x128xi32, #tpu.memory_space<hbm>> -> memref<80x128xi32, #tpu.memory_space<hbm>>
      %dma_wait3A_31 = arith.constant 0 : i32
      %dma_wait3A_32 = arith.constant 0 : i32
      %dma_wait3A_33 = tpu.memref_slice %arg2[%add3A, %dma_wait3A_31, %dma_wait3A_32] : memref<32x80x128xi32, #tpu.memory_space<hbm>> -> memref<1x80x128xi32, #tpu.memory_space<hbm>>
      %dma_wait3A_34 = tpu.memref_squeeze %dma_wait3A_33 : memref<1x80x128xi32, #tpu.memory_space<hbm>> -> memref<80x128xi32, #tpu.memory_space<hbm>>
      tpu.wait_dma2 semaphore(%run_scoped3A : memref<!tpu.dma_semaphore, #tpu.memory_space<semaphore_mem>>) src(%dma_wait3A_34 : memref<80x128xi32, #tpu.memory_space<hbm>>) dst(%arg7 : memref<80x128xi32, #tpu.memory_space<vmem>>)
      tpu.yield
    }) : () -> ()
    "tpu.region"() ({
      %run_scoped3A = tpu.sem_alloc : memref<!tpu.dma_semaphore, #tpu.memory_space<semaphore_mem>>
      %dma_start3A = arith.constant 0 : i32
      %dma_start3A_21 = arith.constant 0 : i32
      %dma_start3A_22 = tpu.memref_slice %arg3[%add3A, %dma_start3A, %dma_start3A_21] : memref<32x80x128xi32, #tpu.memory_space<hbm>> -> memref<1x80x128xi32, #tpu.memory_space<hbm>>
      %dma_start3A_23 = tpu.memref_squeeze %dma_start3A_22 : memref<1x80x128xi32, #tpu.memory_space<hbm>> -> memref<80x128xi32, #tpu.memory_space<hbm>>
      %dma_start3A_24 = arith.constant 0 : i32
      %dma_start3A_25 = arith.constant 0 : i32
      %dma_start3A_26 = tpu.memref_slice %arg3[%add3A, %dma_start3A_24, %dma_start3A_25] : memref<32x80x128xi32, #tpu.memory_space<hbm>> -> memref<1x80x128xi32, #tpu.memory_space<hbm>>
      %dma_start3A_27 = tpu.memref_squeeze %dma_start3A_26 : memref<1x80x128xi32, #tpu.memory_space<hbm>> -> memref<80x128xi32, #tpu.memory_space<hbm>>
      tpu.enqueue_dma source(%dma_start3A_27 : memref<80x128xi32, #tpu.memory_space<hbm>>) target(%arg8 : memref<80x128xi32, #tpu.memory_space<vmem>>) target_semaphore(%run_scoped3A : memref<!tpu.dma_semaphore, #tpu.memory_space<semaphore_mem>>)
      %dma_wait3A = arith.constant 0 : i32
      %dma_wait3A_28 = arith.constant 0 : i32
      %dma_wait3A_29 = tpu.memref_slice %arg3[%add3A, %dma_wait3A, %dma_wait3A_28] : memref<32x80x128xi32, #tpu.memory_space<hbm>> -> memref<1x80x128xi32, #tpu.memory_space<hbm>>
      %dma_wait3A_30 = tpu.memref_squeeze %dma_wait3A_29 : memref<1x80x128xi32, #tpu.memory_space<hbm>> -> memref<80x128xi32, #tpu.memory_space<hbm>>
      %dma_wait3A_31 = arith.constant 0 : i32
      %dma_wait3A_32 = arith.constant 0 : i32
      %dma_wait3A_33 = tpu.memref_slice %arg3[%add3A, %dma_wait3A_31, %dma_wait3A_32] : memref<32x80x128xi32, #tpu.memory_space<hbm>> -> memref<1x80x128xi32, #tpu.memory_space<hbm>>
      %dma_wait3A_34 = tpu.memref_squeeze %dma_wait3A_33 : memref<1x80x128xi32, #tpu.memory_space<hbm>> -> memref<80x128xi32, #tpu.memory_space<hbm>>
      tpu.wait_dma2 semaphore(%run_scoped3A : memref<!tpu.dma_semaphore, #tpu.memory_space<semaphore_mem>>) src(%dma_wait3A_34 : memref<80x128xi32, #tpu.memory_space<hbm>>) dst(%arg8 : memref<80x128xi32, #tpu.memory_space<vmem>>)
      tpu.yield
    }) : () -> ()
    "tpu.region"() ({
      %run_scoped3A = tpu.sem_alloc : memref<!tpu.dma_semaphore, #tpu.memory_space<semaphore_mem>>
      tpu.enqueue_dma source(%arg5 : memref<128x128xf32, #tpu.memory_space<hbm>>) target(%arg9 : memref<128x128xf32, #tpu.memory_space<vmem>>) target_semaphore(%run_scoped3A : memref<!tpu.dma_semaphore, #tpu.memory_space<semaphore_mem>>)
      tpu.wait_dma2 semaphore(%run_scoped3A : memref<!tpu.dma_semaphore, #tpu.memory_space<semaphore_mem>>) src(%arg5 : memref<128x128xf32, #tpu.memory_space<hbm>>) dst(%arg9 : memref<128x128xf32, #tpu.memory_space<vmem>>)
      tpu.yield
    }) : () -> ()
    %mul3A_1 = arith.constant 640 : i32
    %mul3A_2 = arith.muli %arg1, %mul3A_1 : i32
    %scan3A = arith.constant 0 : i32
    %scan3A_3 = arith.constant 0 : i32
    %scan3A_4 = arith.constant 5 : i32
    %scan3A_5 = arith.addi %scan3A_3, %scan3A_4 : i32
    %scan3A_6 = arith.constant 1 : i32
    scf.for %scan3A_21 = %scan3A_3 to %scan3A_5 step %scan3A_6  : i32 {
      %mul3A_22 = arith.constant 128 : i32
      %mul3A_23 = arith.muli %scan3A_21, %mul3A_22 : i32
      %add3A_24 = arith.addi %mul3A_2, %mul3A_23 : i32
      "tpu.region"() ({
        %run_scoped3A = tpu.sem_alloc : memref<!tpu.dma_semaphore, #tpu.memory_space<semaphore_mem>>
        %dma_start3A = arith.constant 0 : i32
        %dma_start3A_25 = tpu.memref_slice %arg10[%add3A_24, %dma_start3A] : memref<10240x128xf32, #tpu.memory_space<vmem_shared>> -> memref<128x128xf32, #tpu.memory_space<vmem_shared>>
        %dma_start3A_26 = arith.constant 0 : i32
        %dma_start3A_27 = tpu.memref_slice %arg10[%add3A_24, %dma_start3A_26] : memref<10240x128xf32, #tpu.memory_space<vmem_shared>> -> memref<128x128xf32, #tpu.memory_space<vmem_shared>>
        tpu.enqueue_dma source(%arg9 : memref<128x128xf32, #tpu.memory_space<vmem>>) target(%dma_start3A_27 : memref<128x128xf32, #tpu.memory_space<vmem_shared>>) target_semaphore(%run_scoped3A : memref<!tpu.dma_semaphore, #tpu.memory_space<semaphore_mem>>)
        %dma_wait3A = arith.constant 0 : i32
        %dma_wait3A_28 = tpu.memref_slice %arg10[%add3A_24, %dma_wait3A] : memref<10240x128xf32, #tpu.memory_space<vmem_shared>> -> memref<128x128xf32, #tpu.memory_space<vmem_shared>>
        %dma_wait3A_29 = arith.constant 0 : i32
        %dma_wait3A_30 = tpu.memref_slice %arg10[%add3A_24, %dma_wait3A_29] : memref<10240x128xf32, #tpu.memory_space<vmem_shared>> -> memref<128x128xf32, #tpu.memory_space<vmem_shared>>
        tpu.wait_dma2 semaphore(%run_scoped3A : memref<!tpu.dma_semaphore, #tpu.memory_space<semaphore_mem>>) src(%arg9 : memref<128x128xf32, #tpu.memory_space<vmem>>) dst(%dma_wait3A_30 : memref<128x128xf32, #tpu.memory_space<vmem_shared>>)
        tpu.yield
      }) : () -> ()
    }
    %scan3A_7 = arith.constant 5 : i32
    %barrier3A = arith.constant 0 : index
    tpu.barrier barrier_id(%barrier3A)
    %scan3A_8 = arith.constant 0 : i32
    %scan3A_9 = arith.constant 0 : i32
    %scan3A_10 = arith.constant 80 : i32
    %scan3A_11 = arith.addi %scan3A_9, %scan3A_10 : i32
    %scan3A_12 = arith.constant 1 : i32
    scf.for %scan3A_21 = %scan3A_9 to %scan3A_11 step %scan3A_12  : i32 {
      %dma_start3A = arith.constant 0 : i32
      %dma_start3A_22 = tpu.memref_slice %arg7[%scan3A_21, %dma_start3A] : memref<80x128xi32, #tpu.memory_space<vmem>> -> memref<1x128xi32, #tpu.memory_space<vmem>>
      %dma_start3A_23 = tpu.memref_squeeze %dma_start3A_22 : memref<1x128xi32, #tpu.memory_space<vmem>> -> memref<128xi32, #tpu.memory_space<vmem>>
      %dma_start3A_24 = arith.constant 0 : i32
      %dma_start3A_25 = arith.constant 0 : i32
      %dma_start3A_26 = tpu.memref_slice %arg4[%dma_start3A_24, %dma_start3A_25] : memref<10240x128xf32, #tpu.memory_space<hbm>> -> memref<10240x128xf32, #tpu.memory_space<hbm>>
      tpu.enqueue_indirect_dma source(%dma_start3A_26 : memref<10240x128xf32, #tpu.memory_space<hbm>>) target(%arg9 : memref<128x128xf32, #tpu.memory_space<vmem>>) offsets(%dma_start3A_23 : memref<128xi32, #tpu.memory_space<vmem>>) semaphore(%arg11 : memref<!tpu.dma_semaphore, #tpu.memory_space<semaphore_mem>>)
      %dma_wait3A = arith.constant 0 : i32
      %dma_wait3A_27 = tpu.memref_slice %arg7[%scan3A_21, %dma_wait3A] : memref<80x128xi32, #tpu.memory_space<vmem>> -> memref<1x128xi32, #tpu.memory_space<vmem>>
      %dma_wait3A_28 = tpu.memref_squeeze %dma_wait3A_27 : memref<1x128xi32, #tpu.memory_space<vmem>> -> memref<128xi32, #tpu.memory_space<vmem>>
      %dma_wait3A_29 = arith.constant 0 : i32
      %dma_wait3A_30 = arith.constant 0 : i32
      %dma_wait3A_31 = tpu.memref_slice %arg4[%dma_wait3A_29, %dma_wait3A_30] : memref<10240x128xf32, #tpu.memory_space<hbm>> -> memref<10240x128xf32, #tpu.memory_space<hbm>>
      tpu.wait_indirect_dma semaphore(%arg11 : memref<!tpu.dma_semaphore, #tpu.memory_space<semaphore_mem>>) src(%dma_wait3A_31 : memref<10240x128xf32, #tpu.memory_space<hbm>>) dst(%arg9 : memref<128x128xf32, #tpu.memory_space<vmem>>)
      "tpu.region"() ({
        %run_scoped3A = tpu.sem_alloc : memref<!tpu.dma_semaphore, #tpu.memory_space<semaphore_mem>>
        %dma_start3A_32 = arith.constant 0 : i32
        %dma_start3A_33 = tpu.memref_slice %arg8[%scan3A_21, %dma_start3A_32] : memref<80x128xi32, #tpu.memory_space<vmem>> -> memref<1x128xi32, #tpu.memory_space<vmem>>
        %dma_start3A_34 = tpu.memref_squeeze %dma_start3A_33 : memref<1x128xi32, #tpu.memory_space<vmem>> -> memref<128xi32, #tpu.memory_space<vmem>>
        %dma_start3A_35 = arith.constant 0 : i32
        %dma_start3A_36 = arith.constant 0 : i32
        %dma_start3A_37 = tpu.memref_slice %arg10[%dma_start3A_35, %dma_start3A_36] : memref<10240x128xf32, #tpu.memory_space<vmem_shared>> -> memref<10240x128xf32, #tpu.memory_space<vmem_shared>>
        tpu.enqueue_indirect_dma source(%arg9 : memref<128x128xf32, #tpu.memory_space<vmem>>) target(%dma_start3A_37 : memref<10240x128xf32, #tpu.memory_space<vmem_shared>>) offsets(%dma_start3A_34 : memref<128xi32, #tpu.memory_space<vmem>>) semaphore(%run_scoped3A : memref<!tpu.dma_semaphore, #tpu.memory_space<semaphore_mem>>) {add = true}
        %dma_wait3A_38 = arith.constant 0 : i32
        %dma_wait3A_39 = tpu.memref_slice %arg8[%scan3A_21, %dma_wait3A_38] : memref<80x128xi32, #tpu.memory_space<vmem>> -> memref<1x128xi32, #tpu.memory_space<vmem>>
        %dma_wait3A_40 = tpu.memref_squeeze %dma_wait3A_39 : memref<1x128xi32, #tpu.memory_space<vmem>> -> memref<128xi32, #tpu.memory_space<vmem>>
        %dma_wait3A_41 = arith.constant 0 : i32
        %dma_wait3A_42 = arith.constant 0 : i32
        %dma_wait3A_43 = tpu.memref_slice %arg10[%dma_wait3A_41, %dma_wait3A_42] : memref<10240x128xf32, #tpu.memory_space<vmem_shared>> -> memref<10240x128xf32, #tpu.memory_space<vmem_shared>>
        tpu.wait_indirect_dma semaphore(%run_scoped3A : memref<!tpu.dma_semaphore, #tpu.memory_space<semaphore_mem>>) src(%arg9 : memref<128x128xf32, #tpu.memory_space<vmem>>) dst(%dma_wait3A_43 : memref<10240x128xf32, #tpu.memory_space<vmem_shared>>)
        tpu.yield
      }) : () -> ()
    }
    %scan3A_13 = arith.constant 80 : i32
    %barrier3A_14 = arith.constant 0 : index
    tpu.barrier barrier_id(%barrier3A_14)
    %scan3A_15 = arith.constant 0 : i32
    %scan3A_16 = arith.constant 0 : i32
    %scan3A_17 = arith.constant 5 : i32
    %scan3A_18 = arith.addi %scan3A_16, %scan3A_17 : i32
    %scan3A_19 = arith.constant 1 : i32
    scf.for %scan3A_21 = %scan3A_16 to %scan3A_18 step %scan3A_19  : i32 {
      %mul3A_22 = arith.constant 128 : i32
      %mul3A_23 = arith.muli %scan3A_21, %mul3A_22 : i32
      %add3A_24 = arith.addi %mul3A_2, %mul3A_23 : i32
      "tpu.region"() ({
        %run_scoped3A = tpu.sem_alloc : memref<!tpu.dma_semaphore, #tpu.memory_space<semaphore_mem>>
        %dma_start3A = arith.constant 0 : i32
        %dma_start3A_25 = tpu.memref_slice %arg10[%add3A_24, %dma_start3A] : memref<10240x128xf32, #tpu.memory_space<vmem_shared>> -> memref<128x128xf32, #tpu.memory_space<vmem_shared>>
        %dma_start3A_26 = arith.constant 0 : i32
        %dma_start3A_27 = tpu.memref_slice %arg10[%add3A_24, %dma_start3A_26] : memref<10240x128xf32, #tpu.memory_space<vmem_shared>> -> memref<128x128xf32, #tpu.memory_space<vmem_shared>>
        tpu.enqueue_dma source(%dma_start3A_27 : memref<128x128xf32, #tpu.memory_space<vmem_shared>>) target(%arg9 : memref<128x128xf32, #tpu.memory_space<vmem>>) target_semaphore(%run_scoped3A : memref<!tpu.dma_semaphore, #tpu.memory_space<semaphore_mem>>)
        %dma_wait3A = arith.constant 0 : i32
        %dma_wait3A_28 = tpu.memref_slice %arg10[%add3A_24, %dma_wait3A] : memref<10240x128xf32, #tpu.memory_space<vmem_shared>> -> memref<128x128xf32, #tpu.memory_space<vmem_shared>>
        %dma_wait3A_29 = arith.constant 0 : i32
        %dma_wait3A_30 = tpu.memref_slice %arg10[%add3A_24, %dma_wait3A_29] : memref<10240x128xf32, #tpu.memory_space<vmem_shared>> -> memref<128x128xf32, #tpu.memory_space<vmem_shared>>
        tpu.wait_dma2 semaphore(%run_scoped3A : memref<!tpu.dma_semaphore, #tpu.memory_space<semaphore_mem>>) src(%dma_wait3A_30 : memref<128x128xf32, #tpu.memory_space<vmem_shared>>) dst(%arg9 : memref<128x128xf32, #tpu.memory_space<vmem>>)
        tpu.yield
      }) : () -> ()
      "tpu.region"() ({
        %run_scoped3A = tpu.sem_alloc : memref<!tpu.dma_semaphore, #tpu.memory_space<semaphore_mem>>
        %dma_start3A = arith.constant 0 : i32
        %dma_start3A_25 = tpu.memref_slice %arg6[%arg0, %add3A_24, %dma_start3A] : memref<2x10240x128xf32, #tpu.memory_space<hbm>> -> memref<1x128x128xf32, #tpu.memory_space<hbm>>
        %dma_start3A_26 = tpu.memref_squeeze %dma_start3A_25 : memref<1x128x128xf32, #tpu.memory_space<hbm>> -> memref<128x128xf32, #tpu.memory_space<hbm>>
        %dma_start3A_27 = arith.constant 0 : i32
        %dma_start3A_28 = tpu.memref_slice %arg6[%arg0, %add3A_24, %dma_start3A_27] : memref<2x10240x128xf32, #tpu.memory_space<hbm>> -> memref<1x128x128xf32, #tpu.memory_space<hbm>>
        %dma_start3A_29 = tpu.memref_squeeze %dma_start3A_28 : memref<1x128x128xf32, #tpu.memory_space<hbm>> -> memref<128x128xf32, #tpu.memory_space<hbm>>
        tpu.enqueue_dma source(%arg9 : memref<128x128xf32, #tpu.memory_space<vmem>>) target(%dma_start3A_29 : memref<128x128xf32, #tpu.memory_space<hbm>>) target_semaphore(%run_scoped3A : memref<!tpu.dma_semaphore, #tpu.memory_space<semaphore_mem>>)
        %dma_wait3A = arith.constant 0 : i32
        %dma_wait3A_30 = tpu.memref_slice %arg6[%arg0, %add3A_24, %dma_wait3A] : memref<2x10240x128xf32, #tpu.memory_space<hbm>> -> memref<1x128x128xf32, #tpu.memory_space<hbm>>
        %dma_wait3A_31 = tpu.memref_squeeze %dma_wait3A_30 : memref<1x128x128xf32, #tpu.memory_space<hbm>> -> memref<128x128xf32, #tpu.memory_space<hbm>>
        %dma_wait3A_32 = arith.constant 0 : i32
        %dma_wait3A_33 = tpu.memref_slice %arg6[%arg0, %add3A_24, %dma_wait3A_32] : memref<2x10240x128xf32, #tpu.memory_space<hbm>> -> memref<1x128x128xf32, #tpu.memory_space<hbm>>
        %dma_wait3A_34 = tpu.memref_squeeze %dma_wait3A_33 : memref<1x128x128xf32, #tpu.memory_space<hbm>> -> memref<128x128xf32, #tpu.memory_space<hbm>>
        tpu.wait_dma2 semaphore(%run_scoped3A : memref<!tpu.dma_semaphore, #tpu.memory_space<semaphore_mem>>) src(%arg9 : memref<128x128xf32, #tpu.memory_space<vmem>>) dst(%dma_wait3A_34 : memref<128x128xf32, #tpu.memory_space<hbm>>)
        tpu.yield
      }) : () -> ()
    }
    %scan3A_20 = arith.constant 5 : i32
    return
  }
}

#map = affine_map<(d0, d1) -> (0, 0)>
module attributes {stable_mosaic.version = 14 : i64} {
  func.func @_gather_body(%arg0: i32, %arg1: i32, %arg2: memref<10240x128xf32, #tpu.memory_space<hbm>>, %arg3: memref<32x64xi32, #tpu.memory_space<hbm>>, %arg4: memref<2048x128xf32, #tpu.memory_space<hbm>>, %arg5: memref<64xi32, #tpu.memory_space<vmem>>, %arg6: memref<64x128xf32, #tpu.memory_space<vmem>>, %arg7: memref<!tpu.dma_semaphore, #tpu.memory_space<semaphore_mem>>) attributes {dimension_semantics = [#tpu.dimension_semantics<core_parallel>, #tpu.dimension_semantics<subcore_parallel>], iteration_bounds = array<i64: 2, 16>, scalar_prefetch = 0 : i64, scratch_operands = 3 : i64, tpu.core_type = #tpu.core_type<sc_vector_subcore>, window_params = [{transform_indices = #map}, {transform_indices = #map}, {transform_indices = #map}]} {
    %mul3A = arith.constant 16 : i32
    %mul3A_0 = arith.muli %arg0, %mul3A : i32
    %add3A = arith.addi %mul3A_0, %arg1 : i32
    "tpu.region"() ({
      %run_scoped3A = tpu.sem_alloc : memref<!tpu.dma_semaphore, #tpu.memory_space<semaphore_mem>>
      %dma_start3A_7 = arith.constant 0 : i32
      %dma_start3A_8 = tpu.memref_slice %arg3[%add3A, %dma_start3A_7] : memref<32x64xi32, #tpu.memory_space<hbm>> -> memref<1x64xi32, #tpu.memory_space<hbm>>
      %dma_start3A_9 = tpu.memref_squeeze %dma_start3A_8 : memref<1x64xi32, #tpu.memory_space<hbm>> -> memref<64xi32, #tpu.memory_space<hbm>>
      %dma_start3A_10 = arith.constant 0 : i32
      %dma_start3A_11 = tpu.memref_slice %arg3[%add3A, %dma_start3A_10] : memref<32x64xi32, #tpu.memory_space<hbm>> -> memref<1x64xi32, #tpu.memory_space<hbm>>
      %dma_start3A_12 = tpu.memref_squeeze %dma_start3A_11 : memref<1x64xi32, #tpu.memory_space<hbm>> -> memref<64xi32, #tpu.memory_space<hbm>>
      tpu.enqueue_dma source(%dma_start3A_12 : memref<64xi32, #tpu.memory_space<hbm>>) target(%arg5 : memref<64xi32, #tpu.memory_space<vmem>>) target_semaphore(%run_scoped3A : memref<!tpu.dma_semaphore, #tpu.memory_space<semaphore_mem>>)
      %dma_wait3A_13 = arith.constant 0 : i32
      %dma_wait3A_14 = tpu.memref_slice %arg3[%add3A, %dma_wait3A_13] : memref<32x64xi32, #tpu.memory_space<hbm>> -> memref<1x64xi32, #tpu.memory_space<hbm>>
      %dma_wait3A_15 = tpu.memref_squeeze %dma_wait3A_14 : memref<1x64xi32, #tpu.memory_space<hbm>> -> memref<64xi32, #tpu.memory_space<hbm>>
      %dma_wait3A_16 = arith.constant 0 : i32
      %dma_wait3A_17 = tpu.memref_slice %arg3[%add3A, %dma_wait3A_16] : memref<32x64xi32, #tpu.memory_space<hbm>> -> memref<1x64xi32, #tpu.memory_space<hbm>>
      %dma_wait3A_18 = tpu.memref_squeeze %dma_wait3A_17 : memref<1x64xi32, #tpu.memory_space<hbm>> -> memref<64xi32, #tpu.memory_space<hbm>>
      tpu.wait_dma2 semaphore(%run_scoped3A : memref<!tpu.dma_semaphore, #tpu.memory_space<semaphore_mem>>) src(%dma_wait3A_18 : memref<64xi32, #tpu.memory_space<hbm>>) dst(%arg5 : memref<64xi32, #tpu.memory_space<vmem>>)
      tpu.yield
    }) : () -> ()
    %dma_start3A = arith.constant 0 : i32
    %dma_start3A_1 = arith.constant 0 : i32
    %dma_start3A_2 = tpu.memref_slice %arg2[%dma_start3A, %dma_start3A_1] : memref<10240x128xf32, #tpu.memory_space<hbm>> -> memref<10240x128xf32, #tpu.memory_space<hbm>>
    tpu.enqueue_indirect_dma source(%dma_start3A_2 : memref<10240x128xf32, #tpu.memory_space<hbm>>) target(%arg6 : memref<64x128xf32, #tpu.memory_space<vmem>>) offsets(%arg5 : memref<64xi32, #tpu.memory_space<vmem>>) semaphore(%arg7 : memref<!tpu.dma_semaphore, #tpu.memory_space<semaphore_mem>>)
    %dma_wait3A = arith.constant 0 : i32
    %dma_wait3A_3 = arith.constant 0 : i32
    %dma_wait3A_4 = tpu.memref_slice %arg2[%dma_wait3A, %dma_wait3A_3] : memref<10240x128xf32, #tpu.memory_space<hbm>> -> memref<10240x128xf32, #tpu.memory_space<hbm>>
    tpu.wait_indirect_dma semaphore(%arg7 : memref<!tpu.dma_semaphore, #tpu.memory_space<semaphore_mem>>) src(%dma_wait3A_4 : memref<10240x128xf32, #tpu.memory_space<hbm>>) dst(%arg6 : memref<64x128xf32, #tpu.memory_space<vmem>>)
    %mul3A_5 = arith.constant 64 : i32
    %mul3A_6 = arith.muli %add3A, %mul3A_5 : i32
    "tpu.region"() ({
      %run_scoped3A = tpu.sem_alloc : memref<!tpu.dma_semaphore, #tpu.memory_space<semaphore_mem>>
      %dma_start3A_7 = arith.constant 0 : i32
      %dma_start3A_8 = tpu.memref_slice %arg4[%mul3A_6, %dma_start3A_7] : memref<2048x128xf32, #tpu.memory_space<hbm>> -> memref<64x128xf32, #tpu.memory_space<hbm>>
      %dma_start3A_9 = arith.constant 0 : i32
      %dma_start3A_10 = tpu.memref_slice %arg4[%mul3A_6, %dma_start3A_9] : memref<2048x128xf32, #tpu.memory_space<hbm>> -> memref<64x128xf32, #tpu.memory_space<hbm>>
      tpu.enqueue_dma source(%arg6 : memref<64x128xf32, #tpu.memory_space<vmem>>) target(%dma_start3A_10 : memref<64x128xf32, #tpu.memory_space<hbm>>) target_semaphore(%run_scoped3A : memref<!tpu.dma_semaphore, #tpu.memory_space<semaphore_mem>>)
      %dma_wait3A_11 = arith.constant 0 : i32
      %dma_wait3A_12 = tpu.memref_slice %arg4[%mul3A_6, %dma_wait3A_11] : memref<2048x128xf32, #tpu.memory_space<hbm>> -> memref<64x128xf32, #tpu.memory_space<hbm>>
      %dma_wait3A_13 = arith.constant 0 : i32
      %dma_wait3A_14 = tpu.memref_slice %arg4[%mul3A_6, %dma_wait3A_13] : memref<2048x128xf32, #tpu.memory_space<hbm>> -> memref<64x128xf32, #tpu.memory_space<hbm>>
      tpu.wait_dma2 semaphore(%run_scoped3A : memref<!tpu.dma_semaphore, #tpu.memory_space<semaphore_mem>>) src(%arg6 : memref<64x128xf32, #tpu.memory_space<vmem>>) dst(%dma_wait3A_14 : memref<64x128xf32, #tpu.memory_space<hbm>>)
      tpu.yield
    }) : () -> ()
    return
  }
}

module attributes {stable_mosaic.version = 14 : i64} {
  func.func @_init_body(%arg0: i32, %arg1: memref<2048x128xf32, #tpu.memory_space<vmem>>, %arg2: memref<128x128xf32, #tpu.memory_space<vmem>>, %arg3: memref<1x128xf32, #tpu.memory_space<vmem>>, %arg4: memref<128x128xf32, #tpu.memory_space<vmem>>, %arg5: memref<2048x128xf32, #tpu.memory_space<vmem>>, %arg6: memref<2048x128xf32, #tpu.memory_space<vmem>>) attributes {dimension_semantics = [#tpu.dimension_semantics<arbitrary>], iteration_bounds = array<i64: 5>, scalar_prefetch = 0 : i64, scratch_operands = 0 : i64, tpu.core_type = #tpu.core_type<tc>, window_params = [{transform_indices = @transform_0, window_bounds = array<i64: 2048, 128>}, {pipeline_mode = #tpu.pipeline_mode<synchronous>, transform_indices = @transform_1, window_bounds = array<i64: 128, 128>}, {pipeline_mode = #tpu.pipeline_mode<synchronous>, transform_indices = @transform_2, window_bounds = array<i64: 1, 128>}, {pipeline_mode = #tpu.pipeline_mode<synchronous>, transform_indices = @transform_3, window_bounds = array<i64: 128, 128>}, {transform_indices = @transform_4, window_bounds = array<i64: 2048, 128>}, {transform_indices = @transform_5, window_bounds = array<i64: 2048, 128>}]} {
    %get3A = arith.constant 0 : index
    %get3A_0 = arith.constant 0 : index
    %get3A_1 = vector.load %arg1[%get3A, %get3A_0] : memref<2048x128xf32, #tpu.memory_space<vmem>>, vector<2048x128xf32>
    %get3A_2 = arith.constant 0 : index
    %get3A_3 = arith.constant 0 : index
    %get3A_4 = vector.load %arg2[%get3A_2, %get3A_3] : memref<128x128xf32, #tpu.memory_space<vmem>>, vector<128x128xf32>
    %dot_general3A = arith.constant dense<0.000000e+00> : vector<2048x128xf32>
    %dot_general3A_5 = tpu.matmul %get3A_1, %get3A_4, %dot_general3A {dimension_numbers = #tpu.dot_dimension_numbers<[1], [0], [0], [1], [0, 0, 1, 1], [], []>, transpose_lhs_hint = false} : vector<2048x128xf32>, vector<128x128xf32>, vector<2048x128xf32> -> vector<2048x128xf32>
    %get3A_6 = arith.constant 0 : index
    %get3A_7 = arith.constant 0 : index
    %get3A_8 = vector.load %arg3[%get3A_6, %get3A_7] : memref<1x128xf32, #tpu.memory_space<vmem>>, vector<1x128xf32>
    %add3A = vector.broadcast %get3A_8 : vector<1x128xf32> to vector<2048x128xf32>
    %add3A_9 = arith.addf %dot_general3A_5, %add3A : vector<2048x128xf32>
    %swap3A = arith.constant 0 : index
    %swap3A_10 = arith.constant 0 : index
    %swap3A_11 = vector.load %arg5[%swap3A, %swap3A_10] : memref<2048x128xf32, #tpu.memory_space<vmem>>, vector<2048x128xf32>
    tpu.vector_store %arg5[%swap3A, %swap3A_10], %add3A_9 {strides = array<i32>} : memref<2048x128xf32, #tpu.memory_space<vmem>>, vector<2048x128xf32>,
    %get3A_12 = arith.constant 0 : index
    %get3A_13 = arith.constant 0 : index
    %get3A_14 = vector.load %arg4[%get3A_12, %get3A_13] : memref<128x128xf32, #tpu.memory_space<vmem>>, vector<128x128xf32>
    %dot_general3A_15 = arith.constant dense<0.000000e+00> : vector<2048x128xf32>
    %dot_general3A_16 = tpu.matmul %add3A_9, %get3A_14, %dot_general3A_15 {dimension_numbers = #tpu.dot_dimension_numbers<[1], [0], [0], [1], [0, 0, 1, 1], [], []>, transpose_lhs_hint = false} : vector<2048x128xf32>, vector<128x128xf32>, vector<2048x128xf32> -> vector<2048x128xf32>
    %swap3A_17 = arith.constant 0 : index
    %swap3A_18 = arith.constant 0 : index
    %swap3A_19 = vector.load %arg6[%swap3A_17, %swap3A_18] : memref<2048x128xf32, #tpu.memory_space<vmem>>, vector<2048x128xf32>
    tpu.vector_store %arg6[%swap3A_17, %swap3A_18], %dot_general3A_16 {strides = array<i32>} : memref<2048x128xf32, #tpu.memory_space<vmem>>, vector<2048x128xf32>,
    return
  }
  func.func @transform_0(%arg0: i32) -> (i32, i32) {
    %c0_i32 = arith.constant 0 : i32
    %c0_i32_0 = arith.constant 0 : i32
    return %arg0, %c0_i32 : i32, i32
  }
  func.func @transform_1(%arg0: i32) -> (i32, i32) {
    %c0_i32 = arith.constant 0 : i32
    %c0_i32_0 = arith.constant 0 : i32
    %c0_i32_1 = arith.constant 0 : i32
    return %c0_i32, %c0_i32_0 : i32, i32
  }
  func.func @transform_2(%arg0: i32) -> (i32, i32) {
    %c0_i32 = arith.constant 0 : i32
    %c0_i32_0 = arith.constant 0 : i32
    %c0_i32_1 = arith.constant 0 : i32
    return %c0_i32, %c0_i32_0 : i32, i32
  }
  func.func @transform_3(%arg0: i32) -> (i32, i32) {
    %c0_i32 = arith.constant 0 : i32
    %c0_i32_0 = arith.constant 0 : i32
    %c0_i32_1 = arith.constant 0 : i32
    return %c0_i32, %c0_i32_0 : i32, i32
  }
  func.func @transform_4(%arg0: i32) -> (i32, i32) {
    %c0_i32 = arith.constant 0 : i32
    %c0_i32_0 = arith.constant 0 : i32
    return %arg0, %c0_i32 : i32, i32
  }
  func.func @transform_5(%arg0: i32) -> (i32, i32) {
    %c0_i32 = arith.constant 0 : i32
    %c0_i32_0 = arith.constant 0 : i32
    return %arg0, %c0_i32 : i32, i32
  }
}

module attributes {stable_mosaic.version = 14 : i64} {
  func.func @_gru_body(%arg0: i32, %arg1: memref<2x2048x128xf32, #tpu.memory_space<vmem>>, %arg2: memref<2048x128xf32, #tpu.memory_space<vmem>>, %arg3: memref<128x384xf32, #tpu.memory_space<vmem>>, %arg4: memref<128x384xf32, #tpu.memory_space<vmem>>, %arg5: memref<1x384xf32, #tpu.memory_space<vmem>>, %arg6: memref<1x384xf32, #tpu.memory_space<vmem>>, %arg7: memref<128x128xf32, #tpu.memory_space<vmem>>, %arg8: memref<2048x128xf32, #tpu.memory_space<vmem>>, %arg9: memref<2048x128xf32, #tpu.memory_space<vmem>>) attributes {dimension_semantics = [#tpu.dimension_semantics<arbitrary>], iteration_bounds = array<i64: 5>, scalar_prefetch = 0 : i64, scratch_operands = 0 : i64, tpu.core_type = #tpu.core_type<tc>, window_params = [{transform_indices = @transform_0, window_bounds = array<i64: 2, 2048, 128>}, {transform_indices = @transform_1, window_bounds = array<i64: 2048, 128>}, {pipeline_mode = #tpu.pipeline_mode<synchronous>, transform_indices = @transform_2, window_bounds = array<i64: 128, 384>}, {pipeline_mode = #tpu.pipeline_mode<synchronous>, transform_indices = @transform_3, window_bounds = array<i64: 128, 384>}, {pipeline_mode = #tpu.pipeline_mode<synchronous>, transform_indices = @transform_4, window_bounds = array<i64: 1, 384>}, {pipeline_mode = #tpu.pipeline_mode<synchronous>, transform_indices = @transform_5, window_bounds = array<i64: 1, 384>}, {pipeline_mode = #tpu.pipeline_mode<synchronous>, transform_indices = @transform_6, window_bounds = array<i64: 128, 128>}, {transform_indices = @transform_7, window_bounds = array<i64: 2048, 128>}, {transform_indices = @transform_8, window_bounds = array<i64: 2048, 128>}]} {
    %get3A = arith.constant 0 : index
    %get3A_0 = arith.constant 0 : index
    %get3A_1 = arith.constant 0 : index
    %get3A_2 = vector.load %arg1[%get3A, %get3A_0, %get3A_1] : memref<2x2048x128xf32, #tpu.memory_space<vmem>>, vector<1x2048x128xf32>
    %get3A_3 = vector.shape_cast %get3A_2 : vector<1x2048x128xf32> to vector<2048x128xf32>
    %get3A_4 = arith.constant 1 : index
    %get3A_5 = arith.constant 0 : index
    %get3A_6 = arith.constant 0 : index
    %get3A_7 = vector.load %arg1[%get3A_4, %get3A_5, %get3A_6] : memref<2x2048x128xf32, #tpu.memory_space<vmem>>, vector<1x2048x128xf32>
    %get3A_8 = vector.shape_cast %get3A_7 : vector<1x2048x128xf32> to vector<2048x128xf32>
    %add3A = arith.addf %get3A_3, %get3A_8 : vector<2048x128xf32>
    %get3A_9 = arith.constant 0 : index
    %get3A_10 = arith.constant 0 : index
    %get3A_11 = vector.load %arg2[%get3A_9, %get3A_10] : memref<2048x128xf32, #tpu.memory_space<vmem>>, vector<2048x128xf32>
    %get3A_12 = arith.constant 0 : index
    %get3A_13 = arith.constant 0 : index
    %get3A_14 = vector.load %arg3[%get3A_12, %get3A_13] : memref<128x384xf32, #tpu.memory_space<vmem>>, vector<128x384xf32>
    %dot_general3A = arith.constant dense<0.000000e+00> : vector<2048x384xf32>
    %dot_general3A_15 = tpu.matmul %add3A, %get3A_14, %dot_general3A {dimension_numbers = #tpu.dot_dimension_numbers<[1], [0], [0], [1], [0, 0, 1, 1], [], []>, transpose_lhs_hint = false} : vector<2048x128xf32>, vector<128x384xf32>, vector<2048x384xf32> -> vector<2048x384xf32>
    %get3A_16 = arith.constant 0 : index
    %get3A_17 = arith.constant 0 : index
    %get3A_18 = vector.load %arg5[%get3A_16, %get3A_17] : memref<1x384xf32, #tpu.memory_space<vmem>>, vector<1x384xf32>
    %add3A_19 = vector.broadcast %get3A_18 : vector<1x384xf32> to vector<2048x384xf32>
    %add3A_20 = arith.addf %dot_general3A_15, %add3A_19 : vector<2048x384xf32>
    %get3A_21 = arith.constant 0 : index
    %get3A_22 = arith.constant 0 : index
    %get3A_23 = vector.load %arg4[%get3A_21, %get3A_22] : memref<128x384xf32, #tpu.memory_space<vmem>>, vector<128x384xf32>
    %dot_general3A_24 = arith.constant dense<0.000000e+00> : vector<2048x384xf32>
    %dot_general3A_25 = tpu.matmul %get3A_11, %get3A_23, %dot_general3A_24 {dimension_numbers = #tpu.dot_dimension_numbers<[1], [0], [0], [1], [0, 0, 1, 1], [], []>, transpose_lhs_hint = false} : vector<2048x128xf32>, vector<128x384xf32>, vector<2048x384xf32> -> vector<2048x384xf32>
    %get3A_26 = arith.constant 0 : index
    %get3A_27 = arith.constant 0 : index
    %get3A_28 = vector.load %arg6[%get3A_26, %get3A_27] : memref<1x384xf32, #tpu.memory_space<vmem>>, vector<1x384xf32>
    %add3A_29 = vector.broadcast %get3A_28 : vector<1x384xf32> to vector<2048x384xf32>
    %add3A_30 = arith.addf %dot_general3A_25, %add3A_29 : vector<2048x384xf32>
    %slice3A = vector.extract_strided_slice %add3A_20 {offsets = [0, 0], sizes = [2048, 128], strides = [1, 1]} : vector<2048x384xf32> to vector<2048x128xf32>
    %slice3A_31 = vector.extract_strided_slice %add3A_30 {offsets = [0, 0], sizes = [2048, 128], strides = [1, 1]} : vector<2048x384xf32> to vector<2048x128xf32>
    %add3A_32 = arith.addf %slice3A, %slice3A_31 : vector<2048x128xf32>
    %logistic3A = arith.negf %add3A_32 : vector<2048x128xf32>
    %logistic3A_33 = math.exp %logistic3A : vector<2048x128xf32>
    %logistic3A_34 = arith.constant 1.000000e+00 : f32
    %logistic3A_35 = vector.broadcast %logistic3A_34 : f32 to vector<2048x128xf32>
    %logistic3A_36 = arith.addf %logistic3A_35, %logistic3A_33 : vector<2048x128xf32>
    %logistic3A_37 = arith.divf %logistic3A_35, %logistic3A_36 : vector<2048x128xf32>
    %slice3A_38 = vector.extract_strided_slice %add3A_20 {offsets = [0, 128], sizes = [2048, 128], strides = [1, 1]} : vector<2048x384xf32> to vector<2048x128xf32>
    %slice3A_39 = vector.extract_strided_slice %add3A_30 {offsets = [0, 128], sizes = [2048, 128], strides = [1, 1]} : vector<2048x384xf32> to vector<2048x128xf32>
    %add3A_40 = arith.addf %slice3A_38, %slice3A_39 : vector<2048x128xf32>
    %logistic3A_41 = arith.negf %add3A_40 : vector<2048x128xf32>
    %logistic3A_42 = math.exp %logistic3A_41 : vector<2048x128xf32>
    %logistic3A_43 = arith.constant 1.000000e+00 : f32
    %logistic3A_44 = vector.broadcast %logistic3A_43 : f32 to vector<2048x128xf32>
    %logistic3A_45 = arith.addf %logistic3A_44, %logistic3A_42 : vector<2048x128xf32>
    %logistic3A_46 = arith.divf %logistic3A_44, %logistic3A_45 : vector<2048x128xf32>
    %slice3A_47 = vector.extract_strided_slice %add3A_20 {offsets = [0, 256], sizes = [2048, 128], strides = [1, 1]} : vector<2048x384xf32> to vector<2048x128xf32>
    %slice3A_48 = vector.extract_strided_slice %add3A_30 {offsets = [0, 256], sizes = [2048, 128], strides = [1, 1]} : vector<2048x384xf32> to vector<2048x128xf32>
    %mul3A = arith.mulf %logistic3A_37, %slice3A_48 : vector<2048x128xf32>
    %add3A_49 = arith.addf %slice3A_47, %mul3A : vector<2048x128xf32>
    %tanh3A = math.tanh %add3A_49 : vector<2048x128xf32>
    %sub3A = arith.constant 1.000000e+00 : f32
    %sub3A_50 = vector.broadcast %sub3A : f32 to vector<2048x128xf32>
    %sub3A_51 = arith.subf %sub3A_50, %logistic3A_46 : vector<2048x128xf32>
    %mul3A_52 = arith.mulf %sub3A_51, %tanh3A : vector<2048x128xf32>
    %mul3A_53 = arith.mulf %logistic3A_46, %get3A_11 : vector<2048x128xf32>
    %add3A_54 = arith.addf %mul3A_52, %mul3A_53 : vector<2048x128xf32>
    %swap3A = arith.constant 0 : index
    %swap3A_55 = arith.constant 0 : index
    %swap3A_56 = vector.load %arg8[%swap3A, %swap3A_55] : memref<2048x128xf32, #tpu.memory_space<vmem>>, vector<2048x128xf32>
    tpu.vector_store %arg8[%swap3A, %swap3A_55], %add3A_54 {strides = array<i32>} : memref<2048x128xf32, #tpu.memory_space<vmem>>, vector<2048x128xf32>,
    %get3A_57 = arith.constant 0 : index
    %get3A_58 = arith.constant 0 : index
    %get3A_59 = vector.load %arg7[%get3A_57, %get3A_58] : memref<128x128xf32, #tpu.memory_space<vmem>>, vector<128x128xf32>
    %dot_general3A_60 = arith.constant dense<0.000000e+00> : vector<2048x128xf32>
    %dot_general3A_61 = tpu.matmul %add3A_54, %get3A_59, %dot_general3A_60 {dimension_numbers = #tpu.dot_dimension_numbers<[1], [0], [0], [1], [0, 0, 1, 1], [], []>, transpose_lhs_hint = false} : vector<2048x128xf32>, vector<128x128xf32>, vector<2048x128xf32> -> vector<2048x128xf32>
    %swap3A_62 = arith.constant 0 : index
    %swap3A_63 = arith.constant 0 : index
    %swap3A_64 = vector.load %arg9[%swap3A_62, %swap3A_63] : memref<2048x128xf32, #tpu.memory_space<vmem>>, vector<2048x128xf32>
    tpu.vector_store %arg9[%swap3A_62, %swap3A_63], %dot_general3A_61 {strides = array<i32>} : memref<2048x128xf32, #tpu.memory_space<vmem>>, vector<2048x128xf32>,
    return
  }
  func.func @transform_0(%arg0: i32) -> (i32, i32, i32) {
    %c0_i32 = arith.constant 0 : i32
    %c0_i32_0 = arith.constant 0 : i32
    %c0_i32_1 = arith.constant 0 : i32
    return %c0_i32, %arg0, %c0_i32_0 : i32, i32, i32
  }
  func.func @transform_1(%arg0: i32) -> (i32, i32) {
    %c0_i32 = arith.constant 0 : i32
    %c0_i32_0 = arith.constant 0 : i32
    return %arg0, %c0_i32 : i32, i32
  }
  func.func @transform_2(%arg0: i32) -> (i32, i32) {
    %c0_i32 = arith.constant 0 : i32
    %c0_i32_0 = arith.constant 0 : i32
    %c0_i32_1 = arith.constant 0 : i32
    return %c0_i32, %c0_i32_0 : i32, i32
  }
  func.func @transform_3(%arg0: i32) -> (i32, i32) {
    %c0_i32 = arith.constant 0 : i32
    %c0_i32_0 = arith.constant 0 : i32
    %c0_i32_1 = arith.constant 0 : i32
    return %c0_i32, %c0_i32_0 : i32, i32
  }
  func.func @transform_4(%arg0: i32) -> (i32, i32) {
    %c0_i32 = arith.constant 0 : i32
    %c0_i32_0 = arith.constant 0 : i32
    %c0_i32_1 = arith.constant 0 : i32
    return %c0_i32, %c0_i32_0 : i32, i32
  }
  func.func @transform_5(%arg0: i32) -> (i32, i32) {
    %c0_i32 = arith.constant 0 : i32
    %c0_i32_0 = arith.constant 0 : i32
    %c0_i32_1 = arith.constant 0 : i32
    return %c0_i32, %c0_i32_0 : i32, i32
  }
  func.func @transform_6(%arg0: i32) -> (i32, i32) {
    %c0_i32 = arith.constant 0 : i32
    %c0_i32_0 = arith.constant 0 : i32
    %c0_i32_1 = arith.constant 0 : i32
    return %c0_i32, %c0_i32_0 : i32, i32
  }
  func.func @transform_7(%arg0: i32) -> (i32, i32) {
    %c0_i32 = arith.constant 0 : i32
    %c0_i32_0 = arith.constant 0 : i32
    return %arg0, %c0_i32 : i32, i32
  }
  func.func @transform_8(%arg0: i32) -> (i32, i32) {
    %c0_i32 = arith.constant 0 : i32
    %c0_i32_0 = arith.constant 0 : i32
    return %arg0, %c0_i32 : i32, i32
  }
}

module attributes {stable_mosaic.version = 14 : i64} {
  func.func @_gru_body(%arg0: i32, %arg1: memref<2x2048x128xf32, #tpu.memory_space<vmem>>, %arg2: memref<2048x128xf32, #tpu.memory_space<vmem>>, %arg3: memref<128x384xf32, #tpu.memory_space<vmem>>, %arg4: memref<128x384xf32, #tpu.memory_space<vmem>>, %arg5: memref<1x384xf32, #tpu.memory_space<vmem>>, %arg6: memref<1x384xf32, #tpu.memory_space<vmem>>, %arg7: memref<128x128xf32, #tpu.memory_space<vmem>>, %arg8: memref<2048x128xf32, #tpu.memory_space<vmem>>, %arg9: memref<2048x128xf32, #tpu.memory_space<vmem>>) attributes {dimension_semantics = [#tpu.dimension_semantics<arbitrary>], iteration_bounds = array<i64: 5>, scalar_prefetch = 0 : i64, scratch_operands = 0 : i64, tpu.core_type = #tpu.core_type<tc>, window_params = [{transform_indices = @transform_0, window_bounds = array<i64: 2, 2048, 128>}, {transform_indices = @transform_1, window_bounds = array<i64: 2048, 128>}, {pipeline_mode = #tpu.pipeline_mode<synchronous>, transform_indices = @transform_2, window_bounds = array<i64: 128, 384>}, {pipeline_mode = #tpu.pipeline_mode<synchronous>, transform_indices = @transform_3, window_bounds = array<i64: 128, 384>}, {pipeline_mode = #tpu.pipeline_mode<synchronous>, transform_indices = @transform_4, window_bounds = array<i64: 1, 384>}, {pipeline_mode = #tpu.pipeline_mode<synchronous>, transform_indices = @transform_5, window_bounds = array<i64: 1, 384>}, {pipeline_mode = #tpu.pipeline_mode<synchronous>, transform_indices = @transform_6, window_bounds = array<i64: 128, 128>}, {transform_indices = @transform_7, window_bounds = array<i64: 2048, 128>}, {transform_indices = @transform_8, window_bounds = array<i64: 2048, 128>}]} {
    %get3A = arith.constant 0 : index
    %get3A_0 = arith.constant 0 : index
    %get3A_1 = arith.constant 0 : index
    %get3A_2 = vector.load %arg1[%get3A, %get3A_0, %get3A_1] : memref<2x2048x128xf32, #tpu.memory_space<vmem>>, vector<1x2048x128xf32>
    %get3A_3 = vector.shape_cast %get3A_2 : vector<1x2048x128xf32> to vector<2048x128xf32>
    %get3A_4 = arith.constant 1 : index
    %get3A_5 = arith.constant 0 : index
    %get3A_6 = arith.constant 0 : index
    %get3A_7 = vector.load %arg1[%get3A_4, %get3A_5, %get3A_6] : memref<2x2048x128xf32, #tpu.memory_space<vmem>>, vector<1x2048x128xf32>
    %get3A_8 = vector.shape_cast %get3A_7 : vector<1x2048x128xf32> to vector<2048x128xf32>
    %add3A = arith.addf %get3A_3, %get3A_8 : vector<2048x128xf32>
    %get3A_9 = arith.constant 0 : index
    %get3A_10 = arith.constant 0 : index
    %get3A_11 = vector.load %arg2[%get3A_9, %get3A_10] : memref<2048x128xf32, #tpu.memory_space<vmem>>, vector<2048x128xf32>
    %get3A_12 = arith.constant 0 : index
    %get3A_13 = arith.constant 0 : index
    %get3A_14 = vector.load %arg3[%get3A_12, %get3A_13] : memref<128x384xf32, #tpu.memory_space<vmem>>, vector<128x384xf32>
    %dot_general3A = arith.constant dense<0.000000e+00> : vector<2048x384xf32>
    %dot_general3A_15 = tpu.matmul %add3A, %get3A_14, %dot_general3A {dimension_numbers = #tpu.dot_dimension_numbers<[1], [0], [0], [1], [0, 0, 1, 1], [], []>, transpose_lhs_hint = false} : vector<2048x128xf32>, vector<128x384xf32>, vector<2048x384xf32> -> vector<2048x384xf32>
    %get3A_16 = arith.constant 0 : index
    %get3A_17 = arith.constant 0 : index
    %get3A_18 = vector.load %arg5[%get3A_16, %get3A_17] : memref<1x384xf32, #tpu.memory_space<vmem>>, vector<1x384xf32>
    %add3A_19 = vector.broadcast %get3A_18 : vector<1x384xf32> to vector<2048x384xf32>
    %add3A_20 = arith.addf %dot_general3A_15, %add3A_19 : vector<2048x384xf32>
    %get3A_21 = arith.constant 0 : index
    %get3A_22 = arith.constant 0 : index
    %get3A_23 = vector.load %arg4[%get3A_21, %get3A_22] : memref<128x384xf32, #tpu.memory_space<vmem>>, vector<128x384xf32>
    %dot_general3A_24 = arith.constant dense<0.000000e+00> : vector<2048x384xf32>
    %dot_general3A_25 = tpu.matmul %get3A_11, %get3A_23, %dot_general3A_24 {dimension_numbers = #tpu.dot_dimension_numbers<[1], [0], [0], [1], [0, 0, 1, 1], [], []>, transpose_lhs_hint = false} : vector<2048x128xf32>, vector<128x384xf32>, vector<2048x384xf32> -> vector<2048x384xf32>
    %get3A_26 = arith.constant 0 : index
    %get3A_27 = arith.constant 0 : index
    %get3A_28 = vector.load %arg6[%get3A_26, %get3A_27] : memref<1x384xf32, #tpu.memory_space<vmem>>, vector<1x384xf32>
    %add3A_29 = vector.broadcast %get3A_28 : vector<1x384xf32> to vector<2048x384xf32>
    %add3A_30 = arith.addf %dot_general3A_25, %add3A_29 : vector<2048x384xf32>
    %slice3A = vector.extract_strided_slice %add3A_20 {offsets = [0, 0], sizes = [2048, 128], strides = [1, 1]} : vector<2048x384xf32> to vector<2048x128xf32>
    %slice3A_31 = vector.extract_strided_slice %add3A_30 {offsets = [0, 0], sizes = [2048, 128], strides = [1, 1]} : vector<2048x384xf32> to vector<2048x128xf32>
    %add3A_32 = arith.addf %slice3A, %slice3A_31 : vector<2048x128xf32>
    %logistic3A = arith.negf %add3A_32 : vector<2048x128xf32>
    %logistic3A_33 = math.exp %logistic3A : vector<2048x128xf32>
    %logistic3A_34 = arith.constant 1.000000e+00 : f32
    %logistic3A_35 = vector.broadcast %logistic3A_34 : f32 to vector<2048x128xf32>
    %logistic3A_36 = arith.addf %logistic3A_35, %logistic3A_33 : vector<2048x128xf32>
    %logistic3A_37 = arith.divf %logistic3A_35, %logistic3A_36 : vector<2048x128xf32>
    %slice3A_38 = vector.extract_strided_slice %add3A_20 {offsets = [0, 128], sizes = [2048, 128], strides = [1, 1]} : vector<2048x384xf32> to vector<2048x128xf32>
    %slice3A_39 = vector.extract_strided_slice %add3A_30 {offsets = [0, 128], sizes = [2048, 128], strides = [1, 1]} : vector<2048x384xf32> to vector<2048x128xf32>
    %add3A_40 = arith.addf %slice3A_38, %slice3A_39 : vector<2048x128xf32>
    %logistic3A_41 = arith.negf %add3A_40 : vector<2048x128xf32>
    %logistic3A_42 = math.exp %logistic3A_41 : vector<2048x128xf32>
    %logistic3A_43 = arith.constant 1.000000e+00 : f32
    %logistic3A_44 = vector.broadcast %logistic3A_43 : f32 to vector<2048x128xf32>
    %logistic3A_45 = arith.addf %logistic3A_44, %logistic3A_42 : vector<2048x128xf32>
    %logistic3A_46 = arith.divf %logistic3A_44, %logistic3A_45 : vector<2048x128xf32>
    %slice3A_47 = vector.extract_strided_slice %add3A_20 {offsets = [0, 256], sizes = [2048, 128], strides = [1, 1]} : vector<2048x384xf32> to vector<2048x128xf32>
    %slice3A_48 = vector.extract_strided_slice %add3A_30 {offsets = [0, 256], sizes = [2048, 128], strides = [1, 1]} : vector<2048x384xf32> to vector<2048x128xf32>
    %mul3A = arith.mulf %logistic3A_37, %slice3A_48 : vector<2048x128xf32>
    %add3A_49 = arith.addf %slice3A_47, %mul3A : vector<2048x128xf32>
    %tanh3A = math.tanh %add3A_49 : vector<2048x128xf32>
    %sub3A = arith.constant 1.000000e+00 : f32
    %sub3A_50 = vector.broadcast %sub3A : f32 to vector<2048x128xf32>
    %sub3A_51 = arith.subf %sub3A_50, %logistic3A_46 : vector<2048x128xf32>
    %mul3A_52 = arith.mulf %sub3A_51, %tanh3A : vector<2048x128xf32>
    %mul3A_53 = arith.mulf %logistic3A_46, %get3A_11 : vector<2048x128xf32>
    %add3A_54 = arith.addf %mul3A_52, %mul3A_53 : vector<2048x128xf32>
    %swap3A = arith.constant 0 : index
    %swap3A_55 = arith.constant 0 : index
    %swap3A_56 = vector.load %arg8[%swap3A, %swap3A_55] : memref<2048x128xf32, #tpu.memory_space<vmem>>, vector<2048x128xf32>
    tpu.vector_store %arg8[%swap3A, %swap3A_55], %add3A_54 {strides = array<i32>} : memref<2048x128xf32, #tpu.memory_space<vmem>>, vector<2048x128xf32>,
    %get3A_57 = arith.constant 0 : index
    %get3A_58 = arith.constant 0 : index
    %get3A_59 = vector.load %arg7[%get3A_57, %get3A_58] : memref<128x128xf32, #tpu.memory_space<vmem>>, vector<128x128xf32>
    %dot_general3A_60 = arith.constant dense<0.000000e+00> : vector<2048x128xf32>
    %dot_general3A_61 = tpu.matmul %add3A_54, %get3A_59, %dot_general3A_60 {dimension_numbers = #tpu.dot_dimension_numbers<[1], [0], [0], [1], [0, 0, 1, 1], [], []>, transpose_lhs_hint = false} : vector<2048x128xf32>, vector<128x128xf32>, vector<2048x128xf32> -> vector<2048x128xf32>
    %swap3A_62 = arith.constant 0 : index
    %swap3A_63 = arith.constant 0 : index
    %swap3A_64 = vector.load %arg9[%swap3A_62, %swap3A_63] : memref<2048x128xf32, #tpu.memory_space<vmem>>, vector<2048x128xf32>
    tpu.vector_store %arg9[%swap3A_62, %swap3A_63], %dot_general3A_61 {strides = array<i32>} : memref<2048x128xf32, #tpu.memory_space<vmem>>, vector<2048x128xf32>,
    return
  }
  func.func @transform_0(%arg0: i32) -> (i32, i32, i32) {
    %c0_i32 = arith.constant 0 : i32
    %c0_i32_0 = arith.constant 0 : i32
    %c0_i32_1 = arith.constant 0 : i32
    return %c0_i32, %arg0, %c0_i32_0 : i32, i32, i32
  }
  func.func @transform_1(%arg0: i32) -> (i32, i32) {
    %c0_i32 = arith.constant 0 : i32
    %c0_i32_0 = arith.constant 0 : i32
    return %arg0, %c0_i32 : i32, i32
  }
  func.func @transform_2(%arg0: i32) -> (i32, i32) {
    %c0_i32 = arith.constant 0 : i32
    %c0_i32_0 = arith.constant 0 : i32
    %c0_i32_1 = arith.constant 0 : i32
    return %c0_i32, %c0_i32_0 : i32, i32
  }
  func.func @transform_3(%arg0: i32) -> (i32, i32) {
    %c0_i32 = arith.constant 0 : i32
    %c0_i32_0 = arith.constant 0 : i32
    %c0_i32_1 = arith.constant 0 : i32
    return %c0_i32, %c0_i32_0 : i32, i32
  }
  func.func @transform_4(%arg0: i32) -> (i32, i32) {
    %c0_i32 = arith.constant 0 : i32
    %c0_i32_0 = arith.constant 0 : i32
    %c0_i32_1 = arith.constant 0 : i32
    return %c0_i32, %c0_i32_0 : i32, i32
  }
  func.func @transform_5(%arg0: i32) -> (i32, i32) {
    %c0_i32 = arith.constant 0 : i32
    %c0_i32_0 = arith.constant 0 : i32
    %c0_i32_1 = arith.constant 0 : i32
    return %c0_i32, %c0_i32_0 : i32, i32
  }
  func.func @transform_6(%arg0: i32) -> (i32, i32) {
    %c0_i32 = arith.constant 0 : i32
    %c0_i32_0 = arith.constant 0 : i32
    %c0_i32_1 = arith.constant 0 : i32
    return %c0_i32, %c0_i32_0 : i32, i32
  }
  func.func @transform_7(%arg0: i32) -> (i32, i32) {
    %c0_i32 = arith.constant 0 : i32
    %c0_i32_0 = arith.constant 0 : i32
    return %arg0, %c0_i32 : i32, i32
  }
  func.func @transform_8(%arg0: i32) -> (i32, i32) {
    %c0_i32 = arith.constant 0 : i32
    %c0_i32_0 = arith.constant 0 : i32
    return %arg0, %c0_i32 : i32, i32
  }
}

module attributes {stable_mosaic.version = 14 : i64} {
  func.func @_tail_body(%arg0: memref<2048x128xf32, #tpu.memory_space<vmem>>, %arg1: memref<128x1xf32, #tpu.memory_space<vmem>>, %arg2: memref<1x1xf32, #tpu.memory_space<vmem>>, %arg3: memref<2048x1xf32, #tpu.memory_space<vmem>>) attributes {dimension_semantics = [], scalar_prefetch = 0 : i64, scratch_operands = 0 : i64, tpu.core_type = #tpu.core_type<tc>} {
    %get3A = arith.constant 0 : index
    %get3A_0 = arith.constant 0 : index
    %get3A_1 = vector.load %arg0[%get3A, %get3A_0] : memref<2048x128xf32, #tpu.memory_space<vmem>>, vector<2048x128xf32>
    %get3A_2 = arith.constant 0 : index
    %get3A_3 = arith.constant 0 : index
    %get3A_4 = vector.load %arg1[%get3A_2, %get3A_3] : memref<128x1xf32, #tpu.memory_space<vmem>>, vector<128x1xf32>
    %dot_general3A = arith.constant dense<0.000000e+00> : vector<2048x1xf32>
    %dot_general3A_5 = tpu.matmul %get3A_1, %get3A_4, %dot_general3A {dimension_numbers = #tpu.dot_dimension_numbers<[1], [0], [0], [1], [0, 0, 1, 1], [], []>, transpose_lhs_hint = false} : vector<2048x128xf32>, vector<128x1xf32>, vector<2048x1xf32> -> vector<2048x1xf32>
    %get3A_6 = arith.constant 0 : index
    %get3A_7 = arith.constant 0 : index
    %get3A_8 = vector.load %arg2[%get3A_6, %get3A_7] : memref<1x1xf32, #tpu.memory_space<vmem>>, vector<1x1xf32>
    %add3A = vector.broadcast %get3A_8 : vector<1x1xf32> to vector<2048x1xf32>
    %add3A_9 = arith.addf %dot_general3A_5, %add3A : vector<2048x1xf32>
    %logistic3A = arith.negf %add3A_9 : vector<2048x1xf32>
    %logistic3A_10 = math.exp %logistic3A : vector<2048x1xf32>
    %logistic3A_11 = arith.constant 1.000000e+00 : f32
    %logistic3A_12 = vector.broadcast %logistic3A_11 : f32 to vector<2048x1xf32>
    %logistic3A_13 = arith.addf %logistic3A_12, %logistic3A_10 : vector<2048x1xf32>
    %logistic3A_14 = arith.divf %logistic3A_12, %logistic3A_13 : vector<2048x1xf32>
    %swap3A = arith.constant 0 : index
    %swap3A_15 = arith.constant 0 : index
    %swap3A_16 = vector.load %arg3[%swap3A, %swap3A_15] : memref<2048x1xf32, #tpu.memory_space<vmem>>, vector<2048x1xf32>
    tpu.vector_store %arg3[%swap3A, %swap3A_15], %logistic3A_14 {strides = array<i32>} : memref<2048x1xf32, #tpu.memory_space<vmem>>, vector<2048x1xf32>,
    return
  }
}

</mosaic_0001>

<sc_bundles>
// kernel: kernel.13.cloned.1.call-start
scs
__scs_entry_jumppad:
0x0: {  	(pc) =	sbr.rel $0x88, $3  }
0x1: {  	(tag) =	ssettag $0x0;
	lr =	simm.s32 $0x1  }
0x2: {  	[smem:$0x3F95] =	sst lr;
	_ =	strace $0xD0000000  }
0x3: {  	_ = 	snop  }
0x4: {  	_ = 	snop  }
0x5: {  	_ = 	snop  }
0x6: {  	_ = 	snop  }
0x7: {  	_ = 	snop  }
__scs_overlays_trampoline_lowered:
0x8: {  	[smem:$0x3FA4] =	sst s0  }
0x9: {  	[smem:$0x3FA5] =	sst s1  }
0xa: {  	[smem:$0x3FA6] =	sst s2  }
0xb: {  	[smem:$0x3FA7] =	sst s3  }
0xc: {  	[smem:$0x3FA8] =	sst s4  }
0xd: {  	[smem:$0x3FA9] =	sst s5  }
0xe: {  	[smem:$0x3FAA] =	sst s6  }
0xf: {  	[smem:$0x3FAB] =	sst s7  }
0x10: {  	[smem:$0x3FAC] =	sst s8  }
0x11: {  	[smem:$0x3FAD] =	sst s9;
	s0 =	simm.s32 @!p0 $0x0  }
0x12: {  	s1 =	sld [smem:$0x3F93];
	s0 =	simm.s32 @p0 $0x1  }
0x13: {  	[smem:$0x3FAE] =	sst s0;
	s0 =	simm.s32 @!p1 $0x0  }
0x14: {  	s2 =	sld [smem:$0x3F92];
	s0 =	simm.s32 @p1 $0x1  }
0x15: {  	[smem:$0x3FAF] =	sst s0;
	s0 =	simm.s32 @!p2 $0x0  }
0x16: {  	s3 =	sld [smem:$0x3FDB];
	s0 =	simm.s32 @p2 $0x1  }
0x17: {  	s4 =	simm.s32 $0x1BF5;
	[smem:$0x3FB1] =	sst s0  }
0x18: {  	s0 =	sld [smem:$0x3F94];
	_ =	swait.ge [sflag:s4], $0x0  }
0x19: {  	s7 =	sld [smem:$0x3F95]  }
0x1a: {  	s8 =	sadd.s32 $0xFFFFE003, lr  }
0x1b: {  	s9 =	sadd.s32 $0xFFFFFEF7, lr;
	s5 =	simm.s32 $0xFFFFFFFF;
	p2 =	slt.u32 s8, $0xFFFFF086  }
0x1c: {  	p1 =	slt.u32 s9, $0xF7A;
	s5 =	simm.s32 @!p2 $0x0  }
0x1d: {  	s5 =	simm.s32 @p1 $0x1;
	p0 =	seq.s32 s7, s2  }
0x1e: {  	s7 =	smul.u32 @!p0 $0xF7A, s2;
	p2 =	seq.s32 @!p0 s5, $0x0  }
0x1f: {  	s9 =	smul.u32 $0xF7A, s1;
	s8 =	simm.s32 @!p0 $0x1BF5;
	p2 =	por !p2, p0  }
0x20: {  	[sflag:s8] =	ssyncset.s32 @!p0 $0xFFFFF086;
	s6 =	sadd.s32 @!p0 s3, s7;
	s7 =	simm.s32 @!p0 $0x108  }
0x21: {  	s3 =	sadd.s32 s3, s9;
	s6 =	sadd.s32 @!p0 $0x88, s6;
	s7 =	simm.s32 @p2 $0x1082  }
0x22: {  	[simem:s7], [sflag:s8] =	dma.local @!p0 [hbm:s6], $0xF7A  }
0x23: {  	s9 =	sor.u32 $0xD0000000, s2;
	s6 =	simm.s32 $0x108;
	_ =	swait.ge @!p0 [sflag:s8], $0x0  }
0x24: {  	s3 =	sadd.s32 $0x88, s3;
	s6 =	simm.s32 @!p1 $0x1082;
	[sflag:s4] =	ssyncset.s32 $0xFFFFF086  }
0x25: {  	[simem:s6], [sflag:s4] =	dma.local [hbm:s3], $0xF7A  }
0x26: {  	[smem:$0x3F95] =	sst s1;
	(tag) =	ssettag s2;
	_ =	strace s9  }
0x27: {  	s1 =	sld [smem:$0x3FA5]  }
0x28: {  	s2 =	sld [smem:$0x3FA6]  }
0x29: {  	s4 =	sld [smem:$0x3FA8]  }
0x2a: {  	p0 =	seq.s32 s5, $0x0;
	s5 =	sld [smem:$0x3FA9]  }
0x2b: {  	s6 =	sld [smem:$0x3FAA]  }
0x2c: {  	s7 =	sld [smem:$0x3FAB]  }
0x2d: {  	s3 =	simm.s32 $0x108;
	s8 =	sld [smem:$0x3FAC]  }
0x2e: {  	s3 =	simm.s32 @!p0 $0x1082;
	s9 =	sld [smem:$0x3FAD]  }
0x2f: {  	lr =	sadd.s32 s0, s3;
	s0 =	sld [smem:$0x3FA4]  }
0x30: {  	s3 =	sld [smem:$0x3FA7]  }
0x31: {  	[smem:$0x3FB0] =	sst s10  }
0x32: {  	s10 =	sld [smem:$0x3FAE];
	_ =	sdelay $0x3  }
0x33: {  	p0 =	seq.s32 s10, $0x1;
	s10 =	sld [smem:$0x3FB0];
	_ =	sdelay $0x3  }
0x34: {  	[smem:$0x3FB0] =	sst s10  }
0x35: {  	s10 =	sld [smem:$0x3FAF];
	_ =	sdelay $0x3  }
0x36: {  	p1 =	seq.s32 s10, $0x1;
	s10 =	sld [smem:$0x3FB0];
	_ =	sdelay $0x3  }
0x37: {  	[smem:$0x3FB0] =	sst s10  }
0x38: {  	s10 =	sld [smem:$0x3FB1]  }
0x39: {  	_ = 	snop;
	(pc) =	sbr.ind lr, $3  }
0x3a: {  	_ = 	snop  }
0x3b: {  	_ = 	snop  }
0x3c: {  	p2 =	seq.s32 s10, $0x1;
	s10 =	sld [smem:$0x3FB0]  }
0x3d: {  	_ =	shalt  }
0x3e: {  	_ =	shalt  }
0x3f: {  	_ =	shalt  }
0x40: {  	_ =	shalt  }
0x41: {  	_ =	shalt  }
0x42: {  	_ =	shalt  }
0x43: {  	_ =	shalt  }
0x44: {  	_ =	shalt  }
0x45: {  	_ =	shalt  }
0x46: {  	_ =	shalt  }
0x47: {  	_ =	shalt  }
0x48: {  	_ =	shalt  }
0x49: {  	_ =	shalt  }
0x4a: {  	_ =	shalt  }
0x4b: {  	_ =	shalt  }
0x4c: {  	_ =	shalt  }
0x4d: {  	_ =	shalt  }
0x4e: {  	_ =	shalt  }
0x4f: {  	_ =	shalt  }
0x50: {  	_ =	shalt  }
0x51: {  	_ =	shalt  }
0x52: {  	_ =	shalt  }
0x53: {  	_ =	shalt  }
0x54: {  	_ =	shalt  }
0x55: {  	_ =	shalt  }
0x56: {  	_ =	shalt  }
0x57: {  	_ =	shalt  }
0x58: {  	_ =	shalt  }
0x59: {  	_ =	shalt  }
0x5a: {  	_ =	shalt  }
0x5b: {  	_ =	shalt  }
0x5c: {  	_ =	shalt  }
0x5d: {  	_ =	shalt  }
0x5e: {  	_ =	shalt  }
0x5f: {  	_ =	shalt  }
0x60: {  	_ =	shalt  }
0x61: {  	_ =	shalt  }
0x62: {  	_ =	shalt  }
0x63: {  	_ =	shalt  }
0x64: {  	_ =	shalt  }
0x65: {  	_ =	shalt  }
0x66: {  	_ =	shalt  }
0x67: {  	_ =	shalt  }
0x68: {  	_ =	shalt  }
0x69: {  	_ =	shalt  }
0x6a: {  	_ =	shalt  }
0x6b: {  	_ =	shalt  }
0x6c: {  	_ =	shalt  }
0x6d: {  	_ =	shalt  }
0x6e: {  	_ =	shalt  }
0x6f: {  	_ =	shalt  }
0x70: {  	_ =	shalt  }
0x71: {  	_ =	shalt  }
0x72: {  	_ =	shalt  }
0x73: {  	_ =	shalt  }
0x74: {  	_ =	shalt  }
0x75: {  	_ =	shalt  }
0x76: {  	_ =	shalt  }
0x77: {  	_ =	shalt  }
0x78: {  	_ =	shalt  }
0x79: {  	_ =	shalt  }
0x7a: {  	_ =	shalt  }
0x7b: {  	_ =	shalt  }
0x7c: {  	_ =	shalt  }
0x7d: {  	_ =	shalt  }
0x7e: {  	_ =	shalt  }
0x7f: {  	_ =	shalt  }
0x80: {  	_ =	shalt  }
0x81: {  	_ =	shalt  }
0x82: {  	_ =	shalt  }
0x83: {  	_ =	shalt  }
0x84: {  	_ =	shalt  }
0x85: {  	_ =	shalt  }
0x86: {  	_ =	shalt  }
0x87: {  	_ =	shalt  }
.Lfunc_end0:
.L_simem_size_0:
called_computation_lowered:
.L_overlay_start_0:
0x88: {  	s2 =	sld [smem:$0x3FD9]  }
0x89: {  	s3 =	sld [smem:$0x3FFE];
	_ =	sdelay $0x1  }
0x8a: {  	s1 =	srdreg.scid  }
0x8b: {  	s0 =	sand.u32 $0x1, s1  }
0x8c: {  	s16 =	sshll.u32 s0, $0xA;
	s2 =	sadd.s32 s3, s2  }
0x8d: {  	s2 =	sadd.s32 s2, s16  }
0x8e: {  	[smem:$0x3FBC] =	sst s2  }
0x8f: {  	_ = 	snop  }
0x90: {  	(tm) =	ssettm $0x1  }
0x91: {  	s17 =	sld [smem:$0x3FFB];
	_ =	sdelay $0x3  }
0x92: {  	_ =	strace s17  }
0x93: {  	s2 =	sld [smem:$0x3FFC];
	_ =	sdelay $0x3  }
0x94: {  	_ =	strace s2  }
0x95: {  	s2 =	sld [smem:$0x3FFD];
	_ =	sdelay $0x3  }
0x96: {  	_ =	strace s2  }
0x97: {  	_ =	strace $0x8FFFFFFF  }
0x98: {  	s18 =	sld [smem:$0x3FDB];
	_ =	sdelay $0x1  }
0x99: {  	s19 =	simm.s32 $_scs_section_size  }
0x9a: {  	s4 =	simm.s32 $_size__tile_overlayer_lowered;
	s5 =	simm.s32 $_tile_overlayer_lowered  }
0x9b: {  	s22 =	simm.s32 $0x1BFF;
	s21 =	sshll.u32 s5, $0x1;
	s2 =	sadd.s32 s19, s18  }
0x9c: {  	s6 =	simm.s32 $0x0;
	s20 =	sshll.u32 s4, $0x1;
	s4 =	sadd.s32 s21, s2  }
0x9d: {  	[timem:s6], [sflag:s22] =	dma.local [hbm:s4], s20  }
0x9e: {  	_ =	swait.ge [sflag:s22], s20  }
0x9f: {  	s3 =	ssub.s32 $0x0, s20;
	[sflag:s22] =	ssyncset.done $0x0  }
0xa0: {  	[sflag:s22] =	ssyncadd.s32 s3;
	_ =	sdelay $0x1  }
0xa1: {  	s23 =	simm.s32 $0x1B8B  }
0xa2: {  	_ =	swait.ge [sflag:s23], $0x1  }
0xa3: {  	[sflag:s23] =	ssyncset.done $0x0  }
0xa4: {  	s25 =	simm.s32 $0x1B8E;
	s24 =	sld [smem:$0x3FFE];
	[sflag:s23] =	ssyncadd.s32 $0xFFFFFFFF  }
0xa5: {  	s26 =	simm.s32 $execute0_lowered;
	[smem:$0x3FD2] =	sst s25  }
0xa6: {  	s4 =	sshll.u32 s26, $0x1;
	_ =	strace $0x80000046;
	[dreg:$0x1] =	wrdreg $0xFFFFFFFF  }
0xa7: {  	s28 =	simm.s32 $_size_execute0_lowered;
	s2 =	sadd.s32 s2, s4;
	[dreg:$0x0] =	wrdreg $0x0  }
0xa8: {  	s4 =	sshll.u32 s28, $0x1;
	[dreg:$0x2] =	wrdreg s2  }
0xa9: {  	[dreg:$0x3] =	wrdreg s4  }
0xaa: {  	[dreg:$0x4] =	wrdreg $0xC0  }
0xab: {  	_ =	task [dreg:s6], $0x5FFFF  }
0xac: {  	[dreg:$0x1] =	wrdreg $0xFFFFFFFF  }
0xad: {  	[dreg:$0x0] =	wrdreg $0x60  }
0xae: {  	[dreg:$0x2] =	wrdreg s24  }
0xaf: {  	[dreg:$0x3] =	wrdreg $0x90000  }
0xb0: {  	[dreg:$0x4] =	wrdreg $0x9  }
0xb1: {  	_ =	task.clear_ibuf [dreg:s6], $0x5FFFF;
	_ =	strace $0x90000046  }
0xb2: {  	s29 =	simm.s32 $0x9;
	_ =	strace $0x80000048  }
0xb3: {  	_ =	swait.ge [sflag:s29], $0x1  }
0xb4: {  	[sflag:s29] =	ssyncadd.s32 $0xFFFFFFFF  }
0xb5: {  	_ =	strace $0x90000048  }
0xb6: {  	_ =	sfence  }
0xb7: {  	s30 =	sld [smem:$0x0];
	_ =	sdelay $0x2  }
0xb8: {  	s31 =	sshll.u32 s1, $0xD;
	s1 =	sshrl.u32 s1, $0x2  }
0xb9: {  	s3 =	sand.u32 $0x4000, s31;
	s1 =	sadd.s32 s1, s30  }
0xba: {  	s0 =	sor.u32 s3, s0;
	s1 =	sshll.u32 s1, $0x11  }
0xbb: {  	s0 =	sor.u32 s1, s0  }
0xbc: {  	s0 =	sadd.s32 $0x8F2B, s0  }
0xbd: {  	[sflag:s0] =	ssyncadd.remote.s32 $0x1  }
0xbe: {  	_ =	sfence.sel $0xFFFF  }
0xbf: {  	[dreg:$0x0] =	wrdreg $0xFFFFFFFF;
	(pc) =	sbr.abs _section_cstart, $3  }
0xc0: {  	[dreg:$0x1] =	wrdreg $0xFFFFFFFF  }
0xc1: {  	_ =	task.clear_ibuf [dreg:s6], $0x2FFFF;
	_ =	strace $0x9FFFFFFF  }
0xc2: {  	(tm) =	ssettm $0x7FFFFFFF  }
0xc3: {  	_ =	shalt  }
tec
execute0_lowered:
.L_overlay_start_1:
0x0: {  	(tag) =	ssettag $0x1  }
0x1: {  	s0 =	srdreg.scid;
	s6 =	rddreg [dreg:$0x0]  }
0x2: {  	s2 =	rddreg [dreg:$0x1];
	s26 =	stileid.u32;
	s3 =	simm.s32 $0x0  }
0x3: {  	s25 =	simm.s32 $0x5000;
	s28 =	simm.s32 $0x1;
	s29 =	simm.s32 $0x0  }
0x4: {  	s7 =	sand.u32 $0x1, s0;
	[smem:$0x7FF] =	sst s3;
	s11 =	smul.u32 $0x50000, s26  }
0x5: {  	s5 =	sadd.s32 $0x3F400, s6;
	s22 =	sadd.s32 $0x3FC00, s6;
	s18 =	smul.u32 $0x14000, s26  }
0x6: {  	s4 =	sshll.u32 s7, $0x4;
	_ =	strace $0x80000047;
	s9 =	ssub.s32 $0x2, s7  }
0x7: {  	s19 =	smul.u32 $0x140000, s7;
	s4 =	sor.u32 s26, s4;
	s10 =	sshrl.u32 s9, $0x1  }
0x8: {  	s30 =	sshrl.u32 s11, $0x2;
	s15 =	sadd.s32 $0x4000, s18;
	s20 =	sadd.s32 $0x8000, s18  }
0x9: {  	s21 =	sadd.s32 $0xC000, s18;
	s23 =	sadd.s32 $0x10000, s18;
	s26 =	simm.s32 $0x80  }
0xa: {  	s4 =	smul.u32 $0x500, s4;
	s9 =	ssub.s32 s9, s10;
	s13 =	sadd.s32 s19, s18  }
0xb: {  	s16 =	sadd.s32 s19, s15;
	s15 =	sadd.s32 s15, s2;
	s17 =	sadd.s32 s20, s2  }
0xc: {  	s20 =	sadd.s32 s19, s20;
	s31 =	sadd.s32 s19, s21;
	s24 =	sadd.s32 s19, s23  }
0xd: {  	s19 =	sadd.s32 s21, s2;
	s21 =	sadd.s32 s23, s2;
	s23 =	simm.s32 $0x2  }
0xe: {  	s9 =	smax.u32 s9, $0x1;
	s14 =	sshrl.u32 s13, $0x3;
	s16 =	sshrl.u32 s16, $0x3  }
0xf: {  	s20 =	sshrl.u32 s20, $0x3;
	s24 =	sshrl.u32 s24, $0x3;
	s8 =	sadd.s32 s4, s6  }
0x10: {  	s4 =	sadd.s32 $0x17400, s6;
	s14 =	sadd.s32 s22, s14;
	s16 =	sadd.s32 s22, s16  }
0x11: {  	s18 =	sadd.s32 s22, s20;
	s20 =	sshrl.u32 s31, $0x3;
	s6 =	sadd.s32 $0x3400, s8  }
0x12: {  	s7 =	sadd.s32 $0xD400, s8;
	s8 =	sadd.s32 s30, s2;
	s20 =	sadd.s32 s22, s20  }
0x13: {  	s22 =	sadd.s32 s22, s24;
	s24 =	simm.s32 $0x2800;
	s10 =	sadd.s32 $0x4000, s8  }
0x14: {  	s11 =	sadd.s32 $0x8000, s8;
	s12 =	sadd.s32 $0xC000, s8;
	s13 =	sadd.s32 $0x10000, s8  }
.LBB2_1:
0x15: {  	[tilespmem:s3], [sflag:$0x2] =	stream.linear.gather [hbm4b:s6+s3], $0x2800, $0x38;
	[tilespmem:$0x1D000] =	vst v63  }
0x16: {  	_ =	swait.ge [sflag:s23], $0x2800  }
0x17: {  	[sflag:s23] =	ssyncset.done $0x0  }
0x18: {  	[sflag:s23] =	ssyncadd.s32 $0xFFFFD800  }
0x19: {  	[tilespmem:s24], [sflag:$0x2] =	stream.linear.gather [hbm4b:s7+s3], $0x2800, $0x38;
	[tilespmem:$0x1D000] =	vst v63  }
0x1a: {  	_ =	swait.ge [sflag:s23], $0x2800  }
0x1b: {  	[sflag:s23] =	ssyncset.done $0x0  }
0x1c: {  	[sflag:s23] =	ssyncadd.s32 $0xFFFFD800  }
0x1d: {  	[tilespmem:s25], [sflag:$0x2] =	stream.linear.gather [hbm4b:s5+s3], $0x4000, $0x38;
	[tilespmem:$0x1D000] =	vst v63  }
0x1e: {  	_ =	swait.ge [sflag:s23], $0x4000  }
0x1f: {  	[sflag:s23] =	ssyncset.done $0x0  }
0x20: {  	[sflag:s23] =	ssyncadd.s32 $0xFFFFC000  }
0x21: {  	[spmem:s8] =	stream.linear.scatter [tilespmem:s25], [sflag:$0x2], $0x4000, $0x38;
	[tilespmem:$0x1D000] =	vst v63  }
0x22: {  	_ =	swait.ge [sflag:s23], $0x4000  }
0x23: {  	[sflag:s23] =	ssyncset.done $0x0  }
0x24: {  	[sflag:s23] =	ssyncadd.s32 $0xFFFFC000  }
0x25: {  	[spmem:s10] =	stream.linear.scatter [tilespmem:s25], [sflag:$0x2], $0x4000, $0x38;
	[tilespmem:$0x1D000] =	vst v63  }
0x26: {  	_ =	swait.ge [sflag:s23], $0x4000  }
0x27: {  	[sflag:s23] =	ssyncset.done $0x0  }
0x28: {  	[sflag:s23] =	ssyncadd.s32 $0xFFFFC000  }
0x29: {  	[spmem:s11] =	stream.linear.scatter [tilespmem:s25], [sflag:$0x2], $0x4000, $0x38;
	[tilespmem:$0x1D000] =	vst v63  }
0x2a: {  	_ =	swait.ge [sflag:s23], $0x4000  }
0x2b: {  	[sflag:s23] =	ssyncset.done $0x0  }
0x2c: {  	[sflag:s23] =	ssyncadd.s32 $0xFFFFC000  }
0x2d: {  	[spmem:s12] =	stream.linear.scatter [tilespmem:s25], [sflag:$0x2], $0x4000, $0x38;
	[tilespmem:$0x1D000] =	vst v63  }
0x2e: {  	_ =	swait.ge [sflag:s23], $0x4000  }
0x2f: {  	[sflag:s23] =	ssyncset.done $0x0  }
0x30: {  	[sflag:s23] =	ssyncadd.s32 $0xFFFFC000  }
0x31: {  	[spmem:s13] =	stream.linear.scatter [tilespmem:s25], [sflag:$0x2], $0x4000, $0x38;
	[tilespmem:$0x1D000] =	vst v63  }
0x32: {  	_ =	swait.ge [sflag:s23], $0x4000  }
0x33: {  	[sflag:s23] =	ssyncset.done $0x0  }
0x34: {  	[sflag:s23] =	ssyncadd.s32 $0xFFFFC000  }
0x35: {  	s30 =	simm.s32 $0x0;
	[bflag:$0x0] =	sbarrier.arrive $0xFFFF  }
0x36: {  	[tilespmem:s25], [sflag:$0x1] =	stream.indirect.gather [hbm4b:s4+s26], $0x80, s30, s26, $0xb8;
	[tilespmem:$0x1D000] =	vst v63  }
0x37: {  	_ =	swait.ge [sflag:s28], $0x4000  }
0x38: {  	[sflag:s28] =	ssyncset.done $0x0  }
0x39: {  	s30 =	simm.s32 $0x2800;
	[sflag:s28] =	ssyncadd.s32 $0xFFFFC000  }
0x3a: {  	[spmem:s2] =	stream.indirect.scatter.add.f32 [tilespmem:s25], [sflag:$0x2], $0x80, s30, s26, $0xb8;
	[tilespmem:$0x1D000] =	vst v63  }
0x3b: {  	_ =	swait.ge [sflag:s23], $0x4000  }
0x3c: {  	s31 =	simm.s32 $0x400;
	s30 =	simm.s32 $0x200;
	[sflag:s23] =	ssyncset.done $0x0  }
.LBB2_2:
0x3d: {  	s0 =	sshra.s32 s30, $0x2  }
0x3e: {  	[sflag:s23] =	ssyncadd.s32 $0xFFFFC000;
	s30 =	smov.u32 s31;
	s1 =	sadd.s32 $0x200, s31  }
0x3f: {  	[tilespmem:s25], [sflag:$0x1] =	stream.indirect.gather [hbm4b:s4+s26], $0x80, s0, s26, $0xb8;
	[tilespmem:$0x1D000] =	vst v63  }
0x40: {  	p0 =	sne.s32 s31, $0x9E00;
	_ =	swait.ge [sflag:s28], $0x4000  }
.Ltmp0:
0x41: {  	[sflag:s28] =	ssyncset.done $0x0;
	(pc) =	sbr.rel @p0 .LBB2_2-.Ltmp0, $4  }
0x42: {  	s0 =	sadd.s32 $0x2800, s0;
	[sflag:s28] =	ssyncadd.s32 $0xFFFFC000  }
0x43: {  	[spmem:s2] =	stream.indirect.scatter.add.f32 [tilespmem:s25], [sflag:$0x2], $0x80, s0, s26, $0xb8;
	[tilespmem:$0x1D000] =	vst v63  }
0x44: {  	_ =	swait.ge [sflag:s23], $0x4000  }
0x45: {  	s31 =	smov.u32 s1;
	[sflag:s23] =	ssyncset.done $0x0  }
0x46: {  	s0 =	sshra.s32 s30, $0x2;
	[sflag:s23] =	ssyncadd.s32 $0xFFFFC000  }
0x47: {  	[tilespmem:s25], [sflag:$0x1] =	stream.indirect.gather [hbm4b:s4+s26], $0x80, s0, s26, $0xb8;
	[tilespmem:$0x1D000] =	vst v63  }
0x48: {  	_ =	swait.ge [sflag:s28], $0x4000  }
0x49: {  	[sflag:s28] =	ssyncset.done $0x0  }
0x4a: {  	s0 =	sadd.s32 $0x2800, s0;
	[sflag:s28] =	ssyncadd.s32 $0xFFFFC000  }
0x4b: {  	[spmem:s2] =	stream.indirect.scatter.add.f32 [tilespmem:s25], [sflag:$0x2], $0x80, s0, s26, $0xb8;
	[tilespmem:$0x1D000] =	vst v63  }
0x4c: {  	_ =	swait.ge [sflag:s23], $0x4000  }
0x4d: {  	[sflag:s23] =	ssyncset.done $0x0  }
0x4e: {  	[sflag:s23] =	ssyncadd.s32 $0xFFFFC000  }
0x4f: {  	[bflag:$0x0] =	sbarrier.arrive $0xFFFF  }
0x50: {  	[tilespmem:s25], [sflag:$0x2] =	stream.linear.gather [spmem:s8], $0x4000, $0x38;
	[tilespmem:$0x1D000] =	vst v63  }
0x51: {  	_ =	swait.ge [sflag:s23], $0x4000  }
0x52: {  	[sflag:s23] =	ssyncset.done $0x0  }
0x53: {  	[sflag:s23] =	ssyncadd.s32 $0xFFFFC000  }
0x54: {  	[hbm4b:s14+s3] =	stream.linear.scatter [tilespmem:s25], [sflag:$0x2], $0x4000, $0x38;
	[tilespmem:$0x1D000] =	vst v63  }
0x55: {  	_ =	swait.ge [sflag:s23], $0x4000  }
0x56: {  	[sflag:s23] =	ssyncset.done $0x0  }
0x57: {  	[sflag:s23] =	ssyncadd.s32 $0xFFFFC000  }
0x58: {  	[tilespmem:s25], [sflag:$0x2] =	stream.linear.gather [spmem:s15], $0x4000, $0x38;
	[tilespmem:$0x1D000] =	vst v63  }
0x59: {  	_ =	swait.ge [sflag:s23], $0x4000  }
0x5a: {  	[sflag:s23] =	ssyncset.done $0x0  }
0x5b: {  	[sflag:s23] =	ssyncadd.s32 $0xFFFFC000  }
0x5c: {  	[hbm4b:s16+s3] =	stream.linear.scatter [tilespmem:s25], [sflag:$0x2], $0x4000, $0x38;
	[tilespmem:$0x1D000] =	vst v63  }
0x5d: {  	_ =	swait.ge [sflag:s23], $0x4000  }
0x5e: {  	[sflag:s23] =	ssyncset.done $0x0  }
0x5f: {  	[sflag:s23] =	ssyncadd.s32 $0xFFFFC000  }
0x60: {  	[tilespmem:s25], [sflag:$0x2] =	stream.linear.gather [spmem:s17], $0x4000, $0x38;
	[tilespmem:$0x1D000] =	vst v63  }
0x61: {  	_ =	swait.ge [sflag:s23], $0x4000  }
0x62: {  	[sflag:s23] =	ssyncset.done $0x0  }
0x63: {  	[sflag:s23] =	ssyncadd.s32 $0xFFFFC000  }
0x64: {  	[hbm4b:s18+s3] =	stream.linear.scatter [tilespmem:s25], [sflag:$0x2], $0x4000, $0x38;
	[tilespmem:$0x1D000] =	vst v63  }
0x65: {  	_ =	swait.ge [sflag:s23], $0x4000  }
0x66: {  	[sflag:s23] =	ssyncset.done $0x0  }
0x67: {  	[sflag:s23] =	ssyncadd.s32 $0xFFFFC000  }
0x68: {  	[tilespmem:s25], [sflag:$0x2] =	stream.linear.gather [spmem:s19], $0x4000, $0x38;
	[tilespmem:$0x1D000] =	vst v63  }
0x69: {  	_ =	swait.ge [sflag:s23], $0x4000  }
0x6a: {  	[sflag:s23] =	ssyncset.done $0x0  }
0x6b: {  	[sflag:s23] =	ssyncadd.s32 $0xFFFFC000  }
0x6c: {  	[hbm4b:s20+s3] =	stream.linear.scatter [tilespmem:s25], [sflag:$0x2], $0x4000, $0x38;
	[tilespmem:$0x1D000] =	vst v63  }
0x6d: {  	_ =	swait.ge [sflag:s23], $0x4000  }
0x6e: {  	[sflag:s23] =	ssyncset.done $0x0  }
0x6f: {  	[sflag:s23] =	ssyncadd.s32 $0xFFFFC000  }
0x70: {  	[tilespmem:s25], [sflag:$0x2] =	stream.linear.gather [spmem:s21], $0x4000, $0x38;
	[tilespmem:$0x1D000] =	vst v63  }
0x71: {  	s29 =	sadd.s32 $0x1, s29;
	_ =	swait.ge [sflag:s23], $0x4000  }
0x72: {  	p0 =	sne.s32 s29, s9;
	[sflag:s23] =	ssyncset.done $0x0  }
.Ltmp1:
0x73: {  	[sflag:s23] =	ssyncadd.s32 $0xFFFFC000;
	(pc) =	sbr.rel @p0 .LBB2_1-.Ltmp1, $4  }
0x74: {  	[hbm4b:s22+s3] =	stream.linear.scatter [tilespmem:s25], [sflag:$0x2], $0x4000, $0x38;
	[tilespmem:$0x1D000] =	vst v63  }
0x75: {  	_ =	swait.ge [sflag:s23], $0x4000  }
0x76: {  	[sflag:s23] =	ssyncset.done $0x0  }
0x77: {  	[sflag:s23] =	ssyncadd.s32 $0xFFFFC000  }
0x78: {  	_ =	sfence.sel $0x180000  }
0x79: {  	[bflag:$0x0] =	sbarrier.arrive $0xFFFF  }
0x7a: {  	_ =	strace $0x90000047  }
0x7b: {  	s0 =	stileid.u32;
	[bflag:$0x2] =	sbarrier.arrive $0xFFFF  }
0x7c: {  	p0 =	sne.s32 s0, $0x0;
	s0 =	rddreg [dreg:$0x2]  }
0x7d: {  	s0 =	sadd.s32 @!p0 $0x100000, s0  }
0x7e: {  	[sflag:s0] =	ssyncadd.tile.s32 @!p0 $0x1;
	_ =	shalt  }
.Lfunc_end2:
_tile_overlayer_lowered:
.L_overlay_start_2:
0x7f: {  	(tag) =	ssettag $0x2  }
0x80: {  	s0 =	rddreg [dreg:$0x0];
	s2 =	stileid.u32  }
0x81: {  	s1 =	rddreg [dreg:$0x1];
	p0 =	sne.s32 s2, $0x0  }
0x82: {  	s3 =	rddreg [dreg:$0x2];
	[bflag:$0x3] =	sbarrier.arrive $0xFFFF;
	s2 =	simm.s32 @!p0 $0x1C02  }
0x83: {  	[timem:s3], [sflag:s2] =	dma.local @!p0 [hbm:s0], s1  }
0x84: {  	s0 =	simm.s32 @!p0 $0x2  }
0x85: {  	_ =	swait.ge @!p0 [sflag:s0], s1  }
0x86: {  	s1 =	ssub.s32 @!p0 $0x0, s1;
	[sflag:s0] =	ssyncset.done @!p0 $0x0  }
0x87: {  	[sflag:s0] =	ssyncadd.s32 @!p0 s1  }
0x88: {  	[bflag:$0x3] =	sbarrier.arrive $0xFFFF  }
0x89: {  	_ =	shalt  }

// kernel: kernel.16.cloned.1.call-start
scs
__scs_entry_jumppad:
0x0: {  	(pc) =	sbr.rel $0x88, $3  }
0x1: {  	(tag) =	ssettag $0x0;
	lr =	simm.s32 $0x1  }
0x2: {  	[smem:$0x3F95] =	sst lr;
	_ =	strace $0xD0000000  }
0x3: {  	_ = 	snop  }
0x4: {  	_ = 	snop  }
0x5: {  	_ = 	snop  }
0x6: {  	_ = 	snop  }
0x7: {  	_ = 	snop  }
__scs_overlays_trampoline_lowered:
0x8: {  	[smem:$0x3FA4] =	sst s0  }
0x9: {  	[smem:$0x3FA5] =	sst s1  }
0xa: {  	[smem:$0x3FA6] =	sst s2  }
0xb: {  	[smem:$0x3FA7] =	sst s3  }
0xc: {  	[smem:$0x3FA8] =	sst s4  }
0xd: {  	[smem:$0x3FA9] =	sst s5  }
0xe: {  	[smem:$0x3FAA] =	sst s6  }
0xf: {  	[smem:$0x3FAB] =	sst s7  }
0x10: {  	[smem:$0x3FAC] =	sst s8  }
0x11: {  	[smem:$0x3FAD] =	sst s9;
	s0 =	simm.s32 @!p0 $0x0  }
0x12: {  	s1 =	sld [smem:$0x3F93];
	s0 =	simm.s32 @p0 $0x1  }
0x13: {  	[smem:$0x3FAE] =	sst s0;
	s0 =	simm.s32 @!p1 $0x0  }
0x14: {  	s2 =	sld [smem:$0x3F92];
	s0 =	simm.s32 @p1 $0x1  }
0x15: {  	[smem:$0x3FAF] =	sst s0;
	s0 =	simm.s32 @!p2 $0x0  }
0x16: {  	s3 =	sld [smem:$0x3FDB];
	s0 =	simm.s32 @p2 $0x1  }
0x17: {  	s4 =	simm.s32 $0x1BF5;
	[smem:$0x3FB1] =	sst s0  }
0x18: {  	s0 =	sld [smem:$0x3F94];
	_ =	swait.ge [sflag:s4], $0x0  }
0x19: {  	s7 =	sld [smem:$0x3F95]  }
0x1a: {  	s8 =	sadd.s32 $0xFFFFE003, lr  }
0x1b: {  	s9 =	sadd.s32 $0xFFFFFEF7, lr;
	s5 =	simm.s32 $0xFFFFFFFF;
	p2 =	slt.u32 s8, $0xFFFFF086  }
0x1c: {  	p1 =	slt.u32 s9, $0xF7A;
	s5 =	simm.s32 @!p2 $0x0  }
0x1d: {  	s5 =	simm.s32 @p1 $0x1;
	p0 =	seq.s32 s7, s2  }
0x1e: {  	s7 =	smul.u32 @!p0 $0xF7A, s2;
	p2 =	seq.s32 @!p0 s5, $0x0  }
0x1f: {  	s9 =	smul.u32 $0xF7A, s1;
	s8 =	simm.s32 @!p0 $0x1BF5;
	p2 =	por !p2, p0  }
0x20: {  	[sflag:s8] =	ssyncset.s32 @!p0 $0xFFFFF086;
	s6 =	sadd.s32 @!p0 s3, s7;
	s7 =	simm.s32 @!p0 $0x108  }
0x21: {  	s3 =	sadd.s32 s3, s9;
	s6 =	sadd.s32 @!p0 $0x88, s6;
	s7 =	simm.s32 @p2 $0x1082  }
0x22: {  	[simem:s7], [sflag:s8] =	dma.local @!p0 [hbm:s6], $0xF7A  }
0x23: {  	s9 =	sor.u32 $0xD0000000, s2;
	s6 =	simm.s32 $0x108;
	_ =	swait.ge @!p0 [sflag:s8], $0x0  }
0x24: {  	s3 =	sadd.s32 $0x88, s3;
	s6 =	simm.s32 @!p1 $0x1082;
	[sflag:s4] =	ssyncset.s32 $0xFFFFF086  }
0x25: {  	[simem:s6], [sflag:s4] =	dma.local [hbm:s3], $0xF7A  }
0x26: {  	[smem:$0x3F95] =	sst s1;
	(tag) =	ssettag s2;
	_ =	strace s9  }
0x27: {  	s1 =	sld [smem:$0x3FA5]  }
0x28: {  	s2 =	sld [smem:$0x3FA6]  }
0x29: {  	s4 =	sld [smem:$0x3FA8]  }
0x2a: {  	p0 =	seq.s32 s5, $0x0;
	s5 =	sld [smem:$0x3FA9]  }
0x2b: {  	s6 =	sld [smem:$0x3FAA]  }
0x2c: {  	s7 =	sld [smem:$0x3FAB]  }
0x2d: {  	s3 =	simm.s32 $0x108;
	s8 =	sld [smem:$0x3FAC]  }
0x2e: {  	s3 =	simm.s32 @!p0 $0x1082;
	s9 =	sld [smem:$0x3FAD]  }
0x2f: {  	lr =	sadd.s32 s0, s3;
	s0 =	sld [smem:$0x3FA4]  }
0x30: {  	s3 =	sld [smem:$0x3FA7]  }
0x31: {  	[smem:$0x3FB0] =	sst s10  }
0x32: {  	s10 =	sld [smem:$0x3FAE];
	_ =	sdelay $0x3  }
0x33: {  	p0 =	seq.s32 s10, $0x1;
	s10 =	sld [smem:$0x3FB0];
	_ =	sdelay $0x3  }
0x34: {  	[smem:$0x3FB0] =	sst s10  }
0x35: {  	s10 =	sld [smem:$0x3FAF];
	_ =	sdelay $0x3  }
0x36: {  	p1 =	seq.s32 s10, $0x1;
	s10 =	sld [smem:$0x3FB0];
	_ =	sdelay $0x3  }
0x37: {  	[smem:$0x3FB0] =	sst s10  }
0x38: {  	s10 =	sld [smem:$0x3FB1]  }
0x39: {  	_ = 	snop;
	(pc) =	sbr.ind lr, $3  }
0x3a: {  	_ = 	snop  }
0x3b: {  	_ = 	snop  }
0x3c: {  	p2 =	seq.s32 s10, $0x1;
	s10 =	sld [smem:$0x3FB0]  }
0x3d: {  	_ =	shalt  }
0x3e: {  	_ =	shalt  }
0x3f: {  	_ =	shalt  }
0x40: {  	_ =	shalt  }
0x41: {  	_ =	shalt  }
0x42: {  	_ =	shalt  }
0x43: {  	_ =	shalt  }
0x44: {  	_ =	shalt  }
0x45: {  	_ =	shalt  }
0x46: {  	_ =	shalt  }
0x47: {  	_ =	shalt  }
0x48: {  	_ =	shalt  }
0x49: {  	_ =	shalt  }
0x4a: {  	_ =	shalt  }
0x4b: {  	_ =	shalt  }
0x4c: {  	_ =	shalt  }
0x4d: {  	_ =	shalt  }
0x4e: {  	_ =	shalt  }
0x4f: {  	_ =	shalt  }
0x50: {  	_ =	shalt  }
0x51: {  	_ =	shalt  }
0x52: {  	_ =	shalt  }
0x53: {  	_ =	shalt  }
0x54: {  	_ =	shalt  }
0x55: {  	_ =	shalt  }
0x56: {  	_ =	shalt  }
0x57: {  	_ =	shalt  }
0x58: {  	_ =	shalt  }
0x59: {  	_ =	shalt  }
0x5a: {  	_ =	shalt  }
0x5b: {  	_ =	shalt  }
0x5c: {  	_ =	shalt  }
0x5d: {  	_ =	shalt  }
0x5e: {  	_ =	shalt  }
0x5f: {  	_ =	shalt  }
0x60: {  	_ =	shalt  }
0x61: {  	_ =	shalt  }
0x62: {  	_ =	shalt  }
0x63: {  	_ =	shalt  }
0x64: {  	_ =	shalt  }
0x65: {  	_ =	shalt  }
0x66: {  	_ =	shalt  }
0x67: {  	_ =	shalt  }
0x68: {  	_ =	shalt  }
0x69: {  	_ =	shalt  }
0x6a: {  	_ =	shalt  }
0x6b: {  	_ =	shalt  }
0x6c: {  	_ =	shalt  }
0x6d: {  	_ =	shalt  }
0x6e: {  	_ =	shalt  }
0x6f: {  	_ =	shalt  }
0x70: {  	_ =	shalt  }
0x71: {  	_ =	shalt  }
0x72: {  	_ =	shalt  }
0x73: {  	_ =	shalt  }
0x74: {  	_ =	shalt  }
0x75: {  	_ =	shalt  }
0x76: {  	_ =	shalt  }
0x77: {  	_ =	shalt  }
0x78: {  	_ =	shalt  }
0x79: {  	_ =	shalt  }
0x7a: {  	_ =	shalt  }
0x7b: {  	_ =	shalt  }
0x7c: {  	_ =	shalt  }
0x7d: {  	_ =	shalt  }
0x7e: {  	_ =	shalt  }
0x7f: {  	_ =	shalt  }
0x80: {  	_ =	shalt  }
0x81: {  	_ =	shalt  }
0x82: {  	_ =	shalt  }
0x83: {  	_ =	shalt  }
0x84: {  	_ =	shalt  }
0x85: {  	_ =	shalt  }
0x86: {  	_ =	shalt  }
0x87: {  	_ =	shalt  }
.Lfunc_end0:
.L_simem_size_0:
called_computation.1_lowered:
.L_overlay_start_0:
0x88: {  	s2 =	sld [smem:$0x3FD9]  }
0x89: {  	s3 =	sld [smem:$0x3FFE];
	_ =	sdelay $0x1  }
0x8a: {  	s1 =	srdreg.scid  }
0x8b: {  	s0 =	sand.u32 $0x1, s1  }
0x8c: {  	s16 =	sshll.u32 s0, $0xA;
	s2 =	sadd.s32 s3, s2  }
0x8d: {  	s2 =	sadd.s32 s2, s16  }
0x8e: {  	[smem:$0x3FBC] =	sst s2  }
0x8f: {  	_ = 	snop  }
0x90: {  	(tm) =	ssettm $0x1  }
0x91: {  	s17 =	sld [smem:$0x3FFB];
	_ =	sdelay $0x3  }
0x92: {  	_ =	strace s17  }
0x93: {  	s2 =	sld [smem:$0x3FFC];
	_ =	sdelay $0x3  }
0x94: {  	_ =	strace s2  }
0x95: {  	s2 =	sld [smem:$0x3FFD];
	_ =	sdelay $0x3  }
0x96: {  	_ =	strace s2  }
0x97: {  	_ =	strace $0x8FFFFFFF  }
0x98: {  	s18 =	sld [smem:$0x3FDB];
	_ =	sdelay $0x1  }
0x99: {  	s19 =	simm.s32 $_scs_section_size  }
0x9a: {  	s4 =	simm.s32 $_size__tile_overlayer_lowered;
	s5 =	simm.s32 $_tile_overlayer_lowered  }
0x9b: {  	s22 =	simm.s32 $0x1BFF;
	s21 =	sshll.u32 s5, $0x1;
	s2 =	sadd.s32 s19, s18  }
0x9c: {  	s6 =	simm.s32 $0x0;
	s20 =	sshll.u32 s4, $0x1;
	s4 =	sadd.s32 s21, s2  }
0x9d: {  	[timem:s6], [sflag:s22] =	dma.local [hbm:s4], s20  }
0x9e: {  	_ =	swait.ge [sflag:s22], s20  }
0x9f: {  	s3 =	ssub.s32 $0x0, s20;
	[sflag:s22] =	ssyncset.done $0x0  }
0xa0: {  	[sflag:s22] =	ssyncadd.s32 s3;
	_ =	sdelay $0x1  }
0xa1: {  	s23 =	simm.s32 $0x1B8B  }
0xa2: {  	_ =	swait.ge [sflag:s23], $0x1  }
0xa3: {  	[sflag:s23] =	ssyncset.done $0x0  }
0xa4: {  	s25 =	simm.s32 $0x1B8E;
	s24 =	sld [smem:$0x3FFE];
	[sflag:s23] =	ssyncadd.s32 $0xFFFFFFFF  }
0xa5: {  	s26 =	simm.s32 $execute0_lowered;
	[smem:$0x3FD2] =	sst s25  }
0xa6: {  	s4 =	sshll.u32 s26, $0x1;
	_ =	strace $0x80000049;
	[dreg:$0x1] =	wrdreg $0xFFFFFFFF  }
0xa7: {  	s28 =	simm.s32 $_size_execute0_lowered;
	s2 =	sadd.s32 s2, s4;
	[dreg:$0x0] =	wrdreg $0x0  }
0xa8: {  	s4 =	sshll.u32 s28, $0x1;
	[dreg:$0x2] =	wrdreg s2  }
0xa9: {  	[dreg:$0x3] =	wrdreg s4  }
0xaa: {  	[dreg:$0x4] =	wrdreg $0xC0  }
0xab: {  	_ =	task [dreg:s6], $0x5FFFF  }
0xac: {  	[dreg:$0x1] =	wrdreg $0xFFFFFFFF  }
0xad: {  	[dreg:$0x0] =	wrdreg $0x60  }
0xae: {  	[dreg:$0x2] =	wrdreg s24  }
0xaf: {  	[dreg:$0x3] =	wrdreg $0x90000  }
0xb0: {  	[dreg:$0x4] =	wrdreg $0x9  }
0xb1: {  	_ =	task.clear_ibuf [dreg:s6], $0x5FFFF;
	_ =	strace $0x90000049  }
0xb2: {  	s29 =	simm.s32 $0x9;
	_ =	strace $0x8000004B  }
0xb3: {  	_ =	swait.ge [sflag:s29], $0x1  }
0xb4: {  	[sflag:s29] =	ssyncadd.s32 $0xFFFFFFFF  }
0xb5: {  	_ =	strace $0x9000004B  }
0xb6: {  	_ =	sfence  }
0xb7: {  	s30 =	sld [smem:$0x0];
	_ =	sdelay $0x2  }
0xb8: {  	s31 =	sshll.u32 s1, $0xD;
	s1 =	sshrl.u32 s1, $0x2  }
0xb9: {  	s3 =	sand.u32 $0x4000, s31;
	s1 =	sadd.s32 s1, s30  }
0xba: {  	s0 =	sor.u32 s3, s0;
	s1 =	sshll.u32 s1, $0x11  }
0xbb: {  	s0 =	sor.u32 s1, s0  }
0xbc: {  	s0 =	sadd.s32 $0x8F2B, s0  }
0xbd: {  	[sflag:s0] =	ssyncadd.remote.s32 $0x1  }
0xbe: {  	_ =	sfence.sel $0xFFFF  }
0xbf: {  	[dreg:$0x0] =	wrdreg $0xFFFFFFFF;
	(pc) =	sbr.abs _section_cstart, $3  }
0xc0: {  	[dreg:$0x1] =	wrdreg $0xFFFFFFFF  }
0xc1: {  	_ =	task.clear_ibuf [dreg:s6], $0x2FFFF;
	_ =	strace $0x9FFFFFFF  }
0xc2: {  	(tm) =	ssettm $0x7FFFFFFF  }
0xc3: {  	_ =	shalt  }
tec
execute0_lowered:
.L_overlay_start_1:
0x0: {  	(tag) =	ssettag $0x1  }
0x1: {  	s0 =	srdreg.scid;
	s6 =	rddreg [dreg:$0x0]  }
0x2: {  	s2 =	rddreg [dreg:$0x1];
	s26 =	stileid.u32;
	s3 =	simm.s32 $0x0  }
0x3: {  	s25 =	simm.s32 $0x5000;
	s28 =	simm.s32 $0x1;
	s29 =	simm.s32 $0x0  }
0x4: {  	s7 =	sand.u32 $0x1, s0;
	[smem:$0x7FF] =	sst s3;
	s11 =	smul.u32 $0x50000, s26  }
0x5: {  	s5 =	sadd.s32 $0x3F400, s6;
	s22 =	sadd.s32 $0x3FC00, s6;
	s18 =	smul.u32 $0x14000, s26  }
0x6: {  	s4 =	sshll.u32 s7, $0x4;
	_ =	strace $0x8000004A;
	s9 =	ssub.s32 $0x2, s7  }
0x7: {  	s19 =	smul.u32 $0x140000, s7;
	s4 =	sor.u32 s26, s4;
	s10 =	sshrl.u32 s9, $0x1  }
0x8: {  	s30 =	sshrl.u32 s11, $0x2;
	s15 =	sadd.s32 $0x4000, s18;
	s20 =	sadd.s32 $0x8000, s18  }
0x9: {  	s21 =	sadd.s32 $0xC000, s18;
	s23 =	sadd.s32 $0x10000, s18;
	s26 =	simm.s32 $0x80  }
0xa: {  	s4 =	smul.u32 $0x500, s4;
	s9 =	ssub.s32 s9, s10;
	s13 =	sadd.s32 s19, s18  }
0xb: {  	s16 =	sadd.s32 s19, s15;
	s15 =	sadd.s32 s15, s2;
	s17 =	sadd.s32 s20, s2  }
0xc: {  	s20 =	sadd.s32 s19, s20;
	s31 =	sadd.s32 s19, s21;
	s24 =	sadd.s32 s19, s23  }
0xd: {  	s19 =	sadd.s32 s21, s2;
	s21 =	sadd.s32 s23, s2;
	s23 =	simm.s32 $0x2  }
0xe: {  	s9 =	smax.u32 s9, $0x1;
	s14 =	sshrl.u32 s13, $0x3;
	s16 =	sshrl.u32 s16, $0x3  }
0xf: {  	s20 =	sshrl.u32 s20, $0x3;
	s24 =	sshrl.u32 s24, $0x3;
	s8 =	sadd.s32 s4, s6  }
0x10: {  	s4 =	sadd.s32 $0x17400, s6;
	s14 =	sadd.s32 s22, s14;
	s16 =	sadd.s32 s22, s16  }
0x11: {  	s18 =	sadd.s32 s22, s20;
	s20 =	sshrl.u32 s31, $0x3;
	s6 =	sadd.s32 $0x3400, s8  }
0x12: {  	s7 =	sadd.s32 $0xD400, s8;
	s8 =	sadd.s32 s30, s2;
	s20 =	sadd.s32 s22, s20  }
0x13: {  	s22 =	sadd.s32 s22, s24;
	s24 =	simm.s32 $0x2800;
	s10 =	sadd.s32 $0x4000, s8  }
0x14: {  	s11 =	sadd.s32 $0x8000, s8;
	s12 =	sadd.s32 $0xC000, s8;
	s13 =	sadd.s32 $0x10000, s8  }
.LBB2_1:
0x15: {  	[tilespmem:s3], [sflag:$0x2] =	stream.linear.gather [hbm4b:s6+s3], $0x2800, $0x38;
	[tilespmem:$0x1D000] =	vst v63  }
0x16: {  	_ =	swait.ge [sflag:s23], $0x2800  }
0x17: {  	[sflag:s23] =	ssyncset.done $0x0  }
0x18: {  	[sflag:s23] =	ssyncadd.s32 $0xFFFFD800  }
0x19: {  	[tilespmem:s24], [sflag:$0x2] =	stream.linear.gather [hbm4b:s7+s3], $0x2800, $0x38;
	[tilespmem:$0x1D000] =	vst v63  }
0x1a: {  	_ =	swait.ge [sflag:s23], $0x2800  }
0x1b: {  	[sflag:s23] =	ssyncset.done $0x0  }
0x1c: {  	[sflag:s23] =	ssyncadd.s32 $0xFFFFD800  }
0x1d: {  	[tilespmem:s25], [sflag:$0x2] =	stream.linear.gather [hbm4b:s5+s3], $0x4000, $0x38;
	[tilespmem:$0x1D000] =	vst v63  }
0x1e: {  	_ =	swait.ge [sflag:s23], $0x4000  }
0x1f: {  	[sflag:s23] =	ssyncset.done $0x0  }
0x20: {  	[sflag:s23] =	ssyncadd.s32 $0xFFFFC000  }
0x21: {  	[spmem:s8] =	stream.linear.scatter [tilespmem:s25], [sflag:$0x2], $0x4000, $0x38;
	[tilespmem:$0x1D000] =	vst v63  }
0x22: {  	_ =	swait.ge [sflag:s23], $0x4000  }
0x23: {  	[sflag:s23] =	ssyncset.done $0x0  }
0x24: {  	[sflag:s23] =	ssyncadd.s32 $0xFFFFC000  }
0x25: {  	[spmem:s10] =	stream.linear.scatter [tilespmem:s25], [sflag:$0x2], $0x4000, $0x38;
	[tilespmem:$0x1D000] =	vst v63  }
0x26: {  	_ =	swait.ge [sflag:s23], $0x4000  }
0x27: {  	[sflag:s23] =	ssyncset.done $0x0  }
0x28: {  	[sflag:s23] =	ssyncadd.s32 $0xFFFFC000  }
0x29: {  	[spmem:s11] =	stream.linear.scatter [tilespmem:s25], [sflag:$0x2], $0x4000, $0x38;
	[tilespmem:$0x1D000] =	vst v63  }
0x2a: {  	_ =	swait.ge [sflag:s23], $0x4000  }
0x2b: {  	[sflag:s23] =	ssyncset.done $0x0  }
0x2c: {  	[sflag:s23] =	ssyncadd.s32 $0xFFFFC000  }
0x2d: {  	[spmem:s12] =	stream.linear.scatter [tilespmem:s25], [sflag:$0x2], $0x4000, $0x38;
	[tilespmem:$0x1D000] =	vst v63  }
0x2e: {  	_ =	swait.ge [sflag:s23], $0x4000  }
0x2f: {  	[sflag:s23] =	ssyncset.done $0x0  }
0x30: {  	[sflag:s23] =	ssyncadd.s32 $0xFFFFC000  }
0x31: {  	[spmem:s13] =	stream.linear.scatter [tilespmem:s25], [sflag:$0x2], $0x4000, $0x38;
	[tilespmem:$0x1D000] =	vst v63  }
0x32: {  	_ =	swait.ge [sflag:s23], $0x4000  }
0x33: {  	[sflag:s23] =	ssyncset.done $0x0  }
0x34: {  	[sflag:s23] =	ssyncadd.s32 $0xFFFFC000  }
0x35: {  	s30 =	simm.s32 $0x0;
	[bflag:$0x0] =	sbarrier.arrive $0xFFFF  }
0x36: {  	[tilespmem:s25], [sflag:$0x1] =	stream.indirect.gather [hbm4b:s4+s26], $0x80, s30, s26, $0xb8;
	[tilespmem:$0x1D000] =	vst v63  }
0x37: {  	_ =	swait.ge [sflag:s28], $0x4000  }
0x38: {  	[sflag:s28] =	ssyncset.done $0x0  }
0x39: {  	s30 =	simm.s32 $0x2800;
	[sflag:s28] =	ssyncadd.s32 $0xFFFFC000  }
0x3a: {  	[spmem:s2] =	stream.indirect.scatter.add.f32 [tilespmem:s25], [sflag:$0x2], $0x80, s30, s26, $0xb8;
	[tilespmem:$0x1D000] =	vst v63  }
0x3b: {  	_ =	swait.ge [sflag:s23], $0x4000  }
0x3c: {  	s31 =	simm.s32 $0x400;
	s30 =	simm.s32 $0x200;
	[sflag:s23] =	ssyncset.done $0x0  }
.LBB2_2:
0x3d: {  	s0 =	sshra.s32 s30, $0x2  }
0x3e: {  	[sflag:s23] =	ssyncadd.s32 $0xFFFFC000;
	s30 =	smov.u32 s31;
	s1 =	sadd.s32 $0x200, s31  }
0x3f: {  	[tilespmem:s25], [sflag:$0x1] =	stream.indirect.gather [hbm4b:s4+s26], $0x80, s0, s26, $0xb8;
	[tilespmem:$0x1D000] =	vst v63  }
0x40: {  	p0 =	sne.s32 s31, $0x9E00;
	_ =	swait.ge [sflag:s28], $0x4000  }
.Ltmp0:
0x41: {  	[sflag:s28] =	ssyncset.done $0x0;
	(pc) =	sbr.rel @p0 .LBB2_2-.Ltmp0, $4  }
0x42: {  	s0 =	sadd.s32 $0x2800, s0;
	[sflag:s28] =	ssyncadd.s32 $0xFFFFC000  }
0x43: {  	[spmem:s2] =	stream.indirect.scatter.add.f32 [tilespmem:s25], [sflag:$0x2], $0x80, s0, s26, $0xb8;
	[tilespmem:$0x1D000] =	vst v63  }
0x44: {  	_ =	swait.ge [sflag:s23], $0x4000  }
0x45: {  	s31 =	smov.u32 s1;
	[sflag:s23] =	ssyncset.done $0x0  }
0x46: {  	s0 =	sshra.s32 s30, $0x2;
	[sflag:s23] =	ssyncadd.s32 $0xFFFFC000  }
0x47: {  	[tilespmem:s25], [sflag:$0x1] =	stream.indirect.gather [hbm4b:s4+s26], $0x80, s0, s26, $0xb8;
	[tilespmem:$0x1D000] =	vst v63  }
0x48: {  	_ =	swait.ge [sflag:s28], $0x4000  }
0x49: {  	[sflag:s28] =	ssyncset.done $0x0  }
0x4a: {  	s0 =	sadd.s32 $0x2800, s0;
	[sflag:s28] =	ssyncadd.s32 $0xFFFFC000  }
0x4b: {  	[spmem:s2] =	stream.indirect.scatter.add.f32 [tilespmem:s25], [sflag:$0x2], $0x80, s0, s26, $0xb8;
	[tilespmem:$0x1D000] =	vst v63  }
0x4c: {  	_ =	swait.ge [sflag:s23], $0x4000  }
0x4d: {  	[sflag:s23] =	ssyncset.done $0x0  }
0x4e: {  	[sflag:s23] =	ssyncadd.s32 $0xFFFFC000  }
0x4f: {  	[bflag:$0x0] =	sbarrier.arrive $0xFFFF  }
0x50: {  	[tilespmem:s25], [sflag:$0x2] =	stream.linear.gather [spmem:s8], $0x4000, $0x38;
	[tilespmem:$0x1D000] =	vst v63  }
0x51: {  	_ =	swait.ge [sflag:s23], $0x4000  }
0x52: {  	[sflag:s23] =	ssyncset.done $0x0  }
0x53: {  	[sflag:s23] =	ssyncadd.s32 $0xFFFFC000  }
0x54: {  	[hbm4b:s14+s3] =	stream.linear.scatter [tilespmem:s25], [sflag:$0x2], $0x4000, $0x38;
	[tilespmem:$0x1D000] =	vst v63  }
0x55: {  	_ =	swait.ge [sflag:s23], $0x4000  }
0x56: {  	[sflag:s23] =	ssyncset.done $0x0  }
0x57: {  	[sflag:s23] =	ssyncadd.s32 $0xFFFFC000  }
0x58: {  	[tilespmem:s25], [sflag:$0x2] =	stream.linear.gather [spmem:s15], $0x4000, $0x38;
	[tilespmem:$0x1D000] =	vst v63  }
0x59: {  	_ =	swait.ge [sflag:s23], $0x4000  }
0x5a: {  	[sflag:s23] =	ssyncset.done $0x0  }
0x5b: {  	[sflag:s23] =	ssyncadd.s32 $0xFFFFC000  }
0x5c: {  	[hbm4b:s16+s3] =	stream.linear.scatter [tilespmem:s25], [sflag:$0x2], $0x4000, $0x38;
	[tilespmem:$0x1D000] =	vst v63  }
0x5d: {  	_ =	swait.ge [sflag:s23], $0x4000  }
0x5e: {  	[sflag:s23] =	ssyncset.done $0x0  }
0x5f: {  	[sflag:s23] =	ssyncadd.s32 $0xFFFFC000  }
0x60: {  	[tilespmem:s25], [sflag:$0x2] =	stream.linear.gather [spmem:s17], $0x4000, $0x38;
	[tilespmem:$0x1D000] =	vst v63  }
0x61: {  	_ =	swait.ge [sflag:s23], $0x4000  }
0x62: {  	[sflag:s23] =	ssyncset.done $0x0  }
0x63: {  	[sflag:s23] =	ssyncadd.s32 $0xFFFFC000  }
0x64: {  	[hbm4b:s18+s3] =	stream.linear.scatter [tilespmem:s25], [sflag:$0x2], $0x4000, $0x38;
	[tilespmem:$0x1D000] =	vst v63  }
0x65: {  	_ =	swait.ge [sflag:s23], $0x4000  }
0x66: {  	[sflag:s23] =	ssyncset.done $0x0  }
0x67: {  	[sflag:s23] =	ssyncadd.s32 $0xFFFFC000  }
0x68: {  	[tilespmem:s25], [sflag:$0x2] =	stream.linear.gather [spmem:s19], $0x4000, $0x38;
	[tilespmem:$0x1D000] =	vst v63  }
0x69: {  	_ =	swait.ge [sflag:s23], $0x4000  }
0x6a: {  	[sflag:s23] =	ssyncset.done $0x0  }
0x6b: {  	[sflag:s23] =	ssyncadd.s32 $0xFFFFC000  }
0x6c: {  	[hbm4b:s20+s3] =	stream.linear.scatter [tilespmem:s25], [sflag:$0x2], $0x4000, $0x38;
	[tilespmem:$0x1D000] =	vst v63  }
0x6d: {  	_ =	swait.ge [sflag:s23], $0x4000  }
0x6e: {  	[sflag:s23] =	ssyncset.done $0x0  }
0x6f: {  	[sflag:s23] =	ssyncadd.s32 $0xFFFFC000  }
0x70: {  	[tilespmem:s25], [sflag:$0x2] =	stream.linear.gather [spmem:s21], $0x4000, $0x38;
	[tilespmem:$0x1D000] =	vst v63  }
0x71: {  	s29 =	sadd.s32 $0x1, s29;
	_ =	swait.ge [sflag:s23], $0x4000  }
0x72: {  	p0 =	sne.s32 s29, s9;
	[sflag:s23] =	ssyncset.done $0x0  }
.Ltmp1:
0x73: {  	[sflag:s23] =	ssyncadd.s32 $0xFFFFC000;
	(pc) =	sbr.rel @p0 .LBB2_1-.Ltmp1, $4  }
0x74: {  	[hbm4b:s22+s3] =	stream.linear.scatter [tilespmem:s25], [sflag:$0x2], $0x4000, $0x38;
	[tilespmem:$0x1D000] =	vst v63  }
0x75: {  	_ =	swait.ge [sflag:s23], $0x4000  }
0x76: {  	[sflag:s23] =	ssyncset.done $0x0  }
0x77: {  	[sflag:s23] =	ssyncadd.s32 $0xFFFFC000  }
0x78: {  	_ =	sfence.sel $0x180000  }
0x79: {  	[bflag:$0x0] =	sbarrier.arrive $0xFFFF  }
0x7a: {  	_ =	strace $0x9000004A  }
0x7b: {  	s0 =	stileid.u32;
	[bflag:$0x2] =	sbarrier.arrive $0xFFFF  }
0x7c: {  	p0 =	sne.s32 s0, $0x0;
	s0 =	rddreg [dreg:$0x2]  }
0x7d: {  	s0 =	sadd.s32 @!p0 $0x100000, s0  }
0x7e: {  	[sflag:s0] =	ssyncadd.tile.s32 @!p0 $0x1;
	_ =	shalt  }
.Lfunc_end2:
_tile_overlayer_lowered:
.L_overlay_start_2:
0x7f: {  	(tag) =	ssettag $0x2  }
0x80: {  	s0 =	rddreg [dreg:$0x0];
	s2 =	stileid.u32  }
0x81: {  	s1 =	rddreg [dreg:$0x1];
	p0 =	sne.s32 s2, $0x0  }
0x82: {  	s3 =	rddreg [dreg:$0x2];
	[bflag:$0x3] =	sbarrier.arrive $0xFFFF;
	s2 =	simm.s32 @!p0 $0x1C02  }
0x83: {  	[timem:s3], [sflag:s2] =	dma.local @!p0 [hbm:s0], s1  }
0x84: {  	s0 =	simm.s32 @!p0 $0x2  }
0x85: {  	_ =	swait.ge @!p0 [sflag:s0], s1  }
0x86: {  	s1 =	ssub.s32 @!p0 $0x0, s1;
	[sflag:s0] =	ssyncset.done @!p0 $0x0  }
0x87: {  	[sflag:s0] =	ssyncadd.s32 @!p0 s1  }
0x88: {  	[bflag:$0x3] =	sbarrier.arrive $0xFFFF  }
0x89: {  	_ =	shalt  }

// kernel: kernel.19.cloned.1.call-start
scs
__scs_entry_jumppad:
0x0: {  	(pc) =	sbr.rel $0x88, $3  }
0x1: {  	(tag) =	ssettag $0x0;
	lr =	simm.s32 $0x1  }
0x2: {  	[smem:$0x3F95] =	sst lr;
	_ =	strace $0xD0000000  }
0x3: {  	_ = 	snop  }
0x4: {  	_ = 	snop  }
0x5: {  	_ = 	snop  }
0x6: {  	_ = 	snop  }
0x7: {  	_ = 	snop  }
__scs_overlays_trampoline_lowered:
0x8: {  	[smem:$0x3FA4] =	sst s0  }
0x9: {  	[smem:$0x3FA5] =	sst s1  }
0xa: {  	[smem:$0x3FA6] =	sst s2  }
0xb: {  	[smem:$0x3FA7] =	sst s3  }
0xc: {  	[smem:$0x3FA8] =	sst s4  }
0xd: {  	[smem:$0x3FA9] =	sst s5  }
0xe: {  	[smem:$0x3FAA] =	sst s6  }
0xf: {  	[smem:$0x3FAB] =	sst s7  }
0x10: {  	[smem:$0x3FAC] =	sst s8  }
0x11: {  	[smem:$0x3FAD] =	sst s9;
	s0 =	simm.s32 @!p0 $0x0  }
0x12: {  	s1 =	sld [smem:$0x3F93];
	s0 =	simm.s32 @p0 $0x1  }
0x13: {  	[smem:$0x3FAE] =	sst s0;
	s0 =	simm.s32 @!p1 $0x0  }
0x14: {  	s2 =	sld [smem:$0x3F92];
	s0 =	simm.s32 @p1 $0x1  }
0x15: {  	[smem:$0x3FAF] =	sst s0;
	s0 =	simm.s32 @!p2 $0x0  }
0x16: {  	s3 =	sld [smem:$0x3FDB];
	s0 =	simm.s32 @p2 $0x1  }
0x17: {  	s4 =	simm.s32 $0x1BF5;
	[smem:$0x3FB1] =	sst s0  }
0x18: {  	s0 =	sld [smem:$0x3F94];
	_ =	swait.ge [sflag:s4], $0x0  }
0x19: {  	s7 =	sld [smem:$0x3F95]  }
0x1a: {  	s8 =	sadd.s32 $0xFFFFE003, lr  }
0x1b: {  	s9 =	sadd.s32 $0xFFFFFEF7, lr;
	s5 =	simm.s32 $0xFFFFFFFF;
	p2 =	slt.u32 s8, $0xFFFFF086  }
0x1c: {  	p1 =	slt.u32 s9, $0xF7A;
	s5 =	simm.s32 @!p2 $0x0  }
0x1d: {  	s5 =	simm.s32 @p1 $0x1;
	p0 =	seq.s32 s7, s2  }
0x1e: {  	s7 =	smul.u32 @!p0 $0xF7A, s2;
	p2 =	seq.s32 @!p0 s5, $0x0  }
0x1f: {  	s9 =	smul.u32 $0xF7A, s1;
	s8 =	simm.s32 @!p0 $0x1BF5;
	p2 =	por !p2, p0  }
0x20: {  	[sflag:s8] =	ssyncset.s32 @!p0 $0xFFFFF086;
	s6 =	sadd.s32 @!p0 s3, s7;
	s7 =	simm.s32 @!p0 $0x108  }
0x21: {  	s3 =	sadd.s32 s3, s9;
	s6 =	sadd.s32 @!p0 $0x88, s6;
	s7 =	simm.s32 @p2 $0x1082  }
0x22: {  	[simem:s7], [sflag:s8] =	dma.local @!p0 [hbm:s6], $0xF7A  }
0x23: {  	s9 =	sor.u32 $0xD0000000, s2;
	s6 =	simm.s32 $0x108;
	_ =	swait.ge @!p0 [sflag:s8], $0x0  }
0x24: {  	s3 =	sadd.s32 $0x88, s3;
	s6 =	simm.s32 @!p1 $0x1082;
	[sflag:s4] =	ssyncset.s32 $0xFFFFF086  }
0x25: {  	[simem:s6], [sflag:s4] =	dma.local [hbm:s3], $0xF7A  }
0x26: {  	[smem:$0x3F95] =	sst s1;
	(tag) =	ssettag s2;
	_ =	strace s9  }
0x27: {  	s1 =	sld [smem:$0x3FA5]  }
0x28: {  	s2 =	sld [smem:$0x3FA6]  }
0x29: {  	s4 =	sld [smem:$0x3FA8]  }
0x2a: {  	p0 =	seq.s32 s5, $0x0;
	s5 =	sld [smem:$0x3FA9]  }
0x2b: {  	s6 =	sld [smem:$0x3FAA]  }
0x2c: {  	s7 =	sld [smem:$0x3FAB]  }
0x2d: {  	s3 =	simm.s32 $0x108;
	s8 =	sld [smem:$0x3FAC]  }
0x2e: {  	s3 =	simm.s32 @!p0 $0x1082;
	s9 =	sld [smem:$0x3FAD]  }
0x2f: {  	lr =	sadd.s32 s0, s3;
	s0 =	sld [smem:$0x3FA4]  }
0x30: {  	s3 =	sld [smem:$0x3FA7]  }
0x31: {  	[smem:$0x3FB0] =	sst s10  }
0x32: {  	s10 =	sld [smem:$0x3FAE];
	_ =	sdelay $0x3  }
0x33: {  	p0 =	seq.s32 s10, $0x1;
	s10 =	sld [smem:$0x3FB0];
	_ =	sdelay $0x3  }
0x34: {  	[smem:$0x3FB0] =	sst s10  }
0x35: {  	s10 =	sld [smem:$0x3FAF];
	_ =	sdelay $0x3  }
0x36: {  	p1 =	seq.s32 s10, $0x1;
	s10 =	sld [smem:$0x3FB0];
	_ =	sdelay $0x3  }
0x37: {  	[smem:$0x3FB0] =	sst s10  }
0x38: {  	s10 =	sld [smem:$0x3FB1]  }
0x39: {  	_ = 	snop;
	(pc) =	sbr.ind lr, $3  }
0x3a: {  	_ = 	snop  }
0x3b: {  	_ = 	snop  }
0x3c: {  	p2 =	seq.s32 s10, $0x1;
	s10 =	sld [smem:$0x3FB0]  }
0x3d: {  	_ =	shalt  }
0x3e: {  	_ =	shalt  }
0x3f: {  	_ =	shalt  }
0x40: {  	_ =	shalt  }
0x41: {  	_ =	shalt  }
0x42: {  	_ =	shalt  }
0x43: {  	_ =	shalt  }
0x44: {  	_ =	shalt  }
0x45: {  	_ =	shalt  }
0x46: {  	_ =	shalt  }
0x47: {  	_ =	shalt  }
0x48: {  	_ =	shalt  }
0x49: {  	_ =	shalt  }
0x4a: {  	_ =	shalt  }
0x4b: {  	_ =	shalt  }
0x4c: {  	_ =	shalt  }
0x4d: {  	_ =	shalt  }
0x4e: {  	_ =	shalt  }
0x4f: {  	_ =	shalt  }
0x50: {  	_ =	shalt  }
0x51: {  	_ =	shalt  }
0x52: {  	_ =	shalt  }
0x53: {  	_ =	shalt  }
0x54: {  	_ =	shalt  }
0x55: {  	_ =	shalt  }
0x56: {  	_ =	shalt  }
0x57: {  	_ =	shalt  }
0x58: {  	_ =	shalt  }
0x59: {  	_ =	shalt  }
0x5a: {  	_ =	shalt  }
0x5b: {  	_ =	shalt  }
0x5c: {  	_ =	shalt  }
0x5d: {  	_ =	shalt  }
0x5e: {  	_ =	shalt  }
0x5f: {  	_ =	shalt  }
0x60: {  	_ =	shalt  }
0x61: {  	_ =	shalt  }
0x62: {  	_ =	shalt  }
0x63: {  	_ =	shalt  }
0x64: {  	_ =	shalt  }
0x65: {  	_ =	shalt  }
0x66: {  	_ =	shalt  }
0x67: {  	_ =	shalt  }
0x68: {  	_ =	shalt  }
0x69: {  	_ =	shalt  }
0x6a: {  	_ =	shalt  }
0x6b: {  	_ =	shalt  }
0x6c: {  	_ =	shalt  }
0x6d: {  	_ =	shalt  }
0x6e: {  	_ =	shalt  }
0x6f: {  	_ =	shalt  }
0x70: {  	_ =	shalt  }
0x71: {  	_ =	shalt  }
0x72: {  	_ =	shalt  }
0x73: {  	_ =	shalt  }
0x74: {  	_ =	shalt  }
0x75: {  	_ =	shalt  }
0x76: {  	_ =	shalt  }
0x77: {  	_ =	shalt  }
0x78: {  	_ =	shalt  }
0x79: {  	_ =	shalt  }
0x7a: {  	_ =	shalt  }
0x7b: {  	_ =	shalt  }
0x7c: {  	_ =	shalt  }
0x7d: {  	_ =	shalt  }
0x7e: {  	_ =	shalt  }
0x7f: {  	_ =	shalt  }
0x80: {  	_ =	shalt  }
0x81: {  	_ =	shalt  }
0x82: {  	_ =	shalt  }
0x83: {  	_ =	shalt  }
0x84: {  	_ =	shalt  }
0x85: {  	_ =	shalt  }
0x86: {  	_ =	shalt  }
0x87: {  	_ =	shalt  }
.Lfunc_end0:
.L_simem_size_0:
called_computation.2_lowered:
.L_overlay_start_0:
0x88: {  	s2 =	sld [smem:$0x3FD9]  }
0x89: {  	s3 =	sld [smem:$0x3FFE];
	_ =	sdelay $0x1  }
0x8a: {  	s1 =	srdreg.scid  }
0x8b: {  	s0 =	sand.u32 $0x1, s1  }
0x8c: {  	s16 =	sshll.u32 s0, $0xA;
	s2 =	sadd.s32 s3, s2  }
0x8d: {  	s2 =	sadd.s32 s2, s16  }
0x8e: {  	[smem:$0x3FBC] =	sst s2  }
0x8f: {  	_ = 	snop  }
0x90: {  	(tm) =	ssettm $0x1  }
0x91: {  	s17 =	sld [smem:$0x3FFB];
	_ =	sdelay $0x3  }
0x92: {  	_ =	strace s17  }
0x93: {  	s2 =	sld [smem:$0x3FFC];
	_ =	sdelay $0x3  }
0x94: {  	_ =	strace s2  }
0x95: {  	s2 =	sld [smem:$0x3FFD];
	_ =	sdelay $0x3  }
0x96: {  	_ =	strace s2  }
0x97: {  	_ =	strace $0x8FFFFFFF  }
0x98: {  	s18 =	sld [smem:$0x3FDB];
	_ =	sdelay $0x1  }
0x99: {  	s19 =	simm.s32 $_scs_section_size  }
0x9a: {  	s4 =	simm.s32 $_size__tile_overlayer_lowered;
	s5 =	simm.s32 $_tile_overlayer_lowered  }
0x9b: {  	s22 =	simm.s32 $0x1BFF;
	s21 =	sshll.u32 s5, $0x1;
	s2 =	sadd.s32 s19, s18  }
0x9c: {  	s6 =	simm.s32 $0x0;
	s20 =	sshll.u32 s4, $0x1;
	s4 =	sadd.s32 s21, s2  }
0x9d: {  	[timem:s6], [sflag:s22] =	dma.local [hbm:s4], s20  }
0x9e: {  	_ =	swait.ge [sflag:s22], s20  }
0x9f: {  	s3 =	ssub.s32 $0x0, s20;
	[sflag:s22] =	ssyncset.done $0x0  }
0xa0: {  	[sflag:s22] =	ssyncadd.s32 s3;
	_ =	sdelay $0x1  }
0xa1: {  	s23 =	simm.s32 $0x1B8B  }
0xa2: {  	_ =	swait.ge [sflag:s23], $0x1  }
0xa3: {  	[sflag:s23] =	ssyncset.done $0x0  }
0xa4: {  	s25 =	simm.s32 $0x1B8E;
	s24 =	sld [smem:$0x3FFE];
	[sflag:s23] =	ssyncadd.s32 $0xFFFFFFFF  }
0xa5: {  	s26 =	simm.s32 $execute0_lowered;
	[smem:$0x3FD2] =	sst s25  }
0xa6: {  	s4 =	sshll.u32 s26, $0x1;
	_ =	strace $0x8000004C;
	[dreg:$0x1] =	wrdreg $0xFFFFFFFF  }
0xa7: {  	s28 =	simm.s32 $_size_execute0_lowered;
	s2 =	sadd.s32 s2, s4;
	[dreg:$0x0] =	wrdreg $0x0  }
0xa8: {  	s4 =	sshll.u32 s28, $0x1;
	[dreg:$0x2] =	wrdreg s2  }
0xa9: {  	[dreg:$0x3] =	wrdreg s4  }
0xaa: {  	[dreg:$0x4] =	wrdreg $0xC0  }
0xab: {  	_ =	task [dreg:s6], $0x5FFFF  }
0xac: {  	[dreg:$0x1] =	wrdreg $0xFFFFFFFF  }
0xad: {  	[dreg:$0x0] =	wrdreg $0x60  }
0xae: {  	[dreg:$0x2] =	wrdreg s24  }
0xaf: {  	[dreg:$0x3] =	wrdreg $0x90000  }
0xb0: {  	[dreg:$0x4] =	wrdreg $0x9  }
0xb1: {  	_ =	task.clear_ibuf [dreg:s6], $0x5FFFF;
	_ =	strace $0x9000004C  }
0xb2: {  	s29 =	simm.s32 $0x9;
	_ =	strace $0x8000004E  }
0xb3: {  	_ =	swait.ge [sflag:s29], $0x1  }
0xb4: {  	[sflag:s29] =	ssyncadd.s32 $0xFFFFFFFF  }
0xb5: {  	_ =	strace $0x9000004E  }
0xb6: {  	_ =	sfence  }
0xb7: {  	s30 =	sld [smem:$0x0];
	_ =	sdelay $0x2  }
0xb8: {  	s31 =	sshll.u32 s1, $0xD;
	s1 =	sshrl.u32 s1, $0x2  }
0xb9: {  	s3 =	sand.u32 $0x4000, s31;
	s1 =	sadd.s32 s1, s30  }
0xba: {  	s0 =	sor.u32 s3, s0;
	s1 =	sshll.u32 s1, $0x11  }
0xbb: {  	s0 =	sor.u32 s1, s0  }
0xbc: {  	s0 =	sadd.s32 $0x8F2B, s0  }
0xbd: {  	[sflag:s0] =	ssyncadd.remote.s32 $0x1  }
0xbe: {  	_ =	sfence.sel $0xFFFF  }
0xbf: {  	[dreg:$0x0] =	wrdreg $0xFFFFFFFF;
	(pc) =	sbr.abs _section_cstart, $3  }
0xc0: {  	[dreg:$0x1] =	wrdreg $0xFFFFFFFF  }
0xc1: {  	_ =	task.clear_ibuf [dreg:s6], $0x2FFFF;
	_ =	strace $0x9FFFFFFF  }
0xc2: {  	(tm) =	ssettm $0x7FFFFFFF  }
0xc3: {  	_ =	shalt  }
tec
execute0_lowered:
.L_overlay_start_1:
0x0: {  	(tag) =	ssettag $0x1  }
0x1: {  	s0 =	srdreg.scid;
	s6 =	rddreg [dreg:$0x0]  }
0x2: {  	s2 =	rddreg [dreg:$0x1];
	s26 =	stileid.u32;
	s3 =	simm.s32 $0x0  }
0x3: {  	s25 =	simm.s32 $0x5000;
	s28 =	simm.s32 $0x1;
	s29 =	simm.s32 $0x0  }
0x4: {  	s7 =	sand.u32 $0x1, s0;
	[smem:$0x7FF] =	sst s3;
	s11 =	smul.u32 $0x50000, s26  }
0x5: {  	s5 =	sadd.s32 $0x3F400, s6;
	s22 =	sadd.s32 $0x3FC00, s6;
	s18 =	smul.u32 $0x14000, s26  }
0x6: {  	s4 =	sshll.u32 s7, $0x4;
	_ =	strace $0x8000004D;
	s9 =	ssub.s32 $0x2, s7  }
0x7: {  	s19 =	smul.u32 $0x140000, s7;
	s4 =	sor.u32 s26, s4;
	s10 =	sshrl.u32 s9, $0x1  }
0x8: {  	s30 =	sshrl.u32 s11, $0x2;
	s15 =	sadd.s32 $0x4000, s18;
	s20 =	sadd.s32 $0x8000, s18  }
0x9: {  	s21 =	sadd.s32 $0xC000, s18;
	s23 =	sadd.s32 $0x10000, s18;
	s26 =	simm.s32 $0x80  }
0xa: {  	s4 =	smul.u32 $0x500, s4;
	s9 =	ssub.s32 s9, s10;
	s13 =	sadd.s32 s19, s18  }
0xb: {  	s16 =	sadd.s32 s19, s15;
	s15 =	sadd.s32 s15, s2;
	s17 =	sadd.s32 s20, s2  }
0xc: {  	s20 =	sadd.s32 s19, s20;
	s31 =	sadd.s32 s19, s21;
	s24 =	sadd.s32 s19, s23  }
0xd: {  	s19 =	sadd.s32 s21, s2;
	s21 =	sadd.s32 s23, s2;
	s23 =	simm.s32 $0x2  }
0xe: {  	s9 =	smax.u32 s9, $0x1;
	s14 =	sshrl.u32 s13, $0x3;
	s16 =	sshrl.u32 s16, $0x3  }
0xf: {  	s20 =	sshrl.u32 s20, $0x3;
	s24 =	sshrl.u32 s24, $0x3;
	s8 =	sadd.s32 s4, s6  }
0x10: {  	s4 =	sadd.s32 $0x17400, s6;
	s14 =	sadd.s32 s22, s14;
	s16 =	sadd.s32 s22, s16  }
0x11: {  	s18 =	sadd.s32 s22, s20;
	s20 =	sshrl.u32 s31, $0x3;
	s6 =	sadd.s32 $0x3400, s8  }
0x12: {  	s7 =	sadd.s32 $0xD400, s8;
	s8 =	sadd.s32 s30, s2;
	s20 =	sadd.s32 s22, s20  }
0x13: {  	s22 =	sadd.s32 s22, s24;
	s24 =	simm.s32 $0x2800;
	s10 =	sadd.s32 $0x4000, s8  }
0x14: {  	s11 =	sadd.s32 $0x8000, s8;
	s12 =	sadd.s32 $0xC000, s8;
	s13 =	sadd.s32 $0x10000, s8  }
.LBB2_1:
0x15: {  	[tilespmem:s3], [sflag:$0x2] =	stream.linear.gather [hbm4b:s6+s3], $0x2800, $0x38;
	[tilespmem:$0x1D000] =	vst v63  }
0x16: {  	_ =	swait.ge [sflag:s23], $0x2800  }
0x17: {  	[sflag:s23] =	ssyncset.done $0x0  }
0x18: {  	[sflag:s23] =	ssyncadd.s32 $0xFFFFD800  }
0x19: {  	[tilespmem:s24], [sflag:$0x2] =	stream.linear.gather [hbm4b:s7+s3], $0x2800, $0x38;
	[tilespmem:$0x1D000] =	vst v63  }
0x1a: {  	_ =	swait.ge [sflag:s23], $0x2800  }
0x1b: {  	[sflag:s23] =	ssyncset.done $0x0  }
0x1c: {  	[sflag:s23] =	ssyncadd.s32 $0xFFFFD800  }
0x1d: {  	[tilespmem:s25], [sflag:$0x2] =	stream.linear.gather [hbm4b:s5+s3], $0x4000, $0x38;
	[tilespmem:$0x1D000] =	vst v63  }
0x1e: {  	_ =	swait.ge [sflag:s23], $0x4000  }
0x1f: {  	[sflag:s23] =	ssyncset.done $0x0  }
0x20: {  	[sflag:s23] =	ssyncadd.s32 $0xFFFFC000  }
0x21: {  	[spmem:s8] =	stream.linear.scatter [tilespmem:s25], [sflag:$0x2], $0x4000, $0x38;
	[tilespmem:$0x1D000] =	vst v63  }
0x22: {  	_ =	swait.ge [sflag:s23], $0x4000  }
0x23: {  	[sflag:s23] =	ssyncset.done $0x0  }
0x24: {  	[sflag:s23] =	ssyncadd.s32 $0xFFFFC000  }
0x25: {  	[spmem:s10] =	stream.linear.scatter [tilespmem:s25], [sflag:$0x2], $0x4000, $0x38;
	[tilespmem:$0x1D000] =	vst v63  }
0x26: {  	_ =	swait.ge [sflag:s23], $0x4000  }
0x27: {  	[sflag:s23] =	ssyncset.done $0x0  }
0x28: {  	[sflag:s23] =	ssyncadd.s32 $0xFFFFC000  }
0x29: {  	[spmem:s11] =	stream.linear.scatter [tilespmem:s25], [sflag:$0x2], $0x4000, $0x38;
	[tilespmem:$0x1D000] =	vst v63  }
0x2a: {  	_ =	swait.ge [sflag:s23], $0x4000  }
0x2b: {  	[sflag:s23] =	ssyncset.done $0x0  }
0x2c: {  	[sflag:s23] =	ssyncadd.s32 $0xFFFFC000  }
0x2d: {  	[spmem:s12] =	stream.linear.scatter [tilespmem:s25], [sflag:$0x2], $0x4000, $0x38;
	[tilespmem:$0x1D000] =	vst v63  }
0x2e: {  	_ =	swait.ge [sflag:s23], $0x4000  }
0x2f: {  	[sflag:s23] =	ssyncset.done $0x0  }
0x30: {  	[sflag:s23] =	ssyncadd.s32 $0xFFFFC000  }
0x31: {  	[spmem:s13] =	stream.linear.scatter [tilespmem:s25], [sflag:$0x2], $0x4000, $0x38;
	[tilespmem:$0x1D000] =	vst v63  }
0x32: {  	_ =	swait.ge [sflag:s23], $0x4000  }
0x33: {  	[sflag:s23] =	ssyncset.done $0x0  }
0x34: {  	[sflag:s23] =	ssyncadd.s32 $0xFFFFC000  }
0x35: {  	s30 =	simm.s32 $0x0;
	[bflag:$0x0] =	sbarrier.arrive $0xFFFF  }
0x36: {  	[tilespmem:s25], [sflag:$0x1] =	stream.indirect.gather [hbm4b:s4+s26], $0x80, s30, s26, $0xb8;
	[tilespmem:$0x1D000] =	vst v63  }
0x37: {  	_ =	swait.ge [sflag:s28], $0x4000  }
0x38: {  	[sflag:s28] =	ssyncset.done $0x0  }
0x39: {  	s30 =	simm.s32 $0x2800;
	[sflag:s28] =	ssyncadd.s32 $0xFFFFC000  }
0x3a: {  	[spmem:s2] =	stream.indirect.scatter.add.f32 [tilespmem:s25], [sflag:$0x2], $0x80, s30, s26, $0xb8;
	[tilespmem:$0x1D000] =	vst v63  }
0x3b: {  	_ =	swait.ge [sflag:s23], $0x4000  }
0x3c: {  	s31 =	simm.s32 $0x400;
	s30 =	simm.s32 $0x200;
	[sflag:s23] =	ssyncset.done $0x0  }
.LBB2_2:
0x3d: {  	s0 =	sshra.s32 s30, $0x2  }
0x3e: {  	[sflag:s23] =	ssyncadd.s32 $0xFFFFC000;
	s30 =	smov.u32 s31;
	s1 =	sadd.s32 $0x200, s31  }
0x3f: {  	[tilespmem:s25], [sflag:$0x1] =	stream.indirect.gather [hbm4b:s4+s26], $0x80, s0, s26, $0xb8;
	[tilespmem:$0x1D000] =	vst v63  }
0x40: {  	p0 =	sne.s32 s31, $0x9E00;
	_ =	swait.ge [sflag:s28], $0x4000  }
.Ltmp0:
0x41: {  	[sflag:s28] =	ssyncset.done $0x0;
	(pc) =	sbr.rel @p0 .LBB2_2-.Ltmp0, $4  }
0x42: {  	s0 =	sadd.s32 $0x2800, s0;
	[sflag:s28] =	ssyncadd.s32 $0xFFFFC000  }
0x43: {  	[spmem:s2] =	stream.indirect.scatter.add.f32 [tilespmem:s25], [sflag:$0x2], $0x80, s0, s26, $0xb8;
	[tilespmem:$0x1D000] =	vst v63  }
0x44: {  	_ =	swait.ge [sflag:s23], $0x4000  }
0x45: {  	s31 =	smov.u32 s1;
	[sflag:s23] =	ssyncset.done $0x0  }
0x46: {  	s0 =	sshra.s32 s30, $0x2;
	[sflag:s23] =	ssyncadd.s32 $0xFFFFC000  }
0x47: {  	[tilespmem:s25], [sflag:$0x1] =	stream.indirect.gather [hbm4b:s4+s26], $0x80, s0, s26, $0xb8;
	[tilespmem:$0x1D000] =	vst v63  }
0x48: {  	_ =	swait.ge [sflag:s28], $0x4000  }
0x49: {  	[sflag:s28] =	ssyncset.done $0x0  }
0x4a: {  	s0 =	sadd.s32 $0x2800, s0;
	[sflag:s28] =	ssyncadd.s32 $0xFFFFC000  }
0x4b: {  	[spmem:s2] =	stream.indirect.scatter.add.f32 [tilespmem:s25], [sflag:$0x2], $0x80, s0, s26, $0xb8;
	[tilespmem:$0x1D000] =	vst v63  }
0x4c: {  	_ =	swait.ge [sflag:s23], $0x4000  }
0x4d: {  	[sflag:s23] =	ssyncset.done $0x0  }
0x4e: {  	[sflag:s23] =	ssyncadd.s32 $0xFFFFC000  }
0x4f: {  	[bflag:$0x0] =	sbarrier.arrive $0xFFFF  }
0x50: {  	[tilespmem:s25], [sflag:$0x2] =	stream.linear.gather [spmem:s8], $0x4000, $0x38;
	[tilespmem:$0x1D000] =	vst v63  }
0x51: {  	_ =	swait.ge [sflag:s23], $0x4000  }
0x52: {  	[sflag:s23] =	ssyncset.done $0x0  }
0x53: {  	[sflag:s23] =	ssyncadd.s32 $0xFFFFC000  }
0x54: {  	[hbm4b:s14+s3] =	stream.linear.scatter [tilespmem:s25], [sflag:$0x2], $0x4000, $0x38;
	[tilespmem:$0x1D000] =	vst v63  }
0x55: {  	_ =	swait.ge [sflag:s23], $0x4000  }
0x56: {  	[sflag:s23] =	ssyncset.done $0x0  }
0x57: {  	[sflag:s23] =	ssyncadd.s32 $0xFFFFC000  }
0x58: {  	[tilespmem:s25], [sflag:$0x2] =	stream.linear.gather [spmem:s15], $0x4000, $0x38;
	[tilespmem:$0x1D000] =	vst v63  }
0x59: {  	_ =	swait.ge [sflag:s23], $0x4000  }
0x5a: {  	[sflag:s23] =	ssyncset.done $0x0  }
0x5b: {  	[sflag:s23] =	ssyncadd.s32 $0xFFFFC000  }
0x5c: {  	[hbm4b:s16+s3] =	stream.linear.scatter [tilespmem:s25], [sflag:$0x2], $0x4000, $0x38;
	[tilespmem:$0x1D000] =	vst v63  }
0x5d: {  	_ =	swait.ge [sflag:s23], $0x4000  }
0x5e: {  	[sflag:s23] =	ssyncset.done $0x0  }
0x5f: {  	[sflag:s23] =	ssyncadd.s32 $0xFFFFC000  }
0x60: {  	[tilespmem:s25], [sflag:$0x2] =	stream.linear.gather [spmem:s17], $0x4000, $0x38;
	[tilespmem:$0x1D000] =	vst v63  }
0x61: {  	_ =	swait.ge [sflag:s23], $0x4000  }
0x62: {  	[sflag:s23] =	ssyncset.done $0x0  }
0x63: {  	[sflag:s23] =	ssyncadd.s32 $0xFFFFC000  }
0x64: {  	[hbm4b:s18+s3] =	stream.linear.scatter [tilespmem:s25], [sflag:$0x2], $0x4000, $0x38;
	[tilespmem:$0x1D000] =	vst v63  }
0x65: {  	_ =	swait.ge [sflag:s23], $0x4000  }
0x66: {  	[sflag:s23] =	ssyncset.done $0x0  }
0x67: {  	[sflag:s23] =	ssyncadd.s32 $0xFFFFC000  }
0x68: {  	[tilespmem:s25], [sflag:$0x2] =	stream.linear.gather [spmem:s19], $0x4000, $0x38;
	[tilespmem:$0x1D000] =	vst v63  }
0x69: {  	_ =	swait.ge [sflag:s23], $0x4000  }
0x6a: {  	[sflag:s23] =	ssyncset.done $0x0  }
0x6b: {  	[sflag:s23] =	ssyncadd.s32 $0xFFFFC000  }
0x6c: {  	[hbm4b:s20+s3] =	stream.linear.scatter [tilespmem:s25], [sflag:$0x2], $0x4000, $0x38;
	[tilespmem:$0x1D000] =	vst v63  }
0x6d: {  	_ =	swait.ge [sflag:s23], $0x4000  }
0x6e: {  	[sflag:s23] =	ssyncset.done $0x0  }
0x6f: {  	[sflag:s23] =	ssyncadd.s32 $0xFFFFC000  }
0x70: {  	[tilespmem:s25], [sflag:$0x2] =	stream.linear.gather [spmem:s21], $0x4000, $0x38;
	[tilespmem:$0x1D000] =	vst v63  }
0x71: {  	s29 =	sadd.s32 $0x1, s29;
	_ =	swait.ge [sflag:s23], $0x4000  }
0x72: {  	p0 =	sne.s32 s29, s9;
	[sflag:s23] =	ssyncset.done $0x0  }
.Ltmp1:
0x73: {  	[sflag:s23] =	ssyncadd.s32 $0xFFFFC000;
	(pc) =	sbr.rel @p0 .LBB2_1-.Ltmp1, $4  }
0x74: {  	[hbm4b:s22+s3] =	stream.linear.scatter [tilespmem:s25], [sflag:$0x2], $0x4000, $0x38;
	[tilespmem:$0x1D000] =	vst v63  }
0x75: {  	_ =	swait.ge [sflag:s23], $0x4000  }
0x76: {  	[sflag:s23] =	ssyncset.done $0x0  }
0x77: {  	[sflag:s23] =	ssyncadd.s32 $0xFFFFC000  }
0x78: {  	_ =	sfence.sel $0x180000  }
0x79: {  	[bflag:$0x0] =	sbarrier.arrive $0xFFFF  }
0x7a: {  	_ =	strace $0x9000004D  }
0x7b: {  	s0 =	stileid.u32;
	[bflag:$0x2] =	sbarrier.arrive $0xFFFF  }
0x7c: {  	p0 =	sne.s32 s0, $0x0;
	s0 =	rddreg [dreg:$0x2]  }
0x7d: {  	s0 =	sadd.s32 @!p0 $0x100000, s0  }
0x7e: {  	[sflag:s0] =	ssyncadd.tile.s32 @!p0 $0x1;
	_ =	shalt  }
.Lfunc_end2:
_tile_overlayer_lowered:
.L_overlay_start_2:
0x7f: {  	(tag) =	ssettag $0x2  }
0x80: {  	s0 =	rddreg [dreg:$0x0];
	s2 =	stileid.u32  }
0x81: {  	s1 =	rddreg [dreg:$0x1];
	p0 =	sne.s32 s2, $0x0  }
0x82: {  	s3 =	rddreg [dreg:$0x2];
	[bflag:$0x3] =	sbarrier.arrive $0xFFFF;
	s2 =	simm.s32 @!p0 $0x1C02  }
0x83: {  	[timem:s3], [sflag:s2] =	dma.local @!p0 [hbm:s0], s1  }
0x84: {  	s0 =	simm.s32 @!p0 $0x2  }
0x85: {  	_ =	swait.ge @!p0 [sflag:s0], s1  }
0x86: {  	s1 =	ssub.s32 @!p0 $0x0, s1;
	[sflag:s0] =	ssyncset.done @!p0 $0x0  }
0x87: {  	[sflag:s0] =	ssyncadd.s32 @!p0 s1  }
0x88: {  	[bflag:$0x3] =	sbarrier.arrive $0xFFFF  }
0x89: {  	_ =	shalt  }

// kernel: kernel.22.cloned.1.call-start
scs
__scs_entry_jumppad:
0x0: {  	(pc) =	sbr.rel $0x88, $3  }
0x1: {  	(tag) =	ssettag $0x0;
	lr =	simm.s32 $0x1  }
0x2: {  	[smem:$0x3F95] =	sst lr;
	_ =	strace $0xD0000000  }
0x3: {  	_ = 	snop  }
0x4: {  	_ = 	snop  }
0x5: {  	_ = 	snop  }
0x6: {  	_ = 	snop  }
0x7: {  	_ = 	snop  }
__scs_overlays_trampoline_lowered:
0x8: {  	[smem:$0x3FA4] =	sst s0  }
0x9: {  	[smem:$0x3FA5] =	sst s1  }
0xa: {  	[smem:$0x3FA6] =	sst s2  }
0xb: {  	[smem:$0x3FA7] =	sst s3  }
0xc: {  	[smem:$0x3FA8] =	sst s4  }
0xd: {  	[smem:$0x3FA9] =	sst s5  }
0xe: {  	[smem:$0x3FAA] =	sst s6  }
0xf: {  	[smem:$0x3FAB] =	sst s7  }
0x10: {  	[smem:$0x3FAC] =	sst s8  }
0x11: {  	[smem:$0x3FAD] =	sst s9;
	s0 =	simm.s32 @!p0 $0x0  }
0x12: {  	s1 =	sld [smem:$0x3F93];
	s0 =	simm.s32 @p0 $0x1  }
0x13: {  	[smem:$0x3FAE] =	sst s0;
	s0 =	simm.s32 @!p1 $0x0  }
0x14: {  	s2 =	sld [smem:$0x3F92];
	s0 =	simm.s32 @p1 $0x1  }
0x15: {  	[smem:$0x3FAF] =	sst s0;
	s0 =	simm.s32 @!p2 $0x0  }
0x16: {  	s3 =	sld [smem:$0x3FDB];
	s0 =	simm.s32 @p2 $0x1  }
0x17: {  	s4 =	simm.s32 $0x1BF5;
	[smem:$0x3FB1] =	sst s0  }
0x18: {  	s0 =	sld [smem:$0x3F94];
	_ =	swait.ge [sflag:s4], $0x0  }
0x19: {  	s7 =	sld [smem:$0x3F95]  }
0x1a: {  	s8 =	sadd.s32 $0xFFFFE003, lr  }
0x1b: {  	s9 =	sadd.s32 $0xFFFFFEF7, lr;
	s5 =	simm.s32 $0xFFFFFFFF;
	p2 =	slt.u32 s8, $0xFFFFF086  }
0x1c: {  	p1 =	slt.u32 s9, $0xF7A;
	s5 =	simm.s32 @!p2 $0x0  }
0x1d: {  	s5 =	simm.s32 @p1 $0x1;
	p0 =	seq.s32 s7, s2  }
0x1e: {  	s7 =	smul.u32 @!p0 $0xF7A, s2;
	p2 =	seq.s32 @!p0 s5, $0x0  }
0x1f: {  	s9 =	smul.u32 $0xF7A, s1;
	s8 =	simm.s32 @!p0 $0x1BF5;
	p2 =	por !p2, p0  }
0x20: {  	[sflag:s8] =	ssyncset.s32 @!p0 $0xFFFFF086;
	s6 =	sadd.s32 @!p0 s3, s7;
	s7 =	simm.s32 @!p0 $0x108  }
0x21: {  	s3 =	sadd.s32 s3, s9;
	s6 =	sadd.s32 @!p0 $0x88, s6;
	s7 =	simm.s32 @p2 $0x1082  }
0x22: {  	[simem:s7], [sflag:s8] =	dma.local @!p0 [hbm:s6], $0xF7A  }
0x23: {  	s9 =	sor.u32 $0xD0000000, s2;
	s6 =	simm.s32 $0x108;
	_ =	swait.ge @!p0 [sflag:s8], $0x0  }
0x24: {  	s3 =	sadd.s32 $0x88, s3;
	s6 =	simm.s32 @!p1 $0x1082;
	[sflag:s4] =	ssyncset.s32 $0xFFFFF086  }
0x25: {  	[simem:s6], [sflag:s4] =	dma.local [hbm:s3], $0xF7A  }
0x26: {  	[smem:$0x3F95] =	sst s1;
	(tag) =	ssettag s2;
	_ =	strace s9  }
0x27: {  	s1 =	sld [smem:$0x3FA5]  }
0x28: {  	s2 =	sld [smem:$0x3FA6]  }
0x29: {  	s4 =	sld [smem:$0x3FA8]  }
0x2a: {  	p0 =	seq.s32 s5, $0x0;
	s5 =	sld [smem:$0x3FA9]  }
0x2b: {  	s6 =	sld [smem:$0x3FAA]  }
0x2c: {  	s7 =	sld [smem:$0x3FAB]  }
0x2d: {  	s3 =	simm.s32 $0x108;
	s8 =	sld [smem:$0x3FAC]  }
0x2e: {  	s3 =	simm.s32 @!p0 $0x1082;
	s9 =	sld [smem:$0x3FAD]  }
0x2f: {  	lr =	sadd.s32 s0, s3;
	s0 =	sld [smem:$0x3FA4]  }
0x30: {  	s3 =	sld [smem:$0x3FA7]  }
0x31: {  	[smem:$0x3FB0] =	sst s10  }
0x32: {  	s10 =	sld [smem:$0x3FAE];
	_ =	sdelay $0x3  }
0x33: {  	p0 =	seq.s32 s10, $0x1;
	s10 =	sld [smem:$0x3FB0];
	_ =	sdelay $0x3  }
0x34: {  	[smem:$0x3FB0] =	sst s10  }
0x35: {  	s10 =	sld [smem:$0x3FAF];
	_ =	sdelay $0x3  }
0x36: {  	p1 =	seq.s32 s10, $0x1;
	s10 =	sld [smem:$0x3FB0];
	_ =	sdelay $0x3  }
0x37: {  	[smem:$0x3FB0] =	sst s10  }
0x38: {  	s10 =	sld [smem:$0x3FB1]  }
0x39: {  	_ = 	snop;
	(pc) =	sbr.ind lr, $3  }
0x3a: {  	_ = 	snop  }
0x3b: {  	_ = 	snop  }
0x3c: {  	p2 =	seq.s32 s10, $0x1;
	s10 =	sld [smem:$0x3FB0]  }
0x3d: {  	_ =	shalt  }
0x3e: {  	_ =	shalt  }
0x3f: {  	_ =	shalt  }
0x40: {  	_ =	shalt  }
0x41: {  	_ =	shalt  }
0x42: {  	_ =	shalt  }
0x43: {  	_ =	shalt  }
0x44: {  	_ =	shalt  }
0x45: {  	_ =	shalt  }
0x46: {  	_ =	shalt  }
0x47: {  	_ =	shalt  }
0x48: {  	_ =	shalt  }
0x49: {  	_ =	shalt  }
0x4a: {  	_ =	shalt  }
0x4b: {  	_ =	shalt  }
0x4c: {  	_ =	shalt  }
0x4d: {  	_ =	shalt  }
0x4e: {  	_ =	shalt  }
0x4f: {  	_ =	shalt  }
0x50: {  	_ =	shalt  }
0x51: {  	_ =	shalt  }
0x52: {  	_ =	shalt  }
0x53: {  	_ =	shalt  }
0x54: {  	_ =	shalt  }
0x55: {  	_ =	shalt  }
0x56: {  	_ =	shalt  }
0x57: {  	_ =	shalt  }
0x58: {  	_ =	shalt  }
0x59: {  	_ =	shalt  }
0x5a: {  	_ =	shalt  }
0x5b: {  	_ =	shalt  }
0x5c: {  	_ =	shalt  }
0x5d: {  	_ =	shalt  }
0x5e: {  	_ =	shalt  }
0x5f: {  	_ =	shalt  }
0x60: {  	_ =	shalt  }
0x61: {  	_ =	shalt  }
0x62: {  	_ =	shalt  }
0x63: {  	_ =	shalt  }
0x64: {  	_ =	shalt  }
0x65: {  	_ =	shalt  }
0x66: {  	_ =	shalt  }
0x67: {  	_ =	shalt  }
0x68: {  	_ =	shalt  }
0x69: {  	_ =	shalt  }
0x6a: {  	_ =	shalt  }
0x6b: {  	_ =	shalt  }
0x6c: {  	_ =	shalt  }
0x6d: {  	_ =	shalt  }
0x6e: {  	_ =	shalt  }
0x6f: {  	_ =	shalt  }
0x70: {  	_ =	shalt  }
0x71: {  	_ =	shalt  }
0x72: {  	_ =	shalt  }
0x73: {  	_ =	shalt  }
0x74: {  	_ =	shalt  }
0x75: {  	_ =	shalt  }
0x76: {  	_ =	shalt  }
0x77: {  	_ =	shalt  }
0x78: {  	_ =	shalt  }
0x79: {  	_ =	shalt  }
0x7a: {  	_ =	shalt  }
0x7b: {  	_ =	shalt  }
0x7c: {  	_ =	shalt  }
0x7d: {  	_ =	shalt  }
0x7e: {  	_ =	shalt  }
0x7f: {  	_ =	shalt  }
0x80: {  	_ =	shalt  }
0x81: {  	_ =	shalt  }
0x82: {  	_ =	shalt  }
0x83: {  	_ =	shalt  }
0x84: {  	_ =	shalt  }
0x85: {  	_ =	shalt  }
0x86: {  	_ =	shalt  }
0x87: {  	_ =	shalt  }
.Lfunc_end0:
.L_simem_size_0:
called_computation.3_lowered:
.L_overlay_start_0:
0x88: {  	s2 =	sld [smem:$0x3FD9]  }
0x89: {  	s3 =	sld [smem:$0x3FFE];
	_ =	sdelay $0x1  }
0x8a: {  	s1 =	srdreg.scid  }
0x8b: {  	s0 =	sand.u32 $0x1, s1  }
0x8c: {  	s16 =	sshll.u32 s0, $0xA;
	s2 =	sadd.s32 s3, s2  }
0x8d: {  	s2 =	sadd.s32 s2, s16  }
0x8e: {  	[smem:$0x3FBC] =	sst s2  }
0x8f: {  	_ = 	snop  }
0x90: {  	(tm) =	ssettm $0x1  }
0x91: {  	s17 =	sld [smem:$0x3FFB];
	_ =	sdelay $0x3  }
0x92: {  	_ =	strace s17  }
0x93: {  	s2 =	sld [smem:$0x3FFC];
	_ =	sdelay $0x3  }
0x94: {  	_ =	strace s2  }
0x95: {  	s2 =	sld [smem:$0x3FFD];
	_ =	sdelay $0x3  }
0x96: {  	_ =	strace s2  }
0x97: {  	_ =	strace $0x8FFFFFFF  }
0x98: {  	s18 =	sld [smem:$0x3FDB];
	_ =	sdelay $0x1  }
0x99: {  	s19 =	simm.s32 $_scs_section_size  }
0x9a: {  	s4 =	simm.s32 $_size__tile_overlayer_lowered;
	s5 =	simm.s32 $_tile_overlayer_lowered  }
0x9b: {  	s22 =	simm.s32 $0x1BFF;
	s21 =	sshll.u32 s5, $0x1;
	s2 =	sadd.s32 s19, s18  }
0x9c: {  	s6 =	simm.s32 $0x0;
	s20 =	sshll.u32 s4, $0x1;
	s4 =	sadd.s32 s21, s2  }
0x9d: {  	[timem:s6], [sflag:s22] =	dma.local [hbm:s4], s20  }
0x9e: {  	_ =	swait.ge [sflag:s22], s20  }
0x9f: {  	s3 =	ssub.s32 $0x0, s20;
	[sflag:s22] =	ssyncset.done $0x0  }
0xa0: {  	[sflag:s22] =	ssyncadd.s32 s3;
	_ =	sdelay $0x1  }
0xa1: {  	s23 =	simm.s32 $0x1B8B  }
0xa2: {  	_ =	swait.ge [sflag:s23], $0x1  }
0xa3: {  	[sflag:s23] =	ssyncset.done $0x0  }
0xa4: {  	s25 =	simm.s32 $0x1B8E;
	s24 =	sld [smem:$0x3FFE];
	[sflag:s23] =	ssyncadd.s32 $0xFFFFFFFF  }
0xa5: {  	s26 =	simm.s32 $execute0_lowered;
	[smem:$0x3FD2] =	sst s25  }
0xa6: {  	s4 =	sshll.u32 s26, $0x1;
	_ =	strace $0x8000004F;
	[dreg:$0x1] =	wrdreg $0xFFFFFFFF  }
0xa7: {  	s28 =	simm.s32 $_size_execute0_lowered;
	s2 =	sadd.s32 s2, s4;
	[dreg:$0x0] =	wrdreg $0x0  }
0xa8: {  	s4 =	sshll.u32 s28, $0x1;
	[dreg:$0x2] =	wrdreg s2  }
0xa9: {  	[dreg:$0x3] =	wrdreg s4  }
0xaa: {  	[dreg:$0x4] =	wrdreg $0xC0  }
0xab: {  	_ =	task [dreg:s6], $0x5FFFF  }
0xac: {  	[dreg:$0x1] =	wrdreg $0xFFFFFFFF  }
0xad: {  	[dreg:$0x0] =	wrdreg $0x60  }
0xae: {  	[dreg:$0x2] =	wrdreg s24  }
0xaf: {  	[dreg:$0x3] =	wrdreg $0x90000  }
0xb0: {  	[dreg:$0x4] =	wrdreg $0x9  }
0xb1: {  	_ =	task.clear_ibuf [dreg:s6], $0x5FFFF;
	_ =	strace $0x9000004F  }
0xb2: {  	s29 =	simm.s32 $0x9;
	_ =	strace $0x80000051  }
0xb3: {  	_ =	swait.ge [sflag:s29], $0x1  }
0xb4: {  	[sflag:s29] =	ssyncadd.s32 $0xFFFFFFFF  }
0xb5: {  	_ =	strace $0x90000051  }
0xb6: {  	_ =	sfence  }
0xb7: {  	s30 =	sld [smem:$0x0];
	_ =	sdelay $0x2  }
0xb8: {  	s31 =	sshll.u32 s1, $0xD;
	s1 =	sshrl.u32 s1, $0x2  }
0xb9: {  	s3 =	sand.u32 $0x4000, s31;
	s1 =	sadd.s32 s1, s30  }
0xba: {  	s0 =	sor.u32 s3, s0;
	s1 =	sshll.u32 s1, $0x11  }
0xbb: {  	s0 =	sor.u32 s1, s0  }
0xbc: {  	s0 =	sadd.s32 $0x8F2B, s0  }
0xbd: {  	[sflag:s0] =	ssyncadd.remote.s32 $0x1  }
0xbe: {  	_ =	sfence.sel $0xFFFF  }
0xbf: {  	[dreg:$0x0] =	wrdreg $0xFFFFFFFF;
	(pc) =	sbr.abs _section_cstart, $3  }
0xc0: {  	[dreg:$0x1] =	wrdreg $0xFFFFFFFF  }
0xc1: {  	_ =	task.clear_ibuf [dreg:s6], $0x2FFFF;
	_ =	strace $0x9FFFFFFF  }
0xc2: {  	(tm) =	ssettm $0x7FFFFFFF  }
0xc3: {  	_ =	shalt  }
tec
execute0_lowered:
.L_overlay_start_1:
0x0: {  	(tag) =	ssettag $0x1  }
0x1: {  	s0 =	srdreg.scid;
	s6 =	rddreg [dreg:$0x0]  }
0x2: {  	s2 =	rddreg [dreg:$0x1];
	s26 =	stileid.u32;
	s3 =	simm.s32 $0x0  }
0x3: {  	s25 =	simm.s32 $0x5000;
	s28 =	simm.s32 $0x1;
	s29 =	simm.s32 $0x0  }
0x4: {  	s7 =	sand.u32 $0x1, s0;
	[smem:$0x7FF] =	sst s3;
	s11 =	smul.u32 $0x50000, s26  }
0x5: {  	s5 =	sadd.s32 $0x3F400, s6;
	s22 =	sadd.s32 $0x3FC00, s6;
	s18 =	smul.u32 $0x14000, s26  }
0x6: {  	s4 =	sshll.u32 s7, $0x4;
	_ =	strace $0x80000050;
	s9 =	ssub.s32 $0x2, s7  }
0x7: {  	s19 =	smul.u32 $0x140000, s7;
	s4 =	sor.u32 s26, s4;
	s10 =	sshrl.u32 s9, $0x1  }
0x8: {  	s30 =	sshrl.u32 s11, $0x2;
	s15 =	sadd.s32 $0x4000, s18;
	s20 =	sadd.s32 $0x8000, s18  }
0x9: {  	s21 =	sadd.s32 $0xC000, s18;
	s23 =	sadd.s32 $0x10000, s18;
	s26 =	simm.s32 $0x80  }
0xa: {  	s4 =	smul.u32 $0x500, s4;
	s9 =	ssub.s32 s9, s10;
	s13 =	sadd.s32 s19, s18  }
0xb: {  	s16 =	sadd.s32 s19, s15;
	s15 =	sadd.s32 s15, s2;
	s17 =	sadd.s32 s20, s2  }
0xc: {  	s20 =	sadd.s32 s19, s20;
	s31 =	sadd.s32 s19, s21;
	s24 =	sadd.s32 s19, s23  }
0xd: {  	s19 =	sadd.s32 s21, s2;
	s21 =	sadd.s32 s23, s2;
	s23 =	simm.s32 $0x2  }
0xe: {  	s9 =	smax.u32 s9, $0x1;
	s14 =	sshrl.u32 s13, $0x3;
	s16 =	sshrl.u32 s16, $0x3  }
0xf: {  	s20 =	sshrl.u32 s20, $0x3;
	s24 =	sshrl.u32 s24, $0x3;
	s8 =	sadd.s32 s4, s6  }
0x10: {  	s4 =	sadd.s32 $0x17400, s6;
	s14 =	sadd.s32 s22, s14;
	s16 =	sadd.s32 s22, s16  }
0x11: {  	s18 =	sadd.s32 s22, s20;
	s20 =	sshrl.u32 s31, $0x3;
	s6 =	sadd.s32 $0x3400, s8  }
0x12: {  	s7 =	sadd.s32 $0xD400, s8;
	s8 =	sadd.s32 s30, s2;
	s20 =	sadd.s32 s22, s20  }
0x13: {  	s22 =	sadd.s32 s22, s24;
	s24 =	simm.s32 $0x2800;
	s10 =	sadd.s32 $0x4000, s8  }
0x14: {  	s11 =	sadd.s32 $0x8000, s8;
	s12 =	sadd.s32 $0xC000, s8;
	s13 =	sadd.s32 $0x10000, s8  }
.LBB2_1:
0x15: {  	[tilespmem:s3], [sflag:$0x2] =	stream.linear.gather [hbm4b:s6+s3], $0x2800, $0x38;
	[tilespmem:$0x1D000] =	vst v63  }
0x16: {  	_ =	swait.ge [sflag:s23], $0x2800  }
0x17: {  	[sflag:s23] =	ssyncset.done $0x0  }
0x18: {  	[sflag:s23] =	ssyncadd.s32 $0xFFFFD800  }
0x19: {  	[tilespmem:s24], [sflag:$0x2] =	stream.linear.gather [hbm4b:s7+s3], $0x2800, $0x38;
	[tilespmem:$0x1D000] =	vst v63  }
0x1a: {  	_ =	swait.ge [sflag:s23], $0x2800  }
0x1b: {  	[sflag:s23] =	ssyncset.done $0x0  }
0x1c: {  	[sflag:s23] =	ssyncadd.s32 $0xFFFFD800  }
0x1d: {  	[tilespmem:s25], [sflag:$0x2] =	stream.linear.gather [hbm4b:s5+s3], $0x4000, $0x38;
	[tilespmem:$0x1D000] =	vst v63  }
0x1e: {  	_ =	swait.ge [sflag:s23], $0x4000  }
0x1f: {  	[sflag:s23] =	ssyncset.done $0x0  }
0x20: {  	[sflag:s23] =	ssyncadd.s32 $0xFFFFC000  }
0x21: {  	[spmem:s8] =	stream.linear.scatter [tilespmem:s25], [sflag:$0x2], $0x4000, $0x38;
	[tilespmem:$0x1D000] =	vst v63  }
0x22: {  	_ =	swait.ge [sflag:s23], $0x4000  }
0x23: {  	[sflag:s23] =	ssyncset.done $0x0  }
0x24: {  	[sflag:s23] =	ssyncadd.s32 $0xFFFFC000  }
0x25: {  	[spmem:s10] =	stream.linear.scatter [tilespmem:s25], [sflag:$0x2], $0x4000, $0x38;
	[tilespmem:$0x1D000] =	vst v63  }
0x26: {  	_ =	swait.ge [sflag:s23], $0x4000  }
0x27: {  	[sflag:s23] =	ssyncset.done $0x0  }
0x28: {  	[sflag:s23] =	ssyncadd.s32 $0xFFFFC000  }
0x29: {  	[spmem:s11] =	stream.linear.scatter [tilespmem:s25], [sflag:$0x2], $0x4000, $0x38;
	[tilespmem:$0x1D000] =	vst v63  }
0x2a: {  	_ =	swait.ge [sflag:s23], $0x4000  }
0x2b: {  	[sflag:s23] =	ssyncset.done $0x0  }
0x2c: {  	[sflag:s23] =	ssyncadd.s32 $0xFFFFC000  }
0x2d: {  	[spmem:s12] =	stream.linear.scatter [tilespmem:s25], [sflag:$0x2], $0x4000, $0x38;
	[tilespmem:$0x1D000] =	vst v63  }
0x2e: {  	_ =	swait.ge [sflag:s23], $0x4000  }
0x2f: {  	[sflag:s23] =	ssyncset.done $0x0  }
0x30: {  	[sflag:s23] =	ssyncadd.s32 $0xFFFFC000  }
0x31: {  	[spmem:s13] =	stream.linear.scatter [tilespmem:s25], [sflag:$0x2], $0x4000, $0x38;
	[tilespmem:$0x1D000] =	vst v63  }
0x32: {  	_ =	swait.ge [sflag:s23], $0x4000  }
0x33: {  	[sflag:s23] =	ssyncset.done $0x0  }
0x34: {  	[sflag:s23] =	ssyncadd.s32 $0xFFFFC000  }
0x35: {  	s30 =	simm.s32 $0x0;
	[bflag:$0x0] =	sbarrier.arrive $0xFFFF  }
0x36: {  	[tilespmem:s25], [sflag:$0x1] =	stream.indirect.gather [hbm4b:s4+s26], $0x80, s30, s26, $0xb8;
	[tilespmem:$0x1D000] =	vst v63  }
0x37: {  	_ =	swait.ge [sflag:s28], $0x4000  }
0x38: {  	[sflag:s28] =	ssyncset.done $0x0  }
0x39: {  	s30 =	simm.s32 $0x2800;
	[sflag:s28] =	ssyncadd.s32 $0xFFFFC000  }
0x3a: {  	[spmem:s2] =	stream.indirect.scatter.add.f32 [tilespmem:s25], [sflag:$0x2], $0x80, s30, s26, $0xb8;
	[tilespmem:$0x1D000] =	vst v63  }
0x3b: {  	_ =	swait.ge [sflag:s23], $0x4000  }
0x3c: {  	s31 =	simm.s32 $0x400;
	s30 =	simm.s32 $0x200;
	[sflag:s23] =	ssyncset.done $0x0  }
.LBB2_2:
0x3d: {  	s0 =	sshra.s32 s30, $0x2  }
0x3e: {  	[sflag:s23] =	ssyncadd.s32 $0xFFFFC000;
	s30 =	smov.u32 s31;
	s1 =	sadd.s32 $0x200, s31  }
0x3f: {  	[tilespmem:s25], [sflag:$0x1] =	stream.indirect.gather [hbm4b:s4+s26], $0x80, s0, s26, $0xb8;
	[tilespmem:$0x1D000] =	vst v63  }
0x40: {  	p0 =	sne.s32 s31, $0x9E00;
	_ =	swait.ge [sflag:s28], $0x4000  }
.Ltmp0:
0x41: {  	[sflag:s28] =	ssyncset.done $0x0;
	(pc) =	sbr.rel @p0 .LBB2_2-.Ltmp0, $4  }
0x42: {  	s0 =	sadd.s32 $0x2800, s0;
	[sflag:s28] =	ssyncadd.s32 $0xFFFFC000  }
0x43: {  	[spmem:s2] =	stream.indirect.scatter.add.f32 [tilespmem:s25], [sflag:$0x2], $0x80, s0, s26, $0xb8;
	[tilespmem:$0x1D000] =	vst v63  }
0x44: {  	_ =	swait.ge [sflag:s23], $0x4000  }
0x45: {  	s31 =	smov.u32 s1;
	[sflag:s23] =	ssyncset.done $0x0  }
0x46: {  	s0 =	sshra.s32 s30, $0x2;
	[sflag:s23] =	ssyncadd.s32 $0xFFFFC000  }
0x47: {  	[tilespmem:s25], [sflag:$0x1] =	stream.indirect.gather [hbm4b:s4+s26], $0x80, s0, s26, $0xb8;
	[tilespmem:$0x1D000] =	vst v63  }
0x48: {  	_ =	swait.ge [sflag:s28], $0x4000  }
0x49: {  	[sflag:s28] =	ssyncset.done $0x0  }
0x4a: {  	s0 =	sadd.s32 $0x2800, s0;
	[sflag:s28] =	ssyncadd.s32 $0xFFFFC000  }
0x4b: {  	[spmem:s2] =	stream.indirect.scatter.add.f32 [tilespmem:s25], [sflag:$0x2], $0x80, s0, s26, $0xb8;
	[tilespmem:$0x1D000] =	vst v63  }
0x4c: {  	_ =	swait.ge [sflag:s23], $0x4000  }
0x4d: {  	[sflag:s23] =	ssyncset.done $0x0  }
0x4e: {  	[sflag:s23] =	ssyncadd.s32 $0xFFFFC000  }
0x4f: {  	[bflag:$0x0] =	sbarrier.arrive $0xFFFF  }
0x50: {  	[tilespmem:s25], [sflag:$0x2] =	stream.linear.gather [spmem:s8], $0x4000, $0x38;
	[tilespmem:$0x1D000] =	vst v63  }
0x51: {  	_ =	swait.ge [sflag:s23], $0x4000  }
0x52: {  	[sflag:s23] =	ssyncset.done $0x0  }
0x53: {  	[sflag:s23] =	ssyncadd.s32 $0xFFFFC000  }
0x54: {  	[hbm4b:s14+s3] =	stream.linear.scatter [tilespmem:s25], [sflag:$0x2], $0x4000, $0x38;
	[tilespmem:$0x1D000] =	vst v63  }
0x55: {  	_ =	swait.ge [sflag:s23], $0x4000  }
0x56: {  	[sflag:s23] =	ssyncset.done $0x0  }
0x57: {  	[sflag:s23] =	ssyncadd.s32 $0xFFFFC000  }
0x58: {  	[tilespmem:s25], [sflag:$0x2] =	stream.linear.gather [spmem:s15], $0x4000, $0x38;
	[tilespmem:$0x1D000] =	vst v63  }
0x59: {  	_ =	swait.ge [sflag:s23], $0x4000  }
0x5a: {  	[sflag:s23] =	ssyncset.done $0x0  }
0x5b: {  	[sflag:s23] =	ssyncadd.s32 $0xFFFFC000  }
0x5c: {  	[hbm4b:s16+s3] =	stream.linear.scatter [tilespmem:s25], [sflag:$0x2], $0x4000, $0x38;
	[tilespmem:$0x1D000] =	vst v63  }
0x5d: {  	_ =	swait.ge [sflag:s23], $0x4000  }
0x5e: {  	[sflag:s23] =	ssyncset.done $0x0  }
0x5f: {  	[sflag:s23] =	ssyncadd.s32 $0xFFFFC000  }
0x60: {  	[tilespmem:s25], [sflag:$0x2] =	stream.linear.gather [spmem:s17], $0x4000, $0x38;
	[tilespmem:$0x1D000] =	vst v63  }
0x61: {  	_ =	swait.ge [sflag:s23], $0x4000  }
0x62: {  	[sflag:s23] =	ssyncset.done $0x0  }
0x63: {  	[sflag:s23] =	ssyncadd.s32 $0xFFFFC000  }
0x64: {  	[hbm4b:s18+s3] =	stream.linear.scatter [tilespmem:s25], [sflag:$0x2], $0x4000, $0x38;
	[tilespmem:$0x1D000] =	vst v63  }
0x65: {  	_ =	swait.ge [sflag:s23], $0x4000  }
0x66: {  	[sflag:s23] =	ssyncset.done $0x0  }
0x67: {  	[sflag:s23] =	ssyncadd.s32 $0xFFFFC000  }
0x68: {  	[tilespmem:s25], [sflag:$0x2] =	stream.linear.gather [spmem:s19], $0x4000, $0x38;
	[tilespmem:$0x1D000] =	vst v63  }
0x69: {  	_ =	swait.ge [sflag:s23], $0x4000  }
0x6a: {  	[sflag:s23] =	ssyncset.done $0x0  }
0x6b: {  	[sflag:s23] =	ssyncadd.s32 $0xFFFFC000  }
0x6c: {  	[hbm4b:s20+s3] =	stream.linear.scatter [tilespmem:s25], [sflag:$0x2], $0x4000, $0x38;
	[tilespmem:$0x1D000] =	vst v63  }
0x6d: {  	_ =	swait.ge [sflag:s23], $0x4000  }
0x6e: {  	[sflag:s23] =	ssyncset.done $0x0  }
0x6f: {  	[sflag:s23] =	ssyncadd.s32 $0xFFFFC000  }
0x70: {  	[tilespmem:s25], [sflag:$0x2] =	stream.linear.gather [spmem:s21], $0x4000, $0x38;
	[tilespmem:$0x1D000] =	vst v63  }
0x71: {  	s29 =	sadd.s32 $0x1, s29;
	_ =	swait.ge [sflag:s23], $0x4000  }
0x72: {  	p0 =	sne.s32 s29, s9;
	[sflag:s23] =	ssyncset.done $0x0  }
.Ltmp1:
0x73: {  	[sflag:s23] =	ssyncadd.s32 $0xFFFFC000;
	(pc) =	sbr.rel @p0 .LBB2_1-.Ltmp1, $4  }
0x74: {  	[hbm4b:s22+s3] =	stream.linear.scatter [tilespmem:s25], [sflag:$0x2], $0x4000, $0x38;
	[tilespmem:$0x1D000] =	vst v63  }
0x75: {  	_ =	swait.ge [sflag:s23], $0x4000  }
0x76: {  	[sflag:s23] =	ssyncset.done $0x0  }
0x77: {  	[sflag:s23] =	ssyncadd.s32 $0xFFFFC000  }
0x78: {  	_ =	sfence.sel $0x180000  }
0x79: {  	[bflag:$0x0] =	sbarrier.arrive $0xFFFF  }
0x7a: {  	_ =	strace $0x90000050  }
0x7b: {  	s0 =	stileid.u32;
	[bflag:$0x2] =	sbarrier.arrive $0xFFFF  }
0x7c: {  	p0 =	sne.s32 s0, $0x0;
	s0 =	rddreg [dreg:$0x2]  }
0x7d: {  	s0 =	sadd.s32 @!p0 $0x100000, s0  }
0x7e: {  	[sflag:s0] =	ssyncadd.tile.s32 @!p0 $0x1;
	_ =	shalt  }
.Lfunc_end2:
_tile_overlayer_lowered:
.L_overlay_start_2:
0x7f: {  	(tag) =	ssettag $0x2  }
0x80: {  	s0 =	rddreg [dreg:$0x0];
	s2 =	stileid.u32  }
0x81: {  	s1 =	rddreg [dreg:$0x1];
	p0 =	sne.s32 s2, $0x0  }
0x82: {  	s3 =	rddreg [dreg:$0x2];
	[bflag:$0x3] =	sbarrier.arrive $0xFFFF;
	s2 =	simm.s32 @!p0 $0x1C02  }
0x83: {  	[timem:s3], [sflag:s2] =	dma.local @!p0 [hbm:s0], s1  }
0x84: {  	s0 =	simm.s32 @!p0 $0x2  }
0x85: {  	_ =	swait.ge @!p0 [sflag:s0], s1  }
0x86: {  	s1 =	ssub.s32 @!p0 $0x0, s1;
	[sflag:s0] =	ssyncset.done @!p0 $0x0  }
0x87: {  	[sflag:s0] =	ssyncadd.s32 @!p0 s1  }
0x88: {  	[bflag:$0x3] =	sbarrier.arrive $0xFFFF  }
0x89: {  	_ =	shalt  }

// kernel: kernel.25.cloned.1.call-start
scs
__scs_entry_jumppad:
0x0: {  	(pc) =	sbr.rel $0x88, $3  }
0x1: {  	(tag) =	ssettag $0x0;
	lr =	simm.s32 $0x1  }
0x2: {  	[smem:$0x3F95] =	sst lr;
	_ =	strace $0xD0000000  }
0x3: {  	_ = 	snop  }
0x4: {  	_ = 	snop  }
0x5: {  	_ = 	snop  }
0x6: {  	_ = 	snop  }
0x7: {  	_ = 	snop  }
__scs_overlays_trampoline_lowered:
0x8: {  	[smem:$0x3FA4] =	sst s0  }
0x9: {  	[smem:$0x3FA5] =	sst s1  }
0xa: {  	[smem:$0x3FA6] =	sst s2  }
0xb: {  	[smem:$0x3FA7] =	sst s3  }
0xc: {  	[smem:$0x3FA8] =	sst s4  }
0xd: {  	[smem:$0x3FA9] =	sst s5  }
0xe: {  	[smem:$0x3FAA] =	sst s6  }
0xf: {  	[smem:$0x3FAB] =	sst s7  }
0x10: {  	[smem:$0x3FAC] =	sst s8  }
0x11: {  	[smem:$0x3FAD] =	sst s9;
	s0 =	simm.s32 @!p0 $0x0  }
0x12: {  	s1 =	sld [smem:$0x3F93];
	s0 =	simm.s32 @p0 $0x1  }
0x13: {  	[smem:$0x3FAE] =	sst s0;
	s0 =	simm.s32 @!p1 $0x0  }
0x14: {  	s2 =	sld [smem:$0x3F92];
	s0 =	simm.s32 @p1 $0x1  }
0x15: {  	[smem:$0x3FAF] =	sst s0;
	s0 =	simm.s32 @!p2 $0x0  }
0x16: {  	s3 =	sld [smem:$0x3FDB];
	s0 =	simm.s32 @p2 $0x1  }
0x17: {  	s4 =	simm.s32 $0x1BF5;
	[smem:$0x3FB1] =	sst s0  }
0x18: {  	s0 =	sld [smem:$0x3F94];
	_ =	swait.ge [sflag:s4], $0x0  }
0x19: {  	s7 =	sld [smem:$0x3F95]  }
0x1a: {  	s8 =	sadd.s32 $0xFFFFE003, lr  }
0x1b: {  	s9 =	sadd.s32 $0xFFFFFEF7, lr;
	s5 =	simm.s32 $0xFFFFFFFF;
	p2 =	slt.u32 s8, $0xFFFFF086  }
0x1c: {  	p1 =	slt.u32 s9, $0xF7A;
	s5 =	simm.s32 @!p2 $0x0  }
0x1d: {  	s5 =	simm.s32 @p1 $0x1;
	p0 =	seq.s32 s7, s2  }
0x1e: {  	s7 =	smul.u32 @!p0 $0xF7A, s2;
	p2 =	seq.s32 @!p0 s5, $0x0  }
0x1f: {  	s9 =	smul.u32 $0xF7A, s1;
	s8 =	simm.s32 @!p0 $0x1BF5;
	p2 =	por !p2, p0  }
0x20: {  	[sflag:s8] =	ssyncset.s32 @!p0 $0xFFFFF086;
	s6 =	sadd.s32 @!p0 s3, s7;
	s7 =	simm.s32 @!p0 $0x108  }
0x21: {  	s3 =	sadd.s32 s3, s9;
	s6 =	sadd.s32 @!p0 $0x88, s6;
	s7 =	simm.s32 @p2 $0x1082  }
0x22: {  	[simem:s7], [sflag:s8] =	dma.local @!p0 [hbm:s6], $0xF7A  }
0x23: {  	s9 =	sor.u32 $0xD0000000, s2;
	s6 =	simm.s32 $0x108;
	_ =	swait.ge @!p0 [sflag:s8], $0x0  }
0x24: {  	s3 =	sadd.s32 $0x88, s3;
	s6 =	simm.s32 @!p1 $0x1082;
	[sflag:s4] =	ssyncset.s32 $0xFFFFF086  }
0x25: {  	[simem:s6], [sflag:s4] =	dma.local [hbm:s3], $0xF7A  }
0x26: {  	[smem:$0x3F95] =	sst s1;
	(tag) =	ssettag s2;
	_ =	strace s9  }
0x27: {  	s1 =	sld [smem:$0x3FA5]  }
0x28: {  	s2 =	sld [smem:$0x3FA6]  }
0x29: {  	s4 =	sld [smem:$0x3FA8]  }
0x2a: {  	p0 =	seq.s32 s5, $0x0;
	s5 =	sld [smem:$0x3FA9]  }
0x2b: {  	s6 =	sld [smem:$0x3FAA]  }
0x2c: {  	s7 =	sld [smem:$0x3FAB]  }
0x2d: {  	s3 =	simm.s32 $0x108;
	s8 =	sld [smem:$0x3FAC]  }
0x2e: {  	s3 =	simm.s32 @!p0 $0x1082;
	s9 =	sld [smem:$0x3FAD]  }
0x2f: {  	lr =	sadd.s32 s0, s3;
	s0 =	sld [smem:$0x3FA4]  }
0x30: {  	s3 =	sld [smem:$0x3FA7]  }
0x31: {  	[smem:$0x3FB0] =	sst s10  }
0x32: {  	s10 =	sld [smem:$0x3FAE];
	_ =	sdelay $0x3  }
0x33: {  	p0 =	seq.s32 s10, $0x1;
	s10 =	sld [smem:$0x3FB0];
	_ =	sdelay $0x3  }
0x34: {  	[smem:$0x3FB0] =	sst s10  }
0x35: {  	s10 =	sld [smem:$0x3FAF];
	_ =	sdelay $0x3  }
0x36: {  	p1 =	seq.s32 s10, $0x1;
	s10 =	sld [smem:$0x3FB0];
	_ =	sdelay $0x3  }
0x37: {  	[smem:$0x3FB0] =	sst s10  }
0x38: {  	s10 =	sld [smem:$0x3FB1]  }
0x39: {  	_ = 	snop;
	(pc) =	sbr.ind lr, $3  }
0x3a: {  	_ = 	snop  }
0x3b: {  	_ = 	snop  }
0x3c: {  	p2 =	seq.s32 s10, $0x1;
	s10 =	sld [smem:$0x3FB0]  }
0x3d: {  	_ =	shalt  }
0x3e: {  	_ =	shalt  }
0x3f: {  	_ =	shalt  }
0x40: {  	_ =	shalt  }
0x41: {  	_ =	shalt  }
0x42: {  	_ =	shalt  }
0x43: {  	_ =	shalt  }
0x44: {  	_ =	shalt  }
0x45: {  	_ =	shalt  }
0x46: {  	_ =	shalt  }
0x47: {  	_ =	shalt  }
0x48: {  	_ =	shalt  }
0x49: {  	_ =	shalt  }
0x4a: {  	_ =	shalt  }
0x4b: {  	_ =	shalt  }
0x4c: {  	_ =	shalt  }
0x4d: {  	_ =	shalt  }
0x4e: {  	_ =	shalt  }
0x4f: {  	_ =	shalt  }
0x50: {  	_ =	shalt  }
0x51: {  	_ =	shalt  }
0x52: {  	_ =	shalt  }
0x53: {  	_ =	shalt  }
0x54: {  	_ =	shalt  }
0x55: {  	_ =	shalt  }
0x56: {  	_ =	shalt  }
0x57: {  	_ =	shalt  }
0x58: {  	_ =	shalt  }
0x59: {  	_ =	shalt  }
0x5a: {  	_ =	shalt  }
0x5b: {  	_ =	shalt  }
0x5c: {  	_ =	shalt  }
0x5d: {  	_ =	shalt  }
0x5e: {  	_ =	shalt  }
0x5f: {  	_ =	shalt  }
0x60: {  	_ =	shalt  }
0x61: {  	_ =	shalt  }
0x62: {  	_ =	shalt  }
0x63: {  	_ =	shalt  }
0x64: {  	_ =	shalt  }
0x65: {  	_ =	shalt  }
0x66: {  	_ =	shalt  }
0x67: {  	_ =	shalt  }
0x68: {  	_ =	shalt  }
0x69: {  	_ =	shalt  }
0x6a: {  	_ =	shalt  }
0x6b: {  	_ =	shalt  }
0x6c: {  	_ =	shalt  }
0x6d: {  	_ =	shalt  }
0x6e: {  	_ =	shalt  }
0x6f: {  	_ =	shalt  }
0x70: {  	_ =	shalt  }
0x71: {  	_ =	shalt  }
0x72: {  	_ =	shalt  }
0x73: {  	_ =	shalt  }
0x74: {  	_ =	shalt  }
0x75: {  	_ =	shalt  }
0x76: {  	_ =	shalt  }
0x77: {  	_ =	shalt  }
0x78: {  	_ =	shalt  }
0x79: {  	_ =	shalt  }
0x7a: {  	_ =	shalt  }
0x7b: {  	_ =	shalt  }
0x7c: {  	_ =	shalt  }
0x7d: {  	_ =	shalt  }
0x7e: {  	_ =	shalt  }
0x7f: {  	_ =	shalt  }
0x80: {  	_ =	shalt  }
0x81: {  	_ =	shalt  }
0x82: {  	_ =	shalt  }
0x83: {  	_ =	shalt  }
0x84: {  	_ =	shalt  }
0x85: {  	_ =	shalt  }
0x86: {  	_ =	shalt  }
0x87: {  	_ =	shalt  }
.Lfunc_end0:
.L_simem_size_0:
called_computation.4_lowered:
.L_overlay_start_0:
0x88: {  	s2 =	sld [smem:$0x3FD9]  }
0x89: {  	s3 =	sld [smem:$0x3FFE];
	_ =	sdelay $0x1  }
0x8a: {  	s1 =	srdreg.scid  }
0x8b: {  	s0 =	sand.u32 $0x1, s1  }
0x8c: {  	s16 =	sshll.u32 s0, $0xA;
	s2 =	sadd.s32 s3, s2  }
0x8d: {  	s2 =	sadd.s32 s2, s16  }
0x8e: {  	[smem:$0x3FBC] =	sst s2  }
0x8f: {  	_ = 	snop  }
0x90: {  	(tm) =	ssettm $0x1  }
0x91: {  	s17 =	sld [smem:$0x3FFB];
	_ =	sdelay $0x3  }
0x92: {  	_ =	strace s17  }
0x93: {  	s2 =	sld [smem:$0x3FFC];
	_ =	sdelay $0x3  }
0x94: {  	_ =	strace s2  }
0x95: {  	s2 =	sld [smem:$0x3FFD];
	_ =	sdelay $0x3  }
0x96: {  	_ =	strace s2  }
0x97: {  	_ =	strace $0x8FFFFFFF  }
0x98: {  	s18 =	sld [smem:$0x3FDB];
	_ =	sdelay $0x1  }
0x99: {  	s19 =	simm.s32 $_scs_section_size  }
0x9a: {  	s4 =	simm.s32 $_size__tile_overlayer_lowered;
	s5 =	simm.s32 $_tile_overlayer_lowered  }
0x9b: {  	s22 =	simm.s32 $0x1BFF;
	s21 =	sshll.u32 s5, $0x1;
	s2 =	sadd.s32 s19, s18  }
0x9c: {  	s6 =	simm.s32 $0x0;
	s20 =	sshll.u32 s4, $0x1;
	s4 =	sadd.s32 s21, s2  }
0x9d: {  	[timem:s6], [sflag:s22] =	dma.local [hbm:s4], s20  }
0x9e: {  	_ =	swait.ge [sflag:s22], s20  }
0x9f: {  	s3 =	ssub.s32 $0x0, s20;
	[sflag:s22] =	ssyncset.done $0x0  }
0xa0: {  	[sflag:s22] =	ssyncadd.s32 s3;
	_ =	sdelay $0x1  }
0xa1: {  	s23 =	simm.s32 $0x1B8B  }
0xa2: {  	_ =	swait.ge [sflag:s23], $0x1  }
0xa3: {  	[sflag:s23] =	ssyncset.done $0x0  }
0xa4: {  	s25 =	simm.s32 $0x1B8E;
	s24 =	sld [smem:$0x3FFE];
	[sflag:s23] =	ssyncadd.s32 $0xFFFFFFFF  }
0xa5: {  	s26 =	simm.s32 $execute0_lowered;
	[smem:$0x3FD2] =	sst s25  }
0xa6: {  	s4 =	sshll.u32 s26, $0x1;
	_ =	strace $0x80000052;
	[dreg:$0x1] =	wrdreg $0xFFFFFFFF  }
0xa7: {  	s28 =	simm.s32 $_size_execute0_lowered;
	s2 =	sadd.s32 s2, s4;
	[dreg:$0x0] =	wrdreg $0x0  }
0xa8: {  	s4 =	sshll.u32 s28, $0x1;
	[dreg:$0x2] =	wrdreg s2  }
0xa9: {  	[dreg:$0x3] =	wrdreg s4  }
0xaa: {  	[dreg:$0x4] =	wrdreg $0xC0  }
0xab: {  	_ =	task [dreg:s6], $0x5FFFF  }
0xac: {  	[dreg:$0x1] =	wrdreg $0xFFFFFFFF  }
0xad: {  	[dreg:$0x0] =	wrdreg $0x60  }
0xae: {  	[dreg:$0x2] =	wrdreg s24  }
0xaf: {  	[dreg:$0x3] =	wrdreg $0x9  }
0xb0: {  	_ =	task.clear_ibuf [dreg:s6], $0x4FFFF;
	_ =	strace $0x90000052  }
0xb1: {  	s29 =	simm.s32 $0x9;
	_ =	strace $0x80000054  }
0xb2: {  	_ =	swait.ge [sflag:s29], $0x1  }
0xb3: {  	[sflag:s29] =	ssyncadd.s32 $0xFFFFFFFF  }
0xb4: {  	_ =	strace $0x90000054  }
0xb5: {  	_ =	sfence  }
0xb6: {  	s30 =	sld [smem:$0x0];
	_ =	sdelay $0x2  }
0xb7: {  	s31 =	sshll.u32 s1, $0xD;
	s1 =	sshrl.u32 s1, $0x2  }
0xb8: {  	s3 =	sand.u32 $0x4000, s31;
	s1 =	sadd.s32 s1, s30  }
0xb9: {  	s0 =	sor.u32 s3, s0;
	s1 =	sshll.u32 s1, $0x11  }
0xba: {  	s0 =	sor.u32 s1, s0  }
0xbb: {  	s0 =	sadd.s32 $0x8F2B, s0  }
0xbc: {  	[sflag:s0] =	ssyncadd.remote.s32 $0x1  }
0xbd: {  	_ =	sfence.sel $0xFFFF  }
0xbe: {  	[dreg:$0x0] =	wrdreg $0xFFFFFFFF;
	(pc) =	sbr.abs _section_cstart, $3  }
0xbf: {  	[dreg:$0x1] =	wrdreg $0xFFFFFFFF  }
0xc0: {  	_ =	task.clear_ibuf [dreg:s6], $0x2FFFF;
	_ =	strace $0x9FFFFFFF  }
0xc1: {  	(tm) =	ssettm $0x7FFFFFFF  }
tec
execute0_lowered:
.L_overlay_start_1:
0x0: {  	(tag) =	ssettag $0x1  }
0x1: {  	s0 =	srdreg.scid  }
0x2: {  	s9 =	rddreg [dreg:$0x0];
	s7 =	simm.s32 $0x80;
	s6 =	sand.u32 $0x1, s0  }
0x3: {  	s8 =	simm.s32 $0x1;
	s0 =	stileid.u32;
	s1 =	sshll.u32 s6, $0x4  }
0x4: {  	s5 =	sadd.s32 $0x3400, s9;
	s2 =	sshll.u32 s0, $0x4;
	s10 =	sor.u32 s0, s1  }
0x5: {  	s1 =	rddreg [dreg:$0x1];
	s3 =	sand.u32 $0x70, s2;
	s4 =	sshll.u32 s10, $0x4  }
0x6: {  	s2 =	simm.s32 $0x0;
	s3 =	sadd.s32 s3, s9;
	s4 =	sand.u32 $0x180, s4  }
0x7: {  	s11 =	ssub.s32 $0x2, s6;
	[smem:$0x7FF] =	sst s2;
	s3 =	sadd.s32 s4, s3  }
0x8: {  	_ =	strace $0x80000053;
	s4 =	sadd.s32 $0x8FC00, s3;
	s3 =	simm.s32 $0x2  }
0x9: {  	[tilespmem:s2], [sflag:$0x2] =	stream.linear.gather [hbm4b:s4+s2], $0x80, $0x38;
	[tilespmem:$0x2080] =	vst v63  }
0xa: {  	s6 =	simm.s32 $0x40;
	s12 =	sshrl.u32 s11, $0x1;
	_ =	swait.ge [sflag:s3], $0x80  }
0xb: {  	s10 =	sshll.u32 s10, $0xA;
	s31 =	ssub.s32 s11, s12;
	[sflag:s3] =	ssyncset.done $0x0  }
0xc: {  	s9 =	sadd.s32 s10, s9;
	s10 =	smax.u32 s31, $0x1;
	[sflag:s3] =	ssyncadd.s32 $0xFFFFFF80  }
0xd: {  	[tilespmem:s7], [sflag:$0x1] =	stream.indirect.gather [hbm4b:s5+s6], $0x80, s2, s6, $0xb8;
	[tilespmem:$0x2080] =	vst v63  }
0xe: {  	p0 =	sne.s32 s10, $0x1;
	_ =	swait.ge [sflag:s8], $0x2000  }
.Ltmp0:
0xf: {  	[sflag:s8] =	ssyncset.done $0x0;
	(pc) =	sbr.rel @!p0 .LBB2_2-.Ltmp0, $4  }
0x10: {  	s9 =	sadd.s32 $0x2B400, s9;
	[sflag:s8] =	ssyncadd.s32 $0xFFFFE000  }
0x11: {  	[hbm4b:s9+s2] =	stream.linear.scatter [tilespmem:s7], [sflag:$0x2], $0x2000, $0x38;
	[tilespmem:$0x2080] =	vst v63  }
0x12: {  	_ =	swait.ge [sflag:s3], $0x2000  }
0x13: {  	s10 =	sadd.s32 $0xFFFFFFFF, s10;
	[sflag:s3] =	ssyncset.done $0x0  }
.LBB2_1:
0x14: {  	p0 =	sne.s32 s10, $0x1;
	s10 =	sadd.s32 $0xFFFFFFFF, s10;
	[sflag:s3] =	ssyncadd.s32 $0xFFFFE000  }
0x15: {  	[tilespmem:s2], [sflag:$0x2] =	stream.linear.gather [hbm4b:s4+s2], $0x80, $0x38;
	[tilespmem:$0x2080] =	vst v63  }
0x16: {  	_ =	swait.ge [sflag:s3], $0x80  }
0x17: {  	[sflag:s3] =	ssyncset.done $0x0  }
0x18: {  	[sflag:s3] =	ssyncadd.s32 $0xFFFFFF80  }
0x19: {  	[tilespmem:s7], [sflag:$0x1] =	stream.indirect.gather [hbm4b:s5+s6], $0x80, s2, s6, $0xb8;
	[tilespmem:$0x2080] =	vst v63  }
0x1a: {  	_ =	swait.ge [sflag:s8], $0x2000  }
.Ltmp1:
0x1b: {  	[sflag:s8] =	ssyncset.done $0x0;
	(pc) =	sbr.rel @p0 .LBB2_1-.Ltmp1, $4  }
0x1c: {  	[sflag:s8] =	ssyncadd.s32 $0xFFFFE000  }
0x1d: {  	[hbm4b:s9+s2] =	stream.linear.scatter [tilespmem:s7], [sflag:$0x2], $0x2000, $0x38;
	[tilespmem:$0x2080] =	vst v63  }
0x1e: {  	_ =	swait.ge [sflag:s3], $0x2000  }
0x1f: {  	[sflag:s3] =	ssyncset.done $0x0  }
.LBB2_2:
0x20: {  	[sflag:s3] =	ssyncadd.s32 $0xFFFFE000  }
0x21: {  	_ =	sfence.sel $0x180000  }
0x22: {  	[bflag:$0x0] =	sbarrier.arrive $0xFFFF  }
0x23: {  	p0 =	sne.s32 s0, $0x0;
	_ =	strace $0x90000053  }
0x24: {  	s0 =	sadd.s32 @!p0 $0x100000, s1;
	[bflag:$0x2] =	sbarrier.arrive $0xFFFF  }
0x25: {  	[sflag:s0] =	ssyncadd.tile.s32 @!p0 $0x1;
	_ =	shalt  }
.Lfunc_end2:
_tile_overlayer_lowered:
.L_overlay_start_2:
0x26: {  	(tag) =	ssettag $0x2  }
0x27: {  	s0 =	rddreg [dreg:$0x0];
	s2 =	stileid.u32  }
0x28: {  	s1 =	rddreg [dreg:$0x1];
	p0 =	sne.s32 s2, $0x0  }
0x29: {  	s3 =	rddreg [dreg:$0x2];
	[bflag:$0x3] =	sbarrier.arrive $0xFFFF;
	s2 =	simm.s32 @!p0 $0x1C02  }
0x2a: {  	[timem:s3], [sflag:s2] =	dma.local @!p0 [hbm:s0], s1  }
0x2b: {  	s0 =	simm.s32 @!p0 $0x2  }
0x2c: {  	_ =	swait.ge @!p0 [sflag:s0], s1  }
0x2d: {  	s1 =	ssub.s32 @!p0 $0x0, s1;
	[sflag:s0] =	ssyncset.done @!p0 $0x0  }
0x2e: {  	[sflag:s0] =	ssyncadd.s32 @!p0 s1  }
0x2f: {  	[bflag:$0x3] =	sbarrier.arrive $0xFFFF  }
0x30: {  	_ =	shalt  }

</sc_bundles>
